<compile_context>
chip_gen: v7x
topology: tpu7x:2x2x1
jax: 0.10.2.dev20260603
libtpu: 0.0.44.dev20260713+nightly
codegen_flags: <defaults>
</compile_context>

<pallas_src>
import functools

import jax
import jax.numpy as jnp
from jax import lax
from jax.experimental import pallas as pl
from jax.experimental.pallas import tpu as pltpu
from jax.experimental.pallas import tpu_sc as plsc

D = 128
E = 320000
NC = 2
NS = 16
L = 16
NW = NC * NS
EW = E // NW
CB = 200
NCHUNK = EW // CB
NG = (CB + L - 1) // L
OB = NG * L


def _make_decoder():
    mesh = plsc.VectorSubcoreMesh(core_axis_name="c", subcore_axis_name="s")

    @functools.partial(
        pl.kernel,
        mesh=mesh,
        compiler_params=pltpu.CompilerParams(needs_layout_passes=False),
        out_type=jax.ShapeDtypeStruct((E,), jnp.float32),
        scratch_types=[
            pltpu.VMEM((EW,), jnp.int32),
            pltpu.VMEM((EW,), jnp.int32),
            pltpu.VMEM((CB, D), jnp.float32),
            pltpu.VMEM((CB, D), jnp.float32),
            pltpu.VMEM((CB, D), jnp.float32),
            pltpu.VMEM((CB, D), jnp.float32),
            pltpu.VMEM((OB,), jnp.float32),
            pltpu.VMEM((OB,), jnp.float32),
            pltpu.SemaphoreType.DMA,
            pltpu.SemaphoreType.DMA,
            pltpu.SemaphoreType.DMA,
            pltpu.SemaphoreType.DMA,
            pltpu.SemaphoreType.DMA,
            pltpu.SemaphoreType.DMA,
        ],
    )
    def decoder(x_hbm, src_hbm, dst_hbm, out_hbm,
                sidx_v, didx_v, sr0, dr0, sr1, dr1, ob0, ob1,
                ss0, sd0, ss1, sd1, so0, so1):
        wid = lax.axis_index("s") * NC + lax.axis_index("c")
        base = wid * EW
        pltpu.sync_copy(src_hbm.at[pl.ds(base, EW)], sidx_v)
        pltpu.sync_copy(dst_hbm.at[pl.ds(base, EW)], didx_v)

        def start(i, sr, dr, ss, sd):
            off = i * CB
            pltpu.async_copy(x_hbm.at[sidx_v.at[pl.ds(off, CB)]], sr, ss)
            pltpu.async_copy(x_hbm.at[didx_v.at[pl.ds(off, CB)]], dr, sd)

        def wait_rows(sr, dr, ss, sd):
            pltpu.make_async_copy(x_hbm.at[pl.ds(0, CB)], sr, ss).wait()
            pltpu.make_async_copy(x_hbm.at[pl.ds(0, CB)], dr, sd).wait()

        def wait_out(ob, so):
            pltpu.make_async_copy(
                ob.at[pl.ds(0, CB)], out_hbm.at[pl.ds(base, CB)], so).wait()

        def compute(i, sr, dr, ob, so):
            off = i * CB

            last_lane = lax.iota(jnp.int32, L) == (L - 1)

            def edge_body(q, carry):
                for u in range(8):
                    e = q * 8 + u
                    acc = sr[e, pl.ds(0, L)] * dr[e, pl.ds(0, L)]
                    for c in range(1, D // L):
                        acc = acc + sr[e, pl.ds(c * L, L)] * dr[e, pl.ds(c * L, L)]
                    tot = plsc.cumsum(acc)
                    eidx = jnp.full((L,), 0, jnp.int32) + e
                    plsc.store_scatter(ob, [eidx], tot, mask=last_lane)
                return carry

            lax.fori_loop(0, CB // 8, edge_body, 0)

            def sig_body(k, carry):
                v = ob[pl.ds(k * L, L)]
                ob[pl.ds(k * L, L)] = 1.0 / (1.0 + jnp.exp(-v)) + 1e-15
                return carry

            lax.fori_loop(0, NG, sig_body, 0)
            pltpu.async_copy(
                ob.at[pl.ds(0, CB)], out_hbm.at[pl.ds(base + off, CB)], so)

        start(0, sr0, dr0, ss0, sd0)
        start(1, sr1, dr1, ss1, sd1)

        def pair_body(j, carry):
            i0 = 2 * j
            wait_rows(sr0, dr0, ss0, sd0)

            @pl.when(j > 0)
            def _():
                wait_out(ob0, so0)

            compute(i0, sr0, dr0, ob0, so0)

            @pl.when(i0 + 2 < NCHUNK)
            def _():
                start(i0 + 2, sr0, dr0, ss0, sd0)

            wait_rows(sr1, dr1, ss1, sd1)

            @pl.when(j > 0)
            def _():
                wait_out(ob1, so1)

            compute(i0 + 1, sr1, dr1, ob1, so1)

            @pl.when(i0 + 3 < NCHUNK)
            def _():
                start(i0 + 3, sr1, dr1, ss1, sd1)

            return carry

        lax.fori_loop(0, NCHUNK // 2, pair_body, 0)
        wait_out(ob0, so0)
        wait_out(ob1, so1)

    return decoder


_decoder = _make_decoder()


@jax.jit
def kernel(x, edge_index):
    ei32 = edge_index.astype(jnp.int32)
    adj_pred = _decoder(x, ei32[0], ei32[1])
    return (adj_pred, edge_index)

# --- scband reference (transcript-rebuilt; emitter-appended) ---
"""Pipeline reference for scband-decoder-12515534701344 (READ-ONLY COPY).

The authoritative reference and input builder live on the scoring server;
editing this copy changes nothing except your own understanding.
"""

import jax, jax.numpy as jnp
import numpy as np


def setup_inputs(seed: int = 0) -> dict:
    key = jax.random.key(seed)
    k1, k2 = jax.random.split(key)
    x = jax.random.normal(k1, (10000, 128), dtype=jnp.float32)
    edge_index = jax.random.randint(k2, (2, 320000), 0, 10000, dtype=jnp.int64)
    return {"x": x, "edge_index": edge_index}


def reference(x, edge_index):
    # InnerProductDecoder: sigmoid(sum(z[src] * z[dst], dim=-1)) + 1e-15
    src = jnp.take(x, edge_index[0], axis=0)
    dst = jnp.take(x, edge_index[1], axis=0)
    value = jnp.sum(src * dst, axis=-1)
    adj_pred = jax.nn.sigmoid(value) + 1e-15
    return (adj_pred, edge_index)

if __name__ == "__main__":
    import jax
    _d = setup_inputs()
    print(jax.jit(kernel)(*tuple(_d.values())))

</pallas_src>

<mosaic_0001>
#map = affine_map<(d0, d1) -> (0, 0)>
#map1 = affine_map<(d0, d1) -> (0)>
module attributes {stable_mosaic.version = 14 : i64} {
  func.func @decoder(%arg0: i32, %arg1: i32, %arg2: memref<10000x128xf32, #tpu.memory_space<hbm>>, %arg3: memref<320000xi32, #tpu.memory_space<hbm>>, %arg4: memref<320000xi32, #tpu.memory_space<hbm>>, %arg5: memref<320000xf32, #tpu.memory_space<hbm>>, %arg6: memref<10000xi32, #tpu.memory_space<vmem>>, %arg7: memref<10000xi32, #tpu.memory_space<vmem>>, %arg8: memref<200x128xf32, #tpu.memory_space<vmem>>, %arg9: memref<200x128xf32, #tpu.memory_space<vmem>>, %arg10: memref<200x128xf32, #tpu.memory_space<vmem>>, %arg11: memref<200x128xf32, #tpu.memory_space<vmem>>, %arg12: memref<208xf32, #tpu.memory_space<vmem>>, %arg13: memref<208xf32, #tpu.memory_space<vmem>>, %arg14: memref<!tpu.dma_semaphore, #tpu.memory_space<semaphore_mem>>, %arg15: memref<!tpu.dma_semaphore, #tpu.memory_space<semaphore_mem>>, %arg16: memref<!tpu.dma_semaphore, #tpu.memory_space<semaphore_mem>>, %arg17: memref<!tpu.dma_semaphore, #tpu.memory_space<semaphore_mem>>, %arg18: memref<!tpu.dma_semaphore, #tpu.memory_space<semaphore_mem>>, %arg19: memref<!tpu.dma_semaphore, #tpu.memory_space<semaphore_mem>>) attributes {dimension_semantics = [#tpu.dimension_semantics<core_parallel>, #tpu.dimension_semantics<subcore_parallel>], iteration_bounds = array<i64: 2, 16>, scalar_prefetch = 0 : i64, scratch_operands = 14 : i64, tpu.core_type = #tpu.core_type<sc_vector_subcore>, window_params = [{transform_indices = #map}, {transform_indices = #map1}, {transform_indices = #map1}, {transform_indices = #map1}]} {
    %mul3A = arith.constant 2 : i32
    %mul3A_0 = arith.muli %arg1, %mul3A : i32
    %add3A = arith.addi %mul3A_0, %arg0 : i32
    %mul3A_1 = arith.constant 10000 : i32
    %mul3A_2 = arith.muli %add3A, %mul3A_1 : i32
    "tpu.region"() ({
      %run_scoped3A = tpu.sem_alloc : memref<!tpu.dma_semaphore, #tpu.memory_space<semaphore_mem>>
      %dma_start3A_38 = tpu.memref_slice %arg3[%mul3A_2] : memref<320000xi32, #tpu.memory_space<hbm>> -> memref<10000xi32, #tpu.memory_space<hbm>>
      %dma_start3A_39 = tpu.memref_slice %arg3[%mul3A_2] : memref<320000xi32, #tpu.memory_space<hbm>> -> memref<10000xi32, #tpu.memory_space<hbm>>
      tpu.enqueue_dma source(%dma_start3A_39 : memref<10000xi32, #tpu.memory_space<hbm>>) target(%arg6 : memref<10000xi32, #tpu.memory_space<vmem>>) target_semaphore(%run_scoped3A : memref<!tpu.dma_semaphore, #tpu.memory_space<semaphore_mem>>)
      %dma_wait3A_40 = tpu.memref_slice %arg3[%mul3A_2] : memref<320000xi32, #tpu.memory_space<hbm>> -> memref<10000xi32, #tpu.memory_space<hbm>>
      %dma_wait3A_41 = tpu.memref_slice %arg3[%mul3A_2] : memref<320000xi32, #tpu.memory_space<hbm>> -> memref<10000xi32, #tpu.memory_space<hbm>>
      tpu.wait_dma2 semaphore(%run_scoped3A : memref<!tpu.dma_semaphore, #tpu.memory_space<semaphore_mem>>) src(%dma_wait3A_41 : memref<10000xi32, #tpu.memory_space<hbm>>) dst(%arg6 : memref<10000xi32, #tpu.memory_space<vmem>>)
      tpu.yield
    }) : () -> ()
    "tpu.region"() ({
      %run_scoped3A = tpu.sem_alloc : memref<!tpu.dma_semaphore, #tpu.memory_space<semaphore_mem>>
      %dma_start3A_38 = tpu.memref_slice %arg4[%mul3A_2] : memref<320000xi32, #tpu.memory_space<hbm>> -> memref<10000xi32, #tpu.memory_space<hbm>>
      %dma_start3A_39 = tpu.memref_slice %arg4[%mul3A_2] : memref<320000xi32, #tpu.memory_space<hbm>> -> memref<10000xi32, #tpu.memory_space<hbm>>
      tpu.enqueue_dma source(%dma_start3A_39 : memref<10000xi32, #tpu.memory_space<hbm>>) target(%arg7 : memref<10000xi32, #tpu.memory_space<vmem>>) target_semaphore(%run_scoped3A : memref<!tpu.dma_semaphore, #tpu.memory_space<semaphore_mem>>)
      %dma_wait3A_40 = tpu.memref_slice %arg4[%mul3A_2] : memref<320000xi32, #tpu.memory_space<hbm>> -> memref<10000xi32, #tpu.memory_space<hbm>>
      %dma_wait3A_41 = tpu.memref_slice %arg4[%mul3A_2] : memref<320000xi32, #tpu.memory_space<hbm>> -> memref<10000xi32, #tpu.memory_space<hbm>>
      tpu.wait_dma2 semaphore(%run_scoped3A : memref<!tpu.dma_semaphore, #tpu.memory_space<semaphore_mem>>) src(%dma_wait3A_41 : memref<10000xi32, #tpu.memory_space<hbm>>) dst(%arg7 : memref<10000xi32, #tpu.memory_space<vmem>>)
      tpu.yield
    }) : () -> ()
    %dma_start3A = arith.constant 0 : i32
    %dma_start3A_3 = tpu.memref_slice %arg6[%dma_start3A] : memref<10000xi32, #tpu.memory_space<vmem>> -> memref<200xi32, #tpu.memory_space<vmem>>
    %dma_start3A_4 = arith.constant 0 : i32
    %dma_start3A_5 = arith.constant 0 : i32
    %dma_start3A_6 = tpu.memref_slice %arg2[%dma_start3A_4, %dma_start3A_5] : memref<10000x128xf32, #tpu.memory_space<hbm>> -> memref<10000x128xf32, #tpu.memory_space<hbm>>
    tpu.enqueue_indirect_dma source(%dma_start3A_6 : memref<10000x128xf32, #tpu.memory_space<hbm>>) target(%arg8 : memref<200x128xf32, #tpu.memory_space<vmem>>) offsets(%dma_start3A_3 : memref<200xi32, #tpu.memory_space<vmem>>) semaphore(%arg14 : memref<!tpu.dma_semaphore, #tpu.memory_space<semaphore_mem>>)
    %dma_start3A_7 = arith.constant 0 : i32
    %dma_start3A_8 = tpu.memref_slice %arg7[%dma_start3A_7] : memref<10000xi32, #tpu.memory_space<vmem>> -> memref<200xi32, #tpu.memory_space<vmem>>
    %dma_start3A_9 = arith.constant 0 : i32
    %dma_start3A_10 = arith.constant 0 : i32
    %dma_start3A_11 = tpu.memref_slice %arg2[%dma_start3A_9, %dma_start3A_10] : memref<10000x128xf32, #tpu.memory_space<hbm>> -> memref<10000x128xf32, #tpu.memory_space<hbm>>
    tpu.enqueue_indirect_dma source(%dma_start3A_11 : memref<10000x128xf32, #tpu.memory_space<hbm>>) target(%arg9 : memref<200x128xf32, #tpu.memory_space<vmem>>) offsets(%dma_start3A_8 : memref<200xi32, #tpu.memory_space<vmem>>) semaphore(%arg15 : memref<!tpu.dma_semaphore, #tpu.memory_space<semaphore_mem>>)
    %dma_start3A_12 = arith.constant 200 : i32
    %dma_start3A_13 = tpu.memref_slice %arg6[%dma_start3A_12] : memref<10000xi32, #tpu.memory_space<vmem>> -> memref<200xi32, #tpu.memory_space<vmem>>
    %dma_start3A_14 = arith.constant 0 : i32
    %dma_start3A_15 = arith.constant 0 : i32
    %dma_start3A_16 = tpu.memref_slice %arg2[%dma_start3A_14, %dma_start3A_15] : memref<10000x128xf32, #tpu.memory_space<hbm>> -> memref<10000x128xf32, #tpu.memory_space<hbm>>
    tpu.enqueue_indirect_dma source(%dma_start3A_16 : memref<10000x128xf32, #tpu.memory_space<hbm>>) target(%arg10 : memref<200x128xf32, #tpu.memory_space<vmem>>) offsets(%dma_start3A_13 : memref<200xi32, #tpu.memory_space<vmem>>) semaphore(%arg16 : memref<!tpu.dma_semaphore, #tpu.memory_space<semaphore_mem>>)
    %dma_start3A_17 = arith.constant 200 : i32
    %dma_start3A_18 = tpu.memref_slice %arg7[%dma_start3A_17] : memref<10000xi32, #tpu.memory_space<vmem>> -> memref<200xi32, #tpu.memory_space<vmem>>
    %dma_start3A_19 = arith.constant 0 : i32
    %dma_start3A_20 = arith.constant 0 : i32
    %dma_start3A_21 = tpu.memref_slice %arg2[%dma_start3A_19, %dma_start3A_20] : memref<10000x128xf32, #tpu.memory_space<hbm>> -> memref<10000x128xf32, #tpu.memory_space<hbm>>
    tpu.enqueue_indirect_dma source(%dma_start3A_21 : memref<10000x128xf32, #tpu.memory_space<hbm>>) target(%arg11 : memref<200x128xf32, #tpu.memory_space<vmem>>) offsets(%dma_start3A_18 : memref<200xi32, #tpu.memory_space<vmem>>) semaphore(%arg17 : memref<!tpu.dma_semaphore, #tpu.memory_space<semaphore_mem>>)
    %scan3A = arith.constant 0 : i32
    %scan3A_22 = arith.constant 0 : i32
    %scan3A_23 = arith.constant 25 : i32
    %scan3A_24 = arith.addi %scan3A_22, %scan3A_23 : i32
    %scan3A_25 = arith.constant 1 : i32
    scf.for %scan3A_38 = %scan3A_22 to %scan3A_24 step %scan3A_25  : i32 {
      %mul3A_39 = arith.constant 2 : i32
      %mul3A_40 = arith.muli %mul3A_39, %scan3A_38 : i32
      %dma_wait3A_41 = arith.constant 0 : i32
      %dma_wait3A_42 = arith.constant 0 : i32
      %dma_wait3A_43 = tpu.memref_slice %arg2[%dma_wait3A_41, %dma_wait3A_42] : memref<10000x128xf32, #tpu.memory_space<hbm>> -> memref<200x128xf32, #tpu.memory_space<hbm>>
      %dma_wait3A_44 = arith.constant 0 : i32
      %dma_wait3A_45 = arith.constant 0 : i32
      %dma_wait3A_46 = tpu.memref_slice %arg2[%dma_wait3A_44, %dma_wait3A_45] : memref<10000x128xf32, #tpu.memory_space<hbm>> -> memref<200x128xf32, #tpu.memory_space<hbm>>
      tpu.wait_dma2 semaphore(%arg14 : memref<!tpu.dma_semaphore, #tpu.memory_space<semaphore_mem>>) src(%dma_wait3A_46 : memref<200x128xf32, #tpu.memory_space<hbm>>) dst(%arg8 : memref<200x128xf32, #tpu.memory_space<vmem>>)
      %dma_wait3A_47 = arith.constant 0 : i32
      %dma_wait3A_48 = arith.constant 0 : i32
      %dma_wait3A_49 = tpu.memref_slice %arg2[%dma_wait3A_47, %dma_wait3A_48] : memref<10000x128xf32, #tpu.memory_space<hbm>> -> memref<200x128xf32, #tpu.memory_space<hbm>>
      %dma_wait3A_50 = arith.constant 0 : i32
      %dma_wait3A_51 = arith.constant 0 : i32
      %dma_wait3A_52 = tpu.memref_slice %arg2[%dma_wait3A_50, %dma_wait3A_51] : memref<10000x128xf32, #tpu.memory_space<hbm>> -> memref<200x128xf32, #tpu.memory_space<hbm>>
      tpu.wait_dma2 semaphore(%arg15 : memref<!tpu.dma_semaphore, #tpu.memory_space<semaphore_mem>>) src(%dma_wait3A_52 : memref<200x128xf32, #tpu.memory_space<hbm>>) dst(%arg9 : memref<200x128xf32, #tpu.memory_space<vmem>>)
      %gt3A = arith.constant 0 : i32
      %gt3A_53 = arith.cmpi sgt, %scan3A_38, %gt3A : i32
      %convert_element_type3A = arith.extui %gt3A_53 : i1 to i32
      %cond3A = arith.constant 0 : i32
      %cond3A_54 = arith.cmpi ne, %convert_element_type3A, %cond3A : i32
      scf.if %cond3A_54 {
        %dma_wait3A_135 = arith.constant 0 : i32
        %dma_wait3A_136 = tpu.memref_slice %arg12[%dma_wait3A_135] : memref<208xf32, #tpu.memory_space<vmem>> -> memref<200xf32, #tpu.memory_space<vmem>>
        %dma_wait3A_137 = tpu.memref_slice %arg5[%mul3A_2] : memref<320000xf32, #tpu.memory_space<hbm>> -> memref<200xf32, #tpu.memory_space<hbm>>
        %dma_wait3A_138 = tpu.memref_slice %arg5[%mul3A_2] : memref<320000xf32, #tpu.memory_space<hbm>> -> memref<200xf32, #tpu.memory_space<hbm>>
        %dma_wait3A_139 = arith.constant 0 : i32
        %dma_wait3A_140 = tpu.memref_slice %arg12[%dma_wait3A_139] : memref<208xf32, #tpu.memory_space<vmem>> -> memref<200xf32, #tpu.memory_space<vmem>>
        tpu.wait_dma2 semaphore(%arg18 : memref<!tpu.dma_semaphore, #tpu.memory_space<semaphore_mem>>) src(%dma_wait3A_140 : memref<200xf32, #tpu.memory_space<vmem>>) dst(%dma_wait3A_138 : memref<200xf32, #tpu.memory_space<hbm>>)
      } else {
      }
      %mul3A_55 = arith.constant 200 : i32
      %mul3A_56 = arith.muli %mul3A_40, %mul3A_55 : i32
      %iota3A = tpu.iota {dimensions = array<i32: 0>} : vector<16xi32>
      %eq3A = arith.constant 15 : i32
      %eq3A_57 = vector.broadcast %eq3A : i32 to vector<16xi32>
      %eq3A_58 = arith.cmpi eq, %iota3A, %eq3A_57 : vector<16xi32>
      %scan3A_59 = arith.constant 0 : i32
      %scan3A_60 = arith.constant 0 : i32
      %scan3A_61 = arith.constant 25 : i32
      %scan3A_62 = arith.addi %scan3A_60, %scan3A_61 : i32
      %scan3A_63 = arith.constant 1 : i32
      scf.for %scan3A_135 = %scan3A_60 to %scan3A_62 step %scan3A_63  : i32 {
        %mul3A_136 = arith.constant 8 : i32
        %mul3A_137 = arith.muli %scan3A_135, %mul3A_136 : i32
        %add3A_138 = arith.constant 0 : i32
        %add3A_139 = arith.addi %mul3A_137, %add3A_138 : i32
        %get3A = arith.index_cast %add3A_139 : i32 to index
        %get3A_140 = arith.constant 0 : index
        %get3A_141 = tpu.vector_load %arg8[%get3A, %get3A_140] {strides = array<i32>} : memref<200x128xf32, #tpu.memory_space<vmem>>, vector<16xf32>,
        %get3A_142 = arith.index_cast %add3A_139 : i32 to index
        %get3A_143 = arith.constant 0 : index
        %get3A_144 = tpu.vector_load %arg9[%get3A_142, %get3A_143] {strides = array<i32>} : memref<200x128xf32, #tpu.memory_space<vmem>>, vector<16xf32>,
        %mul3A_145 = arith.mulf %get3A_141, %get3A_144 : vector<16xf32>
        %get3A_146 = arith.index_cast %add3A_139 : i32 to index
        %get3A_147 = arith.constant 16 : index
        %get3A_148 = tpu.vector_load %arg8[%get3A_146, %get3A_147] {strides = array<i32>} : memref<200x128xf32, #tpu.memory_space<vmem>>, vector<16xf32>,
        %get3A_149 = arith.index_cast %add3A_139 : i32 to index
        %get3A_150 = arith.constant 16 : index
        %get3A_151 = tpu.vector_load %arg9[%get3A_149, %get3A_150] {strides = array<i32>} : memref<200x128xf32, #tpu.memory_space<vmem>>, vector<16xf32>,
        %mul3A_152 = arith.mulf %get3A_148, %get3A_151 : vector<16xf32>
        %add3A_153 = arith.addf %mul3A_145, %mul3A_152 : vector<16xf32>
        %get3A_154 = arith.index_cast %add3A_139 : i32 to index
        %get3A_155 = arith.constant 32 : index
        %get3A_156 = tpu.vector_load %arg8[%get3A_154, %get3A_155] {strides = array<i32>} : memref<200x128xf32, #tpu.memory_space<vmem>>, vector<16xf32>,
        %get3A_157 = arith.index_cast %add3A_139 : i32 to index
        %get3A_158 = arith.constant 32 : index
        %get3A_159 = tpu.vector_load %arg9[%get3A_157, %get3A_158] {strides = array<i32>} : memref<200x128xf32, #tpu.memory_space<vmem>>, vector<16xf32>,
        %mul3A_160 = arith.mulf %get3A_156, %get3A_159 : vector<16xf32>
        %add3A_161 = arith.addf %add3A_153, %mul3A_160 : vector<16xf32>
        %get3A_162 = arith.index_cast %add3A_139 : i32 to index
        %get3A_163 = arith.constant 48 : index
        %get3A_164 = tpu.vector_load %arg8[%get3A_162, %get3A_163] {strides = array<i32>} : memref<200x128xf32, #tpu.memory_space<vmem>>, vector<16xf32>,
        %get3A_165 = arith.index_cast %add3A_139 : i32 to index
        %get3A_166 = arith.constant 48 : index
        %get3A_167 = tpu.vector_load %arg9[%get3A_165, %get3A_166] {strides = array<i32>} : memref<200x128xf32, #tpu.memory_space<vmem>>, vector<16xf32>,
        %mul3A_168 = arith.mulf %get3A_164, %get3A_167 : vector<16xf32>
        %add3A_169 = arith.addf %add3A_161, %mul3A_168 : vector<16xf32>
        %get3A_170 = arith.index_cast %add3A_139 : i32 to index
        %get3A_171 = arith.constant 64 : index
        %get3A_172 = tpu.vector_load %arg8[%get3A_170, %get3A_171] {strides = array<i32>} : memref<200x128xf32, #tpu.memory_space<vmem>>, vector<16xf32>,
        %get3A_173 = arith.index_cast %add3A_139 : i32 to index
        %get3A_174 = arith.constant 64 : index
        %get3A_175 = tpu.vector_load %arg9[%get3A_173, %get3A_174] {strides = array<i32>} : memref<200x128xf32, #tpu.memory_space<vmem>>, vector<16xf32>,
        %mul3A_176 = arith.mulf %get3A_172, %get3A_175 : vector<16xf32>
        %add3A_177 = arith.addf %add3A_169, %mul3A_176 : vector<16xf32>
        %get3A_178 = arith.index_cast %add3A_139 : i32 to index
        %get3A_179 = arith.constant 80 : index
        %get3A_180 = tpu.vector_load %arg8[%get3A_178, %get3A_179] {strides = array<i32>} : memref<200x128xf32, #tpu.memory_space<vmem>>, vector<16xf32>,
        %get3A_181 = arith.index_cast %add3A_139 : i32 to index
        %get3A_182 = arith.constant 80 : index
        %get3A_183 = tpu.vector_load %arg9[%get3A_181, %get3A_182] {strides = array<i32>} : memref<200x128xf32, #tpu.memory_space<vmem>>, vector<16xf32>,
        %mul3A_184 = arith.mulf %get3A_180, %get3A_183 : vector<16xf32>
        %add3A_185 = arith.addf %add3A_177, %mul3A_184 : vector<16xf32>
        %get3A_186 = arith.index_cast %add3A_139 : i32 to index
        %get3A_187 = arith.constant 96 : index
        %get3A_188 = tpu.vector_load %arg8[%get3A_186, %get3A_187] {strides = array<i32>} : memref<200x128xf32, #tpu.memory_space<vmem>>, vector<16xf32>,
        %get3A_189 = arith.index_cast %add3A_139 : i32 to index
        %get3A_190 = arith.constant 96 : index
        %get3A_191 = tpu.vector_load %arg9[%get3A_189, %get3A_190] {strides = array<i32>} : memref<200x128xf32, #tpu.memory_space<vmem>>, vector<16xf32>,
        %mul3A_192 = arith.mulf %get3A_188, %get3A_191 : vector<16xf32>
        %add3A_193 = arith.addf %add3A_185, %mul3A_192 : vector<16xf32>
        %get3A_194 = arith.index_cast %add3A_139 : i32 to index
        %get3A_195 = arith.constant 112 : index
        %get3A_196 = tpu.vector_load %arg8[%get3A_194, %get3A_195] {strides = array<i32>} : memref<200x128xf32, #tpu.memory_space<vmem>>, vector<16xf32>,
        %get3A_197 = arith.index_cast %add3A_139 : i32 to index
        %get3A_198 = arith.constant 112 : index
        %get3A_199 = tpu.vector_load %arg9[%get3A_197, %get3A_198] {strides = array<i32>} : memref<200x128xf32, #tpu.memory_space<vmem>>, vector<16xf32>,
        %mul3A_200 = arith.mulf %get3A_196, %get3A_199 : vector<16xf32>
        %add3A_201 = arith.addf %add3A_193, %mul3A_200 : vector<16xf32>
        %broadcast_in_dim3A = arith.constant true
        %broadcast_in_dim3A_202 = vector.broadcast %broadcast_in_dim3A : i1 to vector<16xi1>
        %masked_cumsum3A = tpu.scan <sum>, %add3A_201 masked %broadcast_in_dim3A_202 : vector<16xf32>, vector<16xi1> -> vector<16xf32>
        %broadcast_in_dim3A_203 = arith.constant 0 : i32
        %broadcast_in_dim3A_204 = vector.broadcast %broadcast_in_dim3A_203 : i32 to vector<16xi32>
        %add3A_205 = vector.broadcast %add3A_139 : i32 to vector<16xi32>
        %add3A_206 = arith.addi %broadcast_in_dim3A_204, %add3A_205 : vector<16xi32>
        tpu.vector_store_idx %arg12[%add3A_206], %masked_cumsum3A masked %eq3A_58 : memref<208xf32, #tpu.memory_space<vmem>>[vector<16xi32>], vector<16xf32>, vector<16xi1>
        %mul3A_207 = arith.constant 8 : i32
        %mul3A_208 = arith.muli %scan3A_135, %mul3A_207 : i32
        %add3A_209 = arith.constant 1 : i32
        %add3A_210 = arith.addi %mul3A_208, %add3A_209 : i32
        %get3A_211 = arith.index_cast %add3A_210 : i32 to index
        %get3A_212 = arith.constant 0 : index
        %get3A_213 = tpu.vector_load %arg8[%get3A_211, %get3A_212] {strides = array<i32>} : memref<200x128xf32, #tpu.memory_space<vmem>>, vector<16xf32>,
        %get3A_214 = arith.index_cast %add3A_210 : i32 to index
        %get3A_215 = arith.constant 0 : index
        %get3A_216 = tpu.vector_load %arg9[%get3A_214, %get3A_215] {strides = array<i32>} : memref<200x128xf32, #tpu.memory_space<vmem>>, vector<16xf32>,
        %mul3A_217 = arith.mulf %get3A_213, %get3A_216 : vector<16xf32>
        %get3A_218 = arith.index_cast %add3A_210 : i32 to index
        %get3A_219 = arith.constant 16 : index
        %get3A_220 = tpu.vector_load %arg8[%get3A_218, %get3A_219] {strides = array<i32>} : memref<200x128xf32, #tpu.memory_space<vmem>>, vector<16xf32>,
        %get3A_221 = arith.index_cast %add3A_210 : i32 to index
        %get3A_222 = arith.constant 16 : index
        %get3A_223 = tpu.vector_load %arg9[%get3A_221, %get3A_222] {strides = array<i32>} : memref<200x128xf32, #tpu.memory_space<vmem>>, vector<16xf32>,
        %mul3A_224 = arith.mulf %get3A_220, %get3A_223 : vector<16xf32>
        %add3A_225 = arith.addf %mul3A_217, %mul3A_224 : vector<16xf32>
        %get3A_226 = arith.index_cast %add3A_210 : i32 to index
        %get3A_227 = arith.constant 32 : index
        %get3A_228 = tpu.vector_load %arg8[%get3A_226, %get3A_227] {strides = array<i32>} : memref<200x128xf32, #tpu.memory_space<vmem>>, vector<16xf32>,
        %get3A_229 = arith.index_cast %add3A_210 : i32 to index
        %get3A_230 = arith.constant 32 : index
        %get3A_231 = tpu.vector_load %arg9[%get3A_229, %get3A_230] {strides = array<i32>} : memref<200x128xf32, #tpu.memory_space<vmem>>, vector<16xf32>,
        %mul3A_232 = arith.mulf %get3A_228, %get3A_231 : vector<16xf32>
        %add3A_233 = arith.addf %add3A_225, %mul3A_232 : vector<16xf32>
        %get3A_234 = arith.index_cast %add3A_210 : i32 to index
        %get3A_235 = arith.constant 48 : index
        %get3A_236 = tpu.vector_load %arg8[%get3A_234, %get3A_235] {strides = array<i32>} : memref<200x128xf32, #tpu.memory_space<vmem>>, vector<16xf32>,
        %get3A_237 = arith.index_cast %add3A_210 : i32 to index
        %get3A_238 = arith.constant 48 : index
        %get3A_239 = tpu.vector_load %arg9[%get3A_237, %get3A_238] {strides = array<i32>} : memref<200x128xf32, #tpu.memory_space<vmem>>, vector<16xf32>,
        %mul3A_240 = arith.mulf %get3A_236, %get3A_239 : vector<16xf32>
        %add3A_241 = arith.addf %add3A_233, %mul3A_240 : vector<16xf32>
        %get3A_242 = arith.index_cast %add3A_210 : i32 to index
        %get3A_243 = arith.constant 64 : index
        %get3A_244 = tpu.vector_load %arg8[%get3A_242, %get3A_243] {strides = array<i32>} : memref<200x128xf32, #tpu.memory_space<vmem>>, vector<16xf32>,
        %get3A_245 = arith.index_cast %add3A_210 : i32 to index
        %get3A_246 = arith.constant 64 : index
        %get3A_247 = tpu.vector_load %arg9[%get3A_245, %get3A_246] {strides = array<i32>} : memref<200x128xf32, #tpu.memory_space<vmem>>, vector<16xf32>,
        %mul3A_248 = arith.mulf %get3A_244, %get3A_247 : vector<16xf32>
        %add3A_249 = arith.addf %add3A_241, %mul3A_248 : vector<16xf32>
        %get3A_250 = arith.index_cast %add3A_210 : i32 to index
        %get3A_251 = arith.constant 80 : index
        %get3A_252 = tpu.vector_load %arg8[%get3A_250, %get3A_251] {strides = array<i32>} : memref<200x128xf32, #tpu.memory_space<vmem>>, vector<16xf32>,
        %get3A_253 = arith.index_cast %add3A_210 : i32 to index
        %get3A_254 = arith.constant 80 : index
        %get3A_255 = tpu.vector_load %arg9[%get3A_253, %get3A_254] {strides = array<i32>} : memref<200x128xf32, #tpu.memory_space<vmem>>, vector<16xf32>,
        %mul3A_256 = arith.mulf %get3A_252, %get3A_255 : vector<16xf32>
        %add3A_257 = arith.addf %add3A_249, %mul3A_256 : vector<16xf32>
        %get3A_258 = arith.index_cast %add3A_210 : i32 to index
        %get3A_259 = arith.constant 96 : index
        %get3A_260 = tpu.vector_load %arg8[%get3A_258, %get3A_259] {strides = array<i32>} : memref<200x128xf32, #tpu.memory_space<vmem>>, vector<16xf32>,
        %get3A_261 = arith.index_cast %add3A_210 : i32 to index
        %get3A_262 = arith.constant 96 : index
        %get3A_263 = tpu.vector_load %arg9[%get3A_261, %get3A_262] {strides = array<i32>} : memref<200x128xf32, #tpu.memory_space<vmem>>, vector<16xf32>,
        %mul3A_264 = arith.mulf %get3A_260, %get3A_263 : vector<16xf32>
        %add3A_265 = arith.addf %add3A_257, %mul3A_264 : vector<16xf32>
        %get3A_266 = arith.index_cast %add3A_210 : i32 to index
        %get3A_267 = arith.constant 112 : index
        %get3A_268 = tpu.vector_load %arg8[%get3A_266, %get3A_267] {strides = array<i32>} : memref<200x128xf32, #tpu.memory_space<vmem>>, vector<16xf32>,
        %get3A_269 = arith.index_cast %add3A_210 : i32 to index
        %get3A_270 = arith.constant 112 : index
        %get3A_271 = tpu.vector_load %arg9[%get3A_269, %get3A_270] {strides = array<i32>} : memref<200x128xf32, #tpu.memory_space<vmem>>, vector<16xf32>,
        %mul3A_272 = arith.mulf %get3A_268, %get3A_271 : vector<16xf32>
        %add3A_273 = arith.addf %add3A_265, %mul3A_272 : vector<16xf32>
        %broadcast_in_dim3A_274 = arith.constant true
        %broadcast_in_dim3A_275 = vector.broadcast %broadcast_in_dim3A_274 : i1 to vector<16xi1>
        %masked_cumsum3A_276 = tpu.scan <sum>, %add3A_273 masked %broadcast_in_dim3A_275 : vector<16xf32>, vector<16xi1> -> vector<16xf32>
        %broadcast_in_dim3A_277 = arith.constant 0 : i32
        %broadcast_in_dim3A_278 = vector.broadcast %broadcast_in_dim3A_277 : i32 to vector<16xi32>
        %add3A_279 = vector.broadcast %add3A_210 : i32 to vector<16xi32>
        %add3A_280 = arith.addi %broadcast_in_dim3A_278, %add3A_279 : vector<16xi32>
        tpu.vector_store_idx %arg12[%add3A_280], %masked_cumsum3A_276 masked %eq3A_58 : memref<208xf32, #tpu.memory_space<vmem>>[vector<16xi32>], vector<16xf32>, vector<16xi1>
        %mul3A_281 = arith.constant 8 : i32
        %mul3A_282 = arith.muli %scan3A_135, %mul3A_281 : i32
        %add3A_283 = arith.constant 2 : i32
        %add3A_284 = arith.addi %mul3A_282, %add3A_283 : i32
        %get3A_285 = arith.index_cast %add3A_284 : i32 to index
        %get3A_286 = arith.constant 0 : index
        %get3A_287 = tpu.vector_load %arg8[%get3A_285, %get3A_286] {strides = array<i32>} : memref<200x128xf32, #tpu.memory_space<vmem>>, vector<16xf32>,
        %get3A_288 = arith.index_cast %add3A_284 : i32 to index
        %get3A_289 = arith.constant 0 : index
        %get3A_290 = tpu.vector_load %arg9[%get3A_288, %get3A_289] {strides = array<i32>} : memref<200x128xf32, #tpu.memory_space<vmem>>, vector<16xf32>,
        %mul3A_291 = arith.mulf %get3A_287, %get3A_290 : vector<16xf32>
        %get3A_292 = arith.index_cast %add3A_284 : i32 to index
        %get3A_293 = arith.constant 16 : index
        %get3A_294 = tpu.vector_load %arg8[%get3A_292, %get3A_293] {strides = array<i32>} : memref<200x128xf32, #tpu.memory_space<vmem>>, vector<16xf32>,
        %get3A_295 = arith.index_cast %add3A_284 : i32 to index
        %get3A_296 = arith.constant 16 : index
        %get3A_297 = tpu.vector_load %arg9[%get3A_295, %get3A_296] {strides = array<i32>} : memref<200x128xf32, #tpu.memory_space<vmem>>, vector<16xf32>,
        %mul3A_298 = arith.mulf %get3A_294, %get3A_297 : vector<16xf32>
        %add3A_299 = arith.addf %mul3A_291, %mul3A_298 : vector<16xf32>
        %get3A_300 = arith.index_cast %add3A_284 : i32 to index
        %get3A_301 = arith.constant 32 : index
        %get3A_302 = tpu.vector_load %arg8[%get3A_300, %get3A_301] {strides = array<i32>} : memref<200x128xf32, #tpu.memory_space<vmem>>, vector<16xf32>,
        %get3A_303 = arith.index_cast %add3A_284 : i32 to index
        %get3A_304 = arith.constant 32 : index
        %get3A_305 = tpu.vector_load %arg9[%get3A_303, %get3A_304] {strides = array<i32>} : memref<200x128xf32, #tpu.memory_space<vmem>>, vector<16xf32>,
        %mul3A_306 = arith.mulf %get3A_302, %get3A_305 : vector<16xf32>
        %add3A_307 = arith.addf %add3A_299, %mul3A_306 : vector<16xf32>
        %get3A_308 = arith.index_cast %add3A_284 : i32 to index
        %get3A_309 = arith.constant 48 : index
        %get3A_310 = tpu.vector_load %arg8[%get3A_308, %get3A_309] {strides = array<i32>} : memref<200x128xf32, #tpu.memory_space<vmem>>, vector<16xf32>,
        %get3A_311 = arith.index_cast %add3A_284 : i32 to index
        %get3A_312 = arith.constant 48 : index
        %get3A_313 = tpu.vector_load %arg9[%get3A_311, %get3A_312] {strides = array<i32>} : memref<200x128xf32, #tpu.memory_space<vmem>>, vector<16xf32>,
        %mul3A_314 = arith.mulf %get3A_310, %get3A_313 : vector<16xf32>
        %add3A_315 = arith.addf %add3A_307, %mul3A_314 : vector<16xf32>
        %get3A_316 = arith.index_cast %add3A_284 : i32 to index
        %get3A_317 = arith.constant 64 : index
        %get3A_318 = tpu.vector_load %arg8[%get3A_316, %get3A_317] {strides = array<i32>} : memref<200x128xf32, #tpu.memory_space<vmem>>, vector<16xf32>,
        %get3A_319 = arith.index_cast %add3A_284 : i32 to index
        %get3A_320 = arith.constant 64 : index
        %get3A_321 = tpu.vector_load %arg9[%get3A_319, %get3A_320] {strides = array<i32>} : memref<200x128xf32, #tpu.memory_space<vmem>>, vector<16xf32>,
        %mul3A_322 = arith.mulf %get3A_318, %get3A_321 : vector<16xf32>
        %add3A_323 = arith.addf %add3A_315, %mul3A_322 : vector<16xf32>
        %get3A_324 = arith.index_cast %add3A_284 : i32 to index
        %get3A_325 = arith.constant 80 : index
        %get3A_326 = tpu.vector_load %arg8[%get3A_324, %get3A_325] {strides = array<i32>} : memref<200x128xf32, #tpu.memory_space<vmem>>, vector<16xf32>,
        %get3A_327 = arith.index_cast %add3A_284 : i32 to index
        %get3A_328 = arith.constant 80 : index
        %get3A_329 = tpu.vector_load %arg9[%get3A_327, %get3A_328] {strides = array<i32>} : memref<200x128xf32, #tpu.memory_space<vmem>>, vector<16xf32>,
        %mul3A_330 = arith.mulf %get3A_326, %get3A_329 : vector<16xf32>
        %add3A_331 = arith.addf %add3A_323, %mul3A_330 : vector<16xf32>
        %get3A_332 = arith.index_cast %add3A_284 : i32 to index
        %get3A_333 = arith.constant 96 : index
        %get3A_334 = tpu.vector_load %arg8[%get3A_332, %get3A_333] {strides = array<i32>} : memref<200x128xf32, #tpu.memory_space<vmem>>, vector<16xf32>,
        %get3A_335 = arith.index_cast %add3A_284 : i32 to index
        %get3A_336 = arith.constant 96 : index
        %get3A_337 = tpu.vector_load %arg9[%get3A_335, %get3A_336] {strides = array<i32>} : memref<200x128xf32, #tpu.memory_space<vmem>>, vector<16xf32>,
        %mul3A_338 = arith.mulf %get3A_334, %get3A_337 : vector<16xf32>
        %add3A_339 = arith.addf %add3A_331, %mul3A_338 : vector<16xf32>
        %get3A_340 = arith.index_cast %add3A_284 : i32 to index
        %get3A_341 = arith.constant 112 : index
        %get3A_342 = tpu.vector_load %arg8[%get3A_340, %get3A_341] {strides = array<i32>} : memref<200x128xf32, #tpu.memory_space<vmem>>, vector<16xf32>,
        %get3A_343 = arith.index_cast %add3A_284 : i32 to index
        %get3A_344 = arith.constant 112 : index
        %get3A_345 = tpu.vector_load %arg9[%get3A_343, %get3A_344] {strides = array<i32>} : memref<200x128xf32, #tpu.memory_space<vmem>>, vector<16xf32>,
        %mul3A_346 = arith.mulf %get3A_342, %get3A_345 : vector<16xf32>
        %add3A_347 = arith.addf %add3A_339, %mul3A_346 : vector<16xf32>
        %broadcast_in_dim3A_348 = arith.constant true
        %broadcast_in_dim3A_349 = vector.broadcast %broadcast_in_dim3A_348 : i1 to vector<16xi1>
        %masked_cumsum3A_350 = tpu.scan <sum>, %add3A_347 masked %broadcast_in_dim3A_349 : vector<16xf32>, vector<16xi1> -> vector<16xf32>
        %broadcast_in_dim3A_351 = arith.constant 0 : i32
        %broadcast_in_dim3A_352 = vector.broadcast %broadcast_in_dim3A_351 : i32 to vector<16xi32>
        %add3A_353 = vector.broadcast %add3A_284 : i32 to vector<16xi32>
        %add3A_354 = arith.addi %broadcast_in_dim3A_352, %add3A_353 : vector<16xi32>
        tpu.vector_store_idx %arg12[%add3A_354], %masked_cumsum3A_350 masked %eq3A_58 : memref<208xf32, #tpu.memory_space<vmem>>[vector<16xi32>], vector<16xf32>, vector<16xi1>
        %mul3A_355 = arith.constant 8 : i32
        %mul3A_356 = arith.muli %scan3A_135, %mul3A_355 : i32
        %add3A_357 = arith.constant 3 : i32
        %add3A_358 = arith.addi %mul3A_356, %add3A_357 : i32
        %get3A_359 = arith.index_cast %add3A_358 : i32 to index
        %get3A_360 = arith.constant 0 : index
        %get3A_361 = tpu.vector_load %arg8[%get3A_359, %get3A_360] {strides = array<i32>} : memref<200x128xf32, #tpu.memory_space<vmem>>, vector<16xf32>,
        %get3A_362 = arith.index_cast %add3A_358 : i32 to index
        %get3A_363 = arith.constant 0 : index
        %get3A_364 = tpu.vector_load %arg9[%get3A_362, %get3A_363] {strides = array<i32>} : memref<200x128xf32, #tpu.memory_space<vmem>>, vector<16xf32>,
        %mul3A_365 = arith.mulf %get3A_361, %get3A_364 : vector<16xf32>
        %get3A_366 = arith.index_cast %add3A_358 : i32 to index
        %get3A_367 = arith.constant 16 : index
        %get3A_368 = tpu.vector_load %arg8[%get3A_366, %get3A_367] {strides = array<i32>} : memref<200x128xf32, #tpu.memory_space<vmem>>, vector<16xf32>,
        %get3A_369 = arith.index_cast %add3A_358 : i32 to index
        %get3A_370 = arith.constant 16 : index
        %get3A_371 = tpu.vector_load %arg9[%get3A_369, %get3A_370] {strides = array<i32>} : memref<200x128xf32, #tpu.memory_space<vmem>>, vector<16xf32>,
        %mul3A_372 = arith.mulf %get3A_368, %get3A_371 : vector<16xf32>
        %add3A_373 = arith.addf %mul3A_365, %mul3A_372 : vector<16xf32>
        %get3A_374 = arith.index_cast %add3A_358 : i32 to index
        %get3A_375 = arith.constant 32 : index
        %get3A_376 = tpu.vector_load %arg8[%get3A_374, %get3A_375] {strides = array<i32>} : memref<200x128xf32, #tpu.memory_space<vmem>>, vector<16xf32>,
        %get3A_377 = arith.index_cast %add3A_358 : i32 to index
        %get3A_378 = arith.constant 32 : index
        %get3A_379 = tpu.vector_load %arg9[%get3A_377, %get3A_378] {strides = array<i32>} : memref<200x128xf32, #tpu.memory_space<vmem>>, vector<16xf32>,
        %mul3A_380 = arith.mulf %get3A_376, %get3A_379 : vector<16xf32>
        %add3A_381 = arith.addf %add3A_373, %mul3A_380 : vector<16xf32>
        %get3A_382 = arith.index_cast %add3A_358 : i32 to index
        %get3A_383 = arith.constant 48 : index
        %get3A_384 = tpu.vector_load %arg8[%get3A_382, %get3A_383] {strides = array<i32>} : memref<200x128xf32, #tpu.memory_space<vmem>>, vector<16xf32>,
        %get3A_385 = arith.index_cast %add3A_358 : i32 to index
        %get3A_386 = arith.constant 48 : index
        %get3A_387 = tpu.vector_load %arg9[%get3A_385, %get3A_386] {strides = array<i32>} : memref<200x128xf32, #tpu.memory_space<vmem>>, vector<16xf32>,
        %mul3A_388 = arith.mulf %get3A_384, %get3A_387 : vector<16xf32>
        %add3A_389 = arith.addf %add3A_381, %mul3A_388 : vector<16xf32>
        %get3A_390 = arith.index_cast %add3A_358 : i32 to index
        %get3A_391 = arith.constant 64 : index
        %get3A_392 = tpu.vector_load %arg8[%get3A_390, %get3A_391] {strides = array<i32>} : memref<200x128xf32, #tpu.memory_space<vmem>>, vector<16xf32>,
        %get3A_393 = arith.index_cast %add3A_358 : i32 to index
        %get3A_394 = arith.constant 64 : index
        %get3A_395 = tpu.vector_load %arg9[%get3A_393, %get3A_394] {strides = array<i32>} : memref<200x128xf32, #tpu.memory_space<vmem>>, vector<16xf32>,
        %mul3A_396 = arith.mulf %get3A_392, %get3A_395 : vector<16xf32>
        %add3A_397 = arith.addf %add3A_389, %mul3A_396 : vector<16xf32>
        %get3A_398 = arith.index_cast %add3A_358 : i32 to index
        %get3A_399 = arith.constant 80 : index
        %get3A_400 = tpu.vector_load %arg8[%get3A_398, %get3A_399] {strides = array<i32>} : memref<200x128xf32, #tpu.memory_space<vmem>>, vector<16xf32>,
        %get3A_401 = arith.index_cast %add3A_358 : i32 to index
        %get3A_402 = arith.constant 80 : index
        %get3A_403 = tpu.vector_load %arg9[%get3A_401, %get3A_402] {strides = array<i32>} : memref<200x128xf32, #tpu.memory_space<vmem>>, vector<16xf32>,
        %mul3A_404 = arith.mulf %get3A_400, %get3A_403 : vector<16xf32>
        %add3A_405 = arith.addf %add3A_397, %mul3A_404 : vector<16xf32>
        %get3A_406 = arith.index_cast %add3A_358 : i32 to index
        %get3A_407 = arith.constant 96 : index
        %get3A_408 = tpu.vector_load %arg8[%get3A_406, %get3A_407] {strides = array<i32>} : memref<200x128xf32, #tpu.memory_space<vmem>>, vector<16xf32>,
        %get3A_409 = arith.index_cast %add3A_358 : i32 to index
        %get3A_410 = arith.constant 96 : index
        %get3A_411 = tpu.vector_load %arg9[%get3A_409, %get3A_410] {strides = array<i32>} : memref<200x128xf32, #tpu.memory_space<vmem>>, vector<16xf32>,
        %mul3A_412 = arith.mulf %get3A_408, %get3A_411 : vector<16xf32>
        %add3A_413 = arith.addf %add3A_405, %mul3A_412 : vector<16xf32>
        %get3A_414 = arith.index_cast %add3A_358 : i32 to index
        %get3A_415 = arith.constant 112 : index
        %get3A_416 = tpu.vector_load %arg8[%get3A_414, %get3A_415] {strides = array<i32>} : memref<200x128xf32, #tpu.memory_space<vmem>>, vector<16xf32>,
        %get3A_417 = arith.index_cast %add3A_358 : i32 to index
        %get3A_418 = arith.constant 112 : index
        %get3A_419 = tpu.vector_load %arg9[%get3A_417, %get3A_418] {strides = array<i32>} : memref<200x128xf32, #tpu.memory_space<vmem>>, vector<16xf32>,
        %mul3A_420 = arith.mulf %get3A_416, %get3A_419 : vector<16xf32>
        %add3A_421 = arith.addf %add3A_413, %mul3A_420 : vector<16xf32>
        %broadcast_in_dim3A_422 = arith.constant true
        %broadcast_in_dim3A_423 = vector.broadcast %broadcast_in_dim3A_422 : i1 to vector<16xi1>
        %masked_cumsum3A_424 = tpu.scan <sum>, %add3A_421 masked %broadcast_in_dim3A_423 : vector<16xf32>, vector<16xi1> -> vector<16xf32>
        %broadcast_in_dim3A_425 = arith.constant 0 : i32
        %broadcast_in_dim3A_426 = vector.broadcast %broadcast_in_dim3A_425 : i32 to vector<16xi32>
        %add3A_427 = vector.broadcast %add3A_358 : i32 to vector<16xi32>
        %add3A_428 = arith.addi %broadcast_in_dim3A_426, %add3A_427 : vector<16xi32>
        tpu.vector_store_idx %arg12[%add3A_428], %masked_cumsum3A_424 masked %eq3A_58 : memref<208xf32, #tpu.memory_space<vmem>>[vector<16xi32>], vector<16xf32>, vector<16xi1>
        %mul3A_429 = arith.constant 8 : i32
        %mul3A_430 = arith.muli %scan3A_135, %mul3A_429 : i32
        %add3A_431 = arith.constant 4 : i32
        %add3A_432 = arith.addi %mul3A_430, %add3A_431 : i32
        %get3A_433 = arith.index_cast %add3A_432 : i32 to index
        %get3A_434 = arith.constant 0 : index
        %get3A_435 = tpu.vector_load %arg8[%get3A_433, %get3A_434] {strides = array<i32>} : memref<200x128xf32, #tpu.memory_space<vmem>>, vector<16xf32>,
        %get3A_436 = arith.index_cast %add3A_432 : i32 to index
        %get3A_437 = arith.constant 0 : index
        %get3A_438 = tpu.vector_load %arg9[%get3A_436, %get3A_437] {strides = array<i32>} : memref<200x128xf32, #tpu.memory_space<vmem>>, vector<16xf32>,
        %mul3A_439 = arith.mulf %get3A_435, %get3A_438 : vector<16xf32>
        %get3A_440 = arith.index_cast %add3A_432 : i32 to index
        %get3A_441 = arith.constant 16 : index
        %get3A_442 = tpu.vector_load %arg8[%get3A_440, %get3A_441] {strides = array<i32>} : memref<200x128xf32, #tpu.memory_space<vmem>>, vector<16xf32>,
        %get3A_443 = arith.index_cast %add3A_432 : i32 to index
        %get3A_444 = arith.constant 16 : index
        %get3A_445 = tpu.vector_load %arg9[%get3A_443, %get3A_444] {strides = array<i32>} : memref<200x128xf32, #tpu.memory_space<vmem>>, vector<16xf32>,
        %mul3A_446 = arith.mulf %get3A_442, %get3A_445 : vector<16xf32>
        %add3A_447 = arith.addf %mul3A_439, %mul3A_446 : vector<16xf32>
        %get3A_448 = arith.index_cast %add3A_432 : i32 to index
        %get3A_449 = arith.constant 32 : index
        %get3A_450 = tpu.vector_load %arg8[%get3A_448, %get3A_449] {strides = array<i32>} : memref<200x128xf32, #tpu.memory_space<vmem>>, vector<16xf32>,
        %get3A_451 = arith.index_cast %add3A_432 : i32 to index
        %get3A_452 = arith.constant 32 : index
        %get3A_453 = tpu.vector_load %arg9[%get3A_451, %get3A_452] {strides = array<i32>} : memref<200x128xf32, #tpu.memory_space<vmem>>, vector<16xf32>,
        %mul3A_454 = arith.mulf %get3A_450, %get3A_453 : vector<16xf32>
        %add3A_455 = arith.addf %add3A_447, %mul3A_454 : vector<16xf32>
        %get3A_456 = arith.index_cast %add3A_432 : i32 to index
        %get3A_457 = arith.constant 48 : index
        %get3A_458 = tpu.vector_load %arg8[%get3A_456, %get3A_457] {strides = array<i32>} : memref<200x128xf32, #tpu.memory_space<vmem>>, vector<16xf32>,
        %get3A_459 = arith.index_cast %add3A_432 : i32 to index
        %get3A_460 = arith.constant 48 : index
        %get3A_461 = tpu.vector_load %arg9[%get3A_459, %get3A_460] {strides = array<i32>} : memref<200x128xf32, #tpu.memory_space<vmem>>, vector<16xf32>,
        %mul3A_462 = arith.mulf %get3A_458, %get3A_461 : vector<16xf32>
        %add3A_463 = arith.addf %add3A_455, %mul3A_462 : vector<16xf32>
        %get3A_464 = arith.index_cast %add3A_432 : i32 to index
        %get3A_465 = arith.constant 64 : index
        %get3A_466 = tpu.vector_load %arg8[%get3A_464, %get3A_465] {strides = array<i32>} : memref<200x128xf32, #tpu.memory_space<vmem>>, vector<16xf32>,
        %get3A_467 = arith.index_cast %add3A_432 : i32 to index
        %get3A_468 = arith.constant 64 : index
        %get3A_469 = tpu.vector_load %arg9[%get3A_467, %get3A_468] {strides = array<i32>} : memref<200x128xf32, #tpu.memory_space<vmem>>, vector<16xf32>,
        %mul3A_470 = arith.mulf %get3A_466, %get3A_469 : vector<16xf32>
        %add3A_471 = arith.addf %add3A_463, %mul3A_470 : vector<16xf32>
        %get3A_472 = arith.index_cast %add3A_432 : i32 to index
        %get3A_473 = arith.constant 80 : index
        %get3A_474 = tpu.vector_load %arg8[%get3A_472, %get3A_473] {strides = array<i32>} : memref<200x128xf32, #tpu.memory_space<vmem>>, vector<16xf32>,
        %get3A_475 = arith.index_cast %add3A_432 : i32 to index
        %get3A_476 = arith.constant 80 : index
        %get3A_477 = tpu.vector_load %arg9[%get3A_475, %get3A_476] {strides = array<i32>} : memref<200x128xf32, #tpu.memory_space<vmem>>, vector<16xf32>,
        %mul3A_478 = arith.mulf %get3A_474, %get3A_477 : vector<16xf32>
        %add3A_479 = arith.addf %add3A_471, %mul3A_478 : vector<16xf32>
        %get3A_480 = arith.index_cast %add3A_432 : i32 to index
        %get3A_481 = arith.constant 96 : index
        %get3A_482 = tpu.vector_load %arg8[%get3A_480, %get3A_481] {strides = array<i32>} : memref<200x128xf32, #tpu.memory_space<vmem>>, vector<16xf32>,
        %get3A_483 = arith.index_cast %add3A_432 : i32 to index
        %get3A_484 = arith.constant 96 : index
        %get3A_485 = tpu.vector_load %arg9[%get3A_483, %get3A_484] {strides = array<i32>} : memref<200x128xf32, #tpu.memory_space<vmem>>, vector<16xf32>,
        %mul3A_486 = arith.mulf %get3A_482, %get3A_485 : vector<16xf32>
        %add3A_487 = arith.addf %add3A_479, %mul3A_486 : vector<16xf32>
        %get3A_488 = arith.index_cast %add3A_432 : i32 to index
        %get3A_489 = arith.constant 112 : index
        %get3A_490 = tpu.vector_load %arg8[%get3A_488, %get3A_489] {strides = array<i32>} : memref<200x128xf32, #tpu.memory_space<vmem>>, vector<16xf32>,
        %get3A_491 = arith.index_cast %add3A_432 : i32 to index
        %get3A_492 = arith.constant 112 : index
        %get3A_493 = tpu.vector_load %arg9[%get3A_491, %get3A_492] {strides = array<i32>} : memref<200x128xf32, #tpu.memory_space<vmem>>, vector<16xf32>,
        %mul3A_494 = arith.mulf %get3A_490, %get3A_493 : vector<16xf32>
        %add3A_495 = arith.addf %add3A_487, %mul3A_494 : vector<16xf32>
        %broadcast_in_dim3A_496 = arith.constant true
        %broadcast_in_dim3A_497 = vector.broadcast %broadcast_in_dim3A_496 : i1 to vector<16xi1>
        %masked_cumsum3A_498 = tpu.scan <sum>, %add3A_495 masked %broadcast_in_dim3A_497 : vector<16xf32>, vector<16xi1> -> vector<16xf32>
        %broadcast_in_dim3A_499 = arith.constant 0 : i32
        %broadcast_in_dim3A_500 = vector.broadcast %broadcast_in_dim3A_499 : i32 to vector<16xi32>
        %add3A_501 = vector.broadcast %add3A_432 : i32 to vector<16xi32>
        %add3A_502 = arith.addi %broadcast_in_dim3A_500, %add3A_501 : vector<16xi32>
        tpu.vector_store_idx %arg12[%add3A_502], %masked_cumsum3A_498 masked %eq3A_58 : memref<208xf32, #tpu.memory_space<vmem>>[vector<16xi32>], vector<16xf32>, vector<16xi1>
        %mul3A_503 = arith.constant 8 : i32
        %mul3A_504 = arith.muli %scan3A_135, %mul3A_503 : i32
        %add3A_505 = arith.constant 5 : i32
        %add3A_506 = arith.addi %mul3A_504, %add3A_505 : i32
        %get3A_507 = arith.index_cast %add3A_506 : i32 to index
        %get3A_508 = arith.constant 0 : index
        %get3A_509 = tpu.vector_load %arg8[%get3A_507, %get3A_508] {strides = array<i32>} : memref<200x128xf32, #tpu.memory_space<vmem>>, vector<16xf32>,
        %get3A_510 = arith.index_cast %add3A_506 : i32 to index
        %get3A_511 = arith.constant 0 : index
        %get3A_512 = tpu.vector_load %arg9[%get3A_510, %get3A_511] {strides = array<i32>} : memref<200x128xf32, #tpu.memory_space<vmem>>, vector<16xf32>,
        %mul3A_513 = arith.mulf %get3A_509, %get3A_512 : vector<16xf32>
        %get3A_514 = arith.index_cast %add3A_506 : i32 to index
        %get3A_515 = arith.constant 16 : index
        %get3A_516 = tpu.vector_load %arg8[%get3A_514, %get3A_515] {strides = array<i32>} : memref<200x128xf32, #tpu.memory_space<vmem>>, vector<16xf32>,
        %get3A_517 = arith.index_cast %add3A_506 : i32 to index
        %get3A_518 = arith.constant 16 : index
        %get3A_519 = tpu.vector_load %arg9[%get3A_517, %get3A_518] {strides = array<i32>} : memref<200x128xf32, #tpu.memory_space<vmem>>, vector<16xf32>,
        %mul3A_520 = arith.mulf %get3A_516, %get3A_519 : vector<16xf32>
        %add3A_521 = arith.addf %mul3A_513, %mul3A_520 : vector<16xf32>
        %get3A_522 = arith.index_cast %add3A_506 : i32 to index
        %get3A_523 = arith.constant 32 : index
        %get3A_524 = tpu.vector_load %arg8[%get3A_522, %get3A_523] {strides = array<i32>} : memref<200x128xf32, #tpu.memory_space<vmem>>, vector<16xf32>,
        %get3A_525 = arith.index_cast %add3A_506 : i32 to index
        %get3A_526 = arith.constant 32 : index
        %get3A_527 = tpu.vector_load %arg9[%get3A_525, %get3A_526] {strides = array<i32>} : memref<200x128xf32, #tpu.memory_space<vmem>>, vector<16xf32>,
        %mul3A_528 = arith.mulf %get3A_524, %get3A_527 : vector<16xf32>
        %add3A_529 = arith.addf %add3A_521, %mul3A_528 : vector<16xf32>
        %get3A_530 = arith.index_cast %add3A_506 : i32 to index
        %get3A_531 = arith.constant 48 : index
        %get3A_532 = tpu.vector_load %arg8[%get3A_530, %get3A_531] {strides = array<i32>} : memref<200x128xf32, #tpu.memory_space<vmem>>, vector<16xf32>,
        %get3A_533 = arith.index_cast %add3A_506 : i32 to index
        %get3A_534 = arith.constant 48 : index
        %get3A_535 = tpu.vector_load %arg9[%get3A_533, %get3A_534] {strides = array<i32>} : memref<200x128xf32, #tpu.memory_space<vmem>>, vector<16xf32>,
        %mul3A_536 = arith.mulf %get3A_532, %get3A_535 : vector<16xf32>
        %add3A_537 = arith.addf %add3A_529, %mul3A_536 : vector<16xf32>
        %get3A_538 = arith.index_cast %add3A_506 : i32 to index
        %get3A_539 = arith.constant 64 : index
        %get3A_540 = tpu.vector_load %arg8[%get3A_538, %get3A_539] {strides = array<i32>} : memref<200x128xf32, #tpu.memory_space<vmem>>, vector<16xf32>,
        %get3A_541 = arith.index_cast %add3A_506 : i32 to index
        %get3A_542 = arith.constant 64 : index
        %get3A_543 = tpu.vector_load %arg9[%get3A_541, %get3A_542] {strides = array<i32>} : memref<200x128xf32, #tpu.memory_space<vmem>>, vector<16xf32>,
        %mul3A_544 = arith.mulf %get3A_540, %get3A_543 : vector<16xf32>
        %add3A_545 = arith.addf %add3A_537, %mul3A_544 : vector<16xf32>
        %get3A_546 = arith.index_cast %add3A_506 : i32 to index
        %get3A_547 = arith.constant 80 : index
        %get3A_548 = tpu.vector_load %arg8[%get3A_546, %get3A_547] {strides = array<i32>} : memref<200x128xf32, #tpu.memory_space<vmem>>, vector<16xf32>,
        %get3A_549 = arith.index_cast %add3A_506 : i32 to index
        %get3A_550 = arith.constant 80 : index
        %get3A_551 = tpu.vector_load %arg9[%get3A_549, %get3A_550] {strides = array<i32>} : memref<200x128xf32, #tpu.memory_space<vmem>>, vector<16xf32>,
        %mul3A_552 = arith.mulf %get3A_548, %get3A_551 : vector<16xf32>
        %add3A_553 = arith.addf %add3A_545, %mul3A_552 : vector<16xf32>
        %get3A_554 = arith.index_cast %add3A_506 : i32 to index
        %get3A_555 = arith.constant 96 : index
        %get3A_556 = tpu.vector_load %arg8[%get3A_554, %get3A_555] {strides = array<i32>} : memref<200x128xf32, #tpu.memory_space<vmem>>, vector<16xf32>,
        %get3A_557 = arith.index_cast %add3A_506 : i32 to index
        %get3A_558 = arith.constant 96 : index
        %get3A_559 = tpu.vector_load %arg9[%get3A_557, %get3A_558] {strides = array<i32>} : memref<200x128xf32, #tpu.memory_space<vmem>>, vector<16xf32>,
        %mul3A_560 = arith.mulf %get3A_556, %get3A_559 : vector<16xf32>
        %add3A_561 = arith.addf %add3A_553, %mul3A_560 : vector<16xf32>
        %get3A_562 = arith.index_cast %add3A_506 : i32 to index
        %get3A_563 = arith.constant 112 : index
        %get3A_564 = tpu.vector_load %arg8[%get3A_562, %get3A_563] {strides = array<i32>} : memref<200x128xf32, #tpu.memory_space<vmem>>, vector<16xf32>,
        %get3A_565 = arith.index_cast %add3A_506 : i32 to index
        %get3A_566 = arith.constant 112 : index
        %get3A_567 = tpu.vector_load %arg9[%get3A_565, %get3A_566] {strides = array<i32>} : memref<200x128xf32, #tpu.memory_space<vmem>>, vector<16xf32>,
        %mul3A_568 = arith.mulf %get3A_564, %get3A_567 : vector<16xf32>
        %add3A_569 = arith.addf %add3A_561, %mul3A_568 : vector<16xf32>
        %broadcast_in_dim3A_570 = arith.constant true
        %broadcast_in_dim3A_571 = vector.broadcast %broadcast_in_dim3A_570 : i1 to vector<16xi1>
        %masked_cumsum3A_572 = tpu.scan <sum>, %add3A_569 masked %broadcast_in_dim3A_571 : vector<16xf32>, vector<16xi1> -> vector<16xf32>
        %broadcast_in_dim3A_573 = arith.constant 0 : i32
        %broadcast_in_dim3A_574 = vector.broadcast %broadcast_in_dim3A_573 : i32 to vector<16xi32>
        %add3A_575 = vector.broadcast %add3A_506 : i32 to vector<16xi32>
        %add3A_576 = arith.addi %broadcast_in_dim3A_574, %add3A_575 : vector<16xi32>
        tpu.vector_store_idx %arg12[%add3A_576], %masked_cumsum3A_572 masked %eq3A_58 : memref<208xf32, #tpu.memory_space<vmem>>[vector<16xi32>], vector<16xf32>, vector<16xi1>
        %mul3A_577 = arith.constant 8 : i32
        %mul3A_578 = arith.muli %scan3A_135, %mul3A_577 : i32
        %add3A_579 = arith.constant 6 : i32
        %add3A_580 = arith.addi %mul3A_578, %add3A_579 : i32
        %get3A_581 = arith.index_cast %add3A_580 : i32 to index
        %get3A_582 = arith.constant 0 : index
        %get3A_583 = tpu.vector_load %arg8[%get3A_581, %get3A_582] {strides = array<i32>} : memref<200x128xf32, #tpu.memory_space<vmem>>, vector<16xf32>,
        %get3A_584 = arith.index_cast %add3A_580 : i32 to index
        %get3A_585 = arith.constant 0 : index
        %get3A_586 = tpu.vector_load %arg9[%get3A_584, %get3A_585] {strides = array<i32>} : memref<200x128xf32, #tpu.memory_space<vmem>>, vector<16xf32>,
        %mul3A_587 = arith.mulf %get3A_583, %get3A_586 : vector<16xf32>
        %get3A_588 = arith.index_cast %add3A_580 : i32 to index
        %get3A_589 = arith.constant 16 : index
        %get3A_590 = tpu.vector_load %arg8[%get3A_588, %get3A_589] {strides = array<i32>} : memref<200x128xf32, #tpu.memory_space<vmem>>, vector<16xf32>,
        %get3A_591 = arith.index_cast %add3A_580 : i32 to index
        %get3A_592 = arith.constant 16 : index
        %get3A_593 = tpu.vector_load %arg9[%get3A_591, %get3A_592] {strides = array<i32>} : memref<200x128xf32, #tpu.memory_space<vmem>>, vector<16xf32>,
        %mul3A_594 = arith.mulf %get3A_590, %get3A_593 : vector<16xf32>
        %add3A_595 = arith.addf %mul3A_587, %mul3A_594 : vector<16xf32>
        %get3A_596 = arith.index_cast %add3A_580 : i32 to index
        %get3A_597 = arith.constant 32 : index
        %get3A_598 = tpu.vector_load %arg8[%get3A_596, %get3A_597] {strides = array<i32>} : memref<200x128xf32, #tpu.memory_space<vmem>>, vector<16xf32>,
        %get3A_599 = arith.index_cast %add3A_580 : i32 to index
        %get3A_600 = arith.constant 32 : index
        %get3A_601 = tpu.vector_load %arg9[%get3A_599, %get3A_600] {strides = array<i32>} : memref<200x128xf32, #tpu.memory_space<vmem>>, vector<16xf32>,
        %mul3A_602 = arith.mulf %get3A_598, %get3A_601 : vector<16xf32>
        %add3A_603 = arith.addf %add3A_595, %mul3A_602 : vector<16xf32>
        %get3A_604 = arith.index_cast %add3A_580 : i32 to index
        %get3A_605 = arith.constant 48 : index
        %get3A_606 = tpu.vector_load %arg8[%get3A_604, %get3A_605] {strides = array<i32>} : memref<200x128xf32, #tpu.memory_space<vmem>>, vector<16xf32>,
        %get3A_607 = arith.index_cast %add3A_580 : i32 to index
        %get3A_608 = arith.constant 48 : index
        %get3A_609 = tpu.vector_load %arg9[%get3A_607, %get3A_608] {strides = array<i32>} : memref<200x128xf32, #tpu.memory_space<vmem>>, vector<16xf32>,
        %mul3A_610 = arith.mulf %get3A_606, %get3A_609 : vector<16xf32>
        %add3A_611 = arith.addf %add3A_603, %mul3A_610 : vector<16xf32>
        %get3A_612 = arith.index_cast %add3A_580 : i32 to index
        %get3A_613 = arith.constant 64 : index
        %get3A_614 = tpu.vector_load %arg8[%get3A_612, %get3A_613] {strides = array<i32>} : memref<200x128xf32, #tpu.memory_space<vmem>>, vector<16xf32>,
        %get3A_615 = arith.index_cast %add3A_580 : i32 to index
        %get3A_616 = arith.constant 64 : index
        %get3A_617 = tpu.vector_load %arg9[%get3A_615, %get3A_616] {strides = array<i32>} : memref<200x128xf32, #tpu.memory_space<vmem>>, vector<16xf32>,
        %mul3A_618 = arith.mulf %get3A_614, %get3A_617 : vector<16xf32>
        %add3A_619 = arith.addf %add3A_611, %mul3A_618 : vector<16xf32>
        %get3A_620 = arith.index_cast %add3A_580 : i32 to index
        %get3A_621 = arith.constant 80 : index
        %get3A_622 = tpu.vector_load %arg8[%get3A_620, %get3A_621] {strides = array<i32>} : memref<200x128xf32, #tpu.memory_space<vmem>>, vector<16xf32>,
        %get3A_623 = arith.index_cast %add3A_580 : i32 to index
        %get3A_624 = arith.constant 80 : index
        %get3A_625 = tpu.vector_load %arg9[%get3A_623, %get3A_624] {strides = array<i32>} : memref<200x128xf32, #tpu.memory_space<vmem>>, vector<16xf32>,
        %mul3A_626 = arith.mulf %get3A_622, %get3A_625 : vector<16xf32>
        %add3A_627 = arith.addf %add3A_619, %mul3A_626 : vector<16xf32>
        %get3A_628 = arith.index_cast %add3A_580 : i32 to index
        %get3A_629 = arith.constant 96 : index
        %get3A_630 = tpu.vector_load %arg8[%get3A_628, %get3A_629] {strides = array<i32>} : memref<200x128xf32, #tpu.memory_space<vmem>>, vector<16xf32>,
        %get3A_631 = arith.index_cast %add3A_580 : i32 to index
        %get3A_632 = arith.constant 96 : index
        %get3A_633 = tpu.vector_load %arg9[%get3A_631, %get3A_632] {strides = array<i32>} : memref<200x128xf32, #tpu.memory_space<vmem>>, vector<16xf32>,
        %mul3A_634 = arith.mulf %get3A_630, %get3A_633 : vector<16xf32>
        %add3A_635 = arith.addf %add3A_627, %mul3A_634 : vector<16xf32>
        %get3A_636 = arith.index_cast %add3A_580 : i32 to index
        %get3A_637 = arith.constant 112 : index
        %get3A_638 = tpu.vector_load %arg8[%get3A_636, %get3A_637] {strides = array<i32>} : memref<200x128xf32, #tpu.memory_space<vmem>>, vector<16xf32>,
        %get3A_639 = arith.index_cast %add3A_580 : i32 to index
        %get3A_640 = arith.constant 112 : index
        %get3A_641 = tpu.vector_load %arg9[%get3A_639, %get3A_640] {strides = array<i32>} : memref<200x128xf32, #tpu.memory_space<vmem>>, vector<16xf32>,
        %mul3A_642 = arith.mulf %get3A_638, %get3A_641 : vector<16xf32>
        %add3A_643 = arith.addf %add3A_635, %mul3A_642 : vector<16xf32>
        %broadcast_in_dim3A_644 = arith.constant true
        %broadcast_in_dim3A_645 = vector.broadcast %broadcast_in_dim3A_644 : i1 to vector<16xi1>
        %masked_cumsum3A_646 = tpu.scan <sum>, %add3A_643 masked %broadcast_in_dim3A_645 : vector<16xf32>, vector<16xi1> -> vector<16xf32>
        %broadcast_in_dim3A_647 = arith.constant 0 : i32
        %broadcast_in_dim3A_648 = vector.broadcast %broadcast_in_dim3A_647 : i32 to vector<16xi32>
        %add3A_649 = vector.broadcast %add3A_580 : i32 to vector<16xi32>
        %add3A_650 = arith.addi %broadcast_in_dim3A_648, %add3A_649 : vector<16xi32>
        tpu.vector_store_idx %arg12[%add3A_650], %masked_cumsum3A_646 masked %eq3A_58 : memref<208xf32, #tpu.memory_space<vmem>>[vector<16xi32>], vector<16xf32>, vector<16xi1>
        %mul3A_651 = arith.constant 8 : i32
        %mul3A_652 = arith.muli %scan3A_135, %mul3A_651 : i32
        %add3A_653 = arith.constant 7 : i32
        %add3A_654 = arith.addi %mul3A_652, %add3A_653 : i32
        %get3A_655 = arith.index_cast %add3A_654 : i32 to index
        %get3A_656 = arith.constant 0 : index
        %get3A_657 = tpu.vector_load %arg8[%get3A_655, %get3A_656] {strides = array<i32>} : memref<200x128xf32, #tpu.memory_space<vmem>>, vector<16xf32>,
        %get3A_658 = arith.index_cast %add3A_654 : i32 to index
        %get3A_659 = arith.constant 0 : index
        %get3A_660 = tpu.vector_load %arg9[%get3A_658, %get3A_659] {strides = array<i32>} : memref<200x128xf32, #tpu.memory_space<vmem>>, vector<16xf32>,
        %mul3A_661 = arith.mulf %get3A_657, %get3A_660 : vector<16xf32>
        %get3A_662 = arith.index_cast %add3A_654 : i32 to index
        %get3A_663 = arith.constant 16 : index
        %get3A_664 = tpu.vector_load %arg8[%get3A_662, %get3A_663] {strides = array<i32>} : memref<200x128xf32, #tpu.memory_space<vmem>>, vector<16xf32>,
        %get3A_665 = arith.index_cast %add3A_654 : i32 to index
        %get3A_666 = arith.constant 16 : index
        %get3A_667 = tpu.vector_load %arg9[%get3A_665, %get3A_666] {strides = array<i32>} : memref<200x128xf32, #tpu.memory_space<vmem>>, vector<16xf32>,
        %mul3A_668 = arith.mulf %get3A_664, %get3A_667 : vector<16xf32>
        %add3A_669 = arith.addf %mul3A_661, %mul3A_668 : vector<16xf32>
        %get3A_670 = arith.index_cast %add3A_654 : i32 to index
        %get3A_671 = arith.constant 32 : index
        %get3A_672 = tpu.vector_load %arg8[%get3A_670, %get3A_671] {strides = array<i32>} : memref<200x128xf32, #tpu.memory_space<vmem>>, vector<16xf32>,
        %get3A_673 = arith.index_cast %add3A_654 : i32 to index
        %get3A_674 = arith.constant 32 : index
        %get3A_675 = tpu.vector_load %arg9[%get3A_673, %get3A_674] {strides = array<i32>} : memref<200x128xf32, #tpu.memory_space<vmem>>, vector<16xf32>,
        %mul3A_676 = arith.mulf %get3A_672, %get3A_675 : vector<16xf32>
        %add3A_677 = arith.addf %add3A_669, %mul3A_676 : vector<16xf32>
        %get3A_678 = arith.index_cast %add3A_654 : i32 to index
        %get3A_679 = arith.constant 48 : index
        %get3A_680 = tpu.vector_load %arg8[%get3A_678, %get3A_679] {strides = array<i32>} : memref<200x128xf32, #tpu.memory_space<vmem>>, vector<16xf32>,
        %get3A_681 = arith.index_cast %add3A_654 : i32 to index
        %get3A_682 = arith.constant 48 : index
        %get3A_683 = tpu.vector_load %arg9[%get3A_681, %get3A_682] {strides = array<i32>} : memref<200x128xf32, #tpu.memory_space<vmem>>, vector<16xf32>,
        %mul3A_684 = arith.mulf %get3A_680, %get3A_683 : vector<16xf32>
        %add3A_685 = arith.addf %add3A_677, %mul3A_684 : vector<16xf32>
        %get3A_686 = arith.index_cast %add3A_654 : i32 to index
        %get3A_687 = arith.constant 64 : index
        %get3A_688 = tpu.vector_load %arg8[%get3A_686, %get3A_687] {strides = array<i32>} : memref<200x128xf32, #tpu.memory_space<vmem>>, vector<16xf32>,
        %get3A_689 = arith.index_cast %add3A_654 : i32 to index
        %get3A_690 = arith.constant 64 : index
        %get3A_691 = tpu.vector_load %arg9[%get3A_689, %get3A_690] {strides = array<i32>} : memref<200x128xf32, #tpu.memory_space<vmem>>, vector<16xf32>,
        %mul3A_692 = arith.mulf %get3A_688, %get3A_691 : vector<16xf32>
        %add3A_693 = arith.addf %add3A_685, %mul3A_692 : vector<16xf32>
        %get3A_694 = arith.index_cast %add3A_654 : i32 to index
        %get3A_695 = arith.constant 80 : index
        %get3A_696 = tpu.vector_load %arg8[%get3A_694, %get3A_695] {strides = array<i32>} : memref<200x128xf32, #tpu.memory_space<vmem>>, vector<16xf32>,
        %get3A_697 = arith.index_cast %add3A_654 : i32 to index
        %get3A_698 = arith.constant 80 : index
        %get3A_699 = tpu.vector_load %arg9[%get3A_697, %get3A_698] {strides = array<i32>} : memref<200x128xf32, #tpu.memory_space<vmem>>, vector<16xf32>,
        %mul3A_700 = arith.mulf %get3A_696, %get3A_699 : vector<16xf32>
        %add3A_701 = arith.addf %add3A_693, %mul3A_700 : vector<16xf32>
        %get3A_702 = arith.index_cast %add3A_654 : i32 to index
        %get3A_703 = arith.constant 96 : index
        %get3A_704 = tpu.vector_load %arg8[%get3A_702, %get3A_703] {strides = array<i32>} : memref<200x128xf32, #tpu.memory_space<vmem>>, vector<16xf32>,
        %get3A_705 = arith.index_cast %add3A_654 : i32 to index
        %get3A_706 = arith.constant 96 : index
        %get3A_707 = tpu.vector_load %arg9[%get3A_705, %get3A_706] {strides = array<i32>} : memref<200x128xf32, #tpu.memory_space<vmem>>, vector<16xf32>,
        %mul3A_708 = arith.mulf %get3A_704, %get3A_707 : vector<16xf32>
        %add3A_709 = arith.addf %add3A_701, %mul3A_708 : vector<16xf32>
        %get3A_710 = arith.index_cast %add3A_654 : i32 to index
        %get3A_711 = arith.constant 112 : index
        %get3A_712 = tpu.vector_load %arg8[%get3A_710, %get3A_711] {strides = array<i32>} : memref<200x128xf32, #tpu.memory_space<vmem>>, vector<16xf32>,
        %get3A_713 = arith.index_cast %add3A_654 : i32 to index
        %get3A_714 = arith.constant 112 : index
        %get3A_715 = tpu.vector_load %arg9[%get3A_713, %get3A_714] {strides = array<i32>} : memref<200x128xf32, #tpu.memory_space<vmem>>, vector<16xf32>,
        %mul3A_716 = arith.mulf %get3A_712, %get3A_715 : vector<16xf32>
        %add3A_717 = arith.addf %add3A_709, %mul3A_716 : vector<16xf32>
        %broadcast_in_dim3A_718 = arith.constant true
        %broadcast_in_dim3A_719 = vector.broadcast %broadcast_in_dim3A_718 : i1 to vector<16xi1>
        %masked_cumsum3A_720 = tpu.scan <sum>, %add3A_717 masked %broadcast_in_dim3A_719 : vector<16xf32>, vector<16xi1> -> vector<16xf32>
        %broadcast_in_dim3A_721 = arith.constant 0 : i32
        %broadcast_in_dim3A_722 = vector.broadcast %broadcast_in_dim3A_721 : i32 to vector<16xi32>
        %add3A_723 = vector.broadcast %add3A_654 : i32 to vector<16xi32>
        %add3A_724 = arith.addi %broadcast_in_dim3A_722, %add3A_723 : vector<16xi32>
        tpu.vector_store_idx %arg12[%add3A_724], %masked_cumsum3A_720 masked %eq3A_58 : memref<208xf32, #tpu.memory_space<vmem>>[vector<16xi32>], vector<16xf32>, vector<16xi1>
      }
      %scan3A_64 = arith.constant 25 : i32
      %scan3A_65 = arith.constant 0 : i32
      %scan3A_66 = arith.constant 0 : i32
      %scan3A_67 = arith.constant 13 : i32
      %scan3A_68 = arith.addi %scan3A_66, %scan3A_67 : i32
      %scan3A_69 = arith.constant 1 : i32
      scf.for %scan3A_135 = %scan3A_66 to %scan3A_68 step %scan3A_69  : i32 {
        %mul3A_136 = arith.constant 16 : i32
        %mul3A_137 = arith.muli %scan3A_135, %mul3A_136 : i32
        %get3A = arith.index_cast %mul3A_137 : i32 to index
        %get3A_138 = tpu.vector_load %arg12[%get3A] {strides = array<i32>} : memref<208xf32, #tpu.memory_space<vmem>>, vector<16xf32>,
        %neg3A = arith.constant 0.000000e+00 : f32
        %neg3A_139 = vector.broadcast %neg3A : f32 to vector<16xf32>
        %neg3A_140 = arith.subf %neg3A_139, %get3A_138 : vector<16xf32>
        %exp3A = math.exp %neg3A_140 : vector<16xf32>
        %add3A_141 = arith.constant 1.000000e+00 : f32
        %add3A_142 = vector.broadcast %add3A_141 : f32 to vector<16xf32>
        %add3A_143 = arith.addf %add3A_142, %exp3A : vector<16xf32>
        %div3A = arith.constant 1.000000e+00 : f32
        %div3A_144 = vector.broadcast %div3A : f32 to vector<16xf32>
        %div3A_145 = arith.divf %div3A_144, %add3A_143 : vector<16xf32>
        %add3A_146 = arith.constant 1.000000e-15 : f32
        %add3A_147 = vector.broadcast %add3A_146 : f32 to vector<16xf32>
        %add3A_148 = arith.addf %div3A_145, %add3A_147 : vector<16xf32>
        %mul3A_149 = arith.constant 16 : i32
        %mul3A_150 = arith.muli %scan3A_135, %mul3A_149 : i32
        %swap3A = arith.index_cast %mul3A_150 : i32 to index
        %swap3A_151 = tpu.vector_load %arg12[%swap3A] {strides = array<i32>} : memref<208xf32, #tpu.memory_space<vmem>>, vector<16xf32>,
        tpu.vector_store %arg12[%swap3A], %add3A_148 {strides = array<i32>} : memref<208xf32, #tpu.memory_space<vmem>>, vector<16xf32>,
      }
      %scan3A_70 = arith.constant 13 : i32
      %add3A_71 = arith.addi %mul3A_2, %mul3A_56 : i32
      %dma_start3A_72 = arith.constant 0 : i32
      %dma_start3A_73 = tpu.memref_slice %arg12[%dma_start3A_72] : memref<208xf32, #tpu.memory_space<vmem>> -> memref<200xf32, #tpu.memory_space<vmem>>
      %dma_start3A_74 = tpu.memref_slice %arg5[%add3A_71] : memref<320000xf32, #tpu.memory_space<hbm>> -> memref<200xf32, #tpu.memory_space<hbm>>
      %dma_start3A_75 = tpu.memref_slice %arg5[%add3A_71] : memref<320000xf32, #tpu.memory_space<hbm>> -> memref<200xf32, #tpu.memory_space<hbm>>
      %dma_start3A_76 = arith.constant 0 : i32
      %dma_start3A_77 = tpu.memref_slice %arg12[%dma_start3A_76] : memref<208xf32, #tpu.memory_space<vmem>> -> memref<200xf32, #tpu.memory_space<vmem>>
      tpu.enqueue_dma source(%dma_start3A_77 : memref<200xf32, #tpu.memory_space<vmem>>) target(%dma_start3A_75 : memref<200xf32, #tpu.memory_space<hbm>>) target_semaphore(%arg18 : memref<!tpu.dma_semaphore, #tpu.memory_space<semaphore_mem>>)
      %add3A_78 = arith.constant 2 : i32
      %add3A_79 = arith.addi %mul3A_40, %add3A_78 : i32
      %lt3A = arith.constant 50 : i32
      %lt3A_80 = arith.cmpi slt, %add3A_79, %lt3A : i32
      %convert_element_type3A_81 = arith.extui %lt3A_80 : i1 to i32
      %cond3A_82 = arith.constant 0 : i32
      %cond3A_83 = arith.cmpi ne, %convert_element_type3A_81, %cond3A_82 : i32
      scf.if %cond3A_83 {
        %add3A_135 = arith.constant 2 : i32
        %add3A_136 = arith.addi %mul3A_40, %add3A_135 : i32
        %mul3A_137 = arith.constant 200 : i32
        %mul3A_138 = arith.muli %add3A_136, %mul3A_137 : i32
        %dma_start3A_139 = tpu.memref_slice %arg6[%mul3A_138] : memref<10000xi32, #tpu.memory_space<vmem>> -> memref<200xi32, #tpu.memory_space<vmem>>
        %dma_start3A_140 = arith.constant 0 : i32
        %dma_start3A_141 = arith.constant 0 : i32
        %dma_start3A_142 = tpu.memref_slice %arg2[%dma_start3A_140, %dma_start3A_141] : memref<10000x128xf32, #tpu.memory_space<hbm>> -> memref<10000x128xf32, #tpu.memory_space<hbm>>
        tpu.enqueue_indirect_dma source(%dma_start3A_142 : memref<10000x128xf32, #tpu.memory_space<hbm>>) target(%arg8 : memref<200x128xf32, #tpu.memory_space<vmem>>) offsets(%dma_start3A_139 : memref<200xi32, #tpu.memory_space<vmem>>) semaphore(%arg14 : memref<!tpu.dma_semaphore, #tpu.memory_space<semaphore_mem>>)
        %dma_start3A_143 = tpu.memref_slice %arg7[%mul3A_138] : memref<10000xi32, #tpu.memory_space<vmem>> -> memref<200xi32, #tpu.memory_space<vmem>>
        %dma_start3A_144 = arith.constant 0 : i32
        %dma_start3A_145 = arith.constant 0 : i32
        %dma_start3A_146 = tpu.memref_slice %arg2[%dma_start3A_144, %dma_start3A_145] : memref<10000x128xf32, #tpu.memory_space<hbm>> -> memref<10000x128xf32, #tpu.memory_space<hbm>>
        tpu.enqueue_indirect_dma source(%dma_start3A_146 : memref<10000x128xf32, #tpu.memory_space<hbm>>) target(%arg9 : memref<200x128xf32, #tpu.memory_space<vmem>>) offsets(%dma_start3A_143 : memref<200xi32, #tpu.memory_space<vmem>>) semaphore(%arg15 : memref<!tpu.dma_semaphore, #tpu.memory_space<semaphore_mem>>)
      } else {
      }
      %dma_wait3A_84 = arith.constant 0 : i32
      %dma_wait3A_85 = arith.constant 0 : i32
      %dma_wait3A_86 = tpu.memref_slice %arg2[%dma_wait3A_84, %dma_wait3A_85] : memref<10000x128xf32, #tpu.memory_space<hbm>> -> memref<200x128xf32, #tpu.memory_space<hbm>>
      %dma_wait3A_87 = arith.constant 0 : i32
      %dma_wait3A_88 = arith.constant 0 : i32
      %dma_wait3A_89 = tpu.memref_slice %arg2[%dma_wait3A_87, %dma_wait3A_88] : memref<10000x128xf32, #tpu.memory_space<hbm>> -> memref<200x128xf32, #tpu.memory_space<hbm>>
      tpu.wait_dma2 semaphore(%arg16 : memref<!tpu.dma_semaphore, #tpu.memory_space<semaphore_mem>>) src(%dma_wait3A_89 : memref<200x128xf32, #tpu.memory_space<hbm>>) dst(%arg10 : memref<200x128xf32, #tpu.memory_space<vmem>>)
      %dma_wait3A_90 = arith.constant 0 : i32
      %dma_wait3A_91 = arith.constant 0 : i32
      %dma_wait3A_92 = tpu.memref_slice %arg2[%dma_wait3A_90, %dma_wait3A_91] : memref<10000x128xf32, #tpu.memory_space<hbm>> -> memref<200x128xf32, #tpu.memory_space<hbm>>
      %dma_wait3A_93 = arith.constant 0 : i32
      %dma_wait3A_94 = arith.constant 0 : i32
      %dma_wait3A_95 = tpu.memref_slice %arg2[%dma_wait3A_93, %dma_wait3A_94] : memref<10000x128xf32, #tpu.memory_space<hbm>> -> memref<200x128xf32, #tpu.memory_space<hbm>>
      tpu.wait_dma2 semaphore(%arg17 : memref<!tpu.dma_semaphore, #tpu.memory_space<semaphore_mem>>) src(%dma_wait3A_95 : memref<200x128xf32, #tpu.memory_space<hbm>>) dst(%arg11 : memref<200x128xf32, #tpu.memory_space<vmem>>)
      %gt3A_96 = arith.constant 0 : i32
      %gt3A_97 = arith.cmpi sgt, %scan3A_38, %gt3A_96 : i32
      %convert_element_type3A_98 = arith.extui %gt3A_97 : i1 to i32
      %cond3A_99 = arith.constant 0 : i32
      %cond3A_100 = arith.cmpi ne, %convert_element_type3A_98, %cond3A_99 : i32
      scf.if %cond3A_100 {
        %dma_wait3A_135 = arith.constant 0 : i32
        %dma_wait3A_136 = tpu.memref_slice %arg13[%dma_wait3A_135] : memref<208xf32, #tpu.memory_space<vmem>> -> memref<200xf32, #tpu.memory_space<vmem>>
        %dma_wait3A_137 = tpu.memref_slice %arg5[%mul3A_2] : memref<320000xf32, #tpu.memory_space<hbm>> -> memref<200xf32, #tpu.memory_space<hbm>>
        %dma_wait3A_138 = tpu.memref_slice %arg5[%mul3A_2] : memref<320000xf32, #tpu.memory_space<hbm>> -> memref<200xf32, #tpu.memory_space<hbm>>
        %dma_wait3A_139 = arith.constant 0 : i32
        %dma_wait3A_140 = tpu.memref_slice %arg13[%dma_wait3A_139] : memref<208xf32, #tpu.memory_space<vmem>> -> memref<200xf32, #tpu.memory_space<vmem>>
        tpu.wait_dma2 semaphore(%arg19 : memref<!tpu.dma_semaphore, #tpu.memory_space<semaphore_mem>>) src(%dma_wait3A_140 : memref<200xf32, #tpu.memory_space<vmem>>) dst(%dma_wait3A_138 : memref<200xf32, #tpu.memory_space<hbm>>)
      } else {
      }
      %add3A_101 = arith.constant 1 : i32
      %add3A_102 = arith.addi %mul3A_40, %add3A_101 : i32
      %mul3A_103 = arith.constant 200 : i32
      %mul3A_104 = arith.muli %add3A_102, %mul3A_103 : i32
      %iota3A_105 = tpu.iota {dimensions = array<i32: 0>} : vector<16xi32>
      %eq3A_106 = arith.constant 15 : i32
      %eq3A_107 = vector.broadcast %eq3A_106 : i32 to vector<16xi32>
      %eq3A_108 = arith.cmpi eq, %iota3A_105, %eq3A_107 : vector<16xi32>
      %scan3A_109 = arith.constant 0 : i32
      %scan3A_110 = arith.constant 0 : i32
      %scan3A_111 = arith.constant 25 : i32
      %scan3A_112 = arith.addi %scan3A_110, %scan3A_111 : i32
      %scan3A_113 = arith.constant 1 : i32
      scf.for %scan3A_135 = %scan3A_110 to %scan3A_112 step %scan3A_113  : i32 {
        %mul3A_136 = arith.constant 8 : i32
        %mul3A_137 = arith.muli %scan3A_135, %mul3A_136 : i32
        %add3A_138 = arith.constant 0 : i32
        %add3A_139 = arith.addi %mul3A_137, %add3A_138 : i32
        %get3A = arith.index_cast %add3A_139 : i32 to index
        %get3A_140 = arith.constant 0 : index
        %get3A_141 = tpu.vector_load %arg10[%get3A, %get3A_140] {strides = array<i32>} : memref<200x128xf32, #tpu.memory_space<vmem>>, vector<16xf32>,
        %get3A_142 = arith.index_cast %add3A_139 : i32 to index
        %get3A_143 = arith.constant 0 : index
        %get3A_144 = tpu.vector_load %arg11[%get3A_142, %get3A_143] {strides = array<i32>} : memref<200x128xf32, #tpu.memory_space<vmem>>, vector<16xf32>,
        %mul3A_145 = arith.mulf %get3A_141, %get3A_144 : vector<16xf32>
        %get3A_146 = arith.index_cast %add3A_139 : i32 to index
        %get3A_147 = arith.constant 16 : index
        %get3A_148 = tpu.vector_load %arg10[%get3A_146, %get3A_147] {strides = array<i32>} : memref<200x128xf32, #tpu.memory_space<vmem>>, vector<16xf32>,
        %get3A_149 = arith.index_cast %add3A_139 : i32 to index
        %get3A_150 = arith.constant 16 : index
        %get3A_151 = tpu.vector_load %arg11[%get3A_149, %get3A_150] {strides = array<i32>} : memref<200x128xf32, #tpu.memory_space<vmem>>, vector<16xf32>,
        %mul3A_152 = arith.mulf %get3A_148, %get3A_151 : vector<16xf32>
        %add3A_153 = arith.addf %mul3A_145, %mul3A_152 : vector<16xf32>
        %get3A_154 = arith.index_cast %add3A_139 : i32 to index
        %get3A_155 = arith.constant 32 : index
        %get3A_156 = tpu.vector_load %arg10[%get3A_154, %get3A_155] {strides = array<i32>} : memref<200x128xf32, #tpu.memory_space<vmem>>, vector<16xf32>,
        %get3A_157 = arith.index_cast %add3A_139 : i32 to index
        %get3A_158 = arith.constant 32 : index
        %get3A_159 = tpu.vector_load %arg11[%get3A_157, %get3A_158] {strides = array<i32>} : memref<200x128xf32, #tpu.memory_space<vmem>>, vector<16xf32>,
        %mul3A_160 = arith.mulf %get3A_156, %get3A_159 : vector<16xf32>
        %add3A_161 = arith.addf %add3A_153, %mul3A_160 : vector<16xf32>
        %get3A_162 = arith.index_cast %add3A_139 : i32 to index
        %get3A_163 = arith.constant 48 : index
        %get3A_164 = tpu.vector_load %arg10[%get3A_162, %get3A_163] {strides = array<i32>} : memref<200x128xf32, #tpu.memory_space<vmem>>, vector<16xf32>,
        %get3A_165 = arith.index_cast %add3A_139 : i32 to index
        %get3A_166 = arith.constant 48 : index
        %get3A_167 = tpu.vector_load %arg11[%get3A_165, %get3A_166] {strides = array<i32>} : memref<200x128xf32, #tpu.memory_space<vmem>>, vector<16xf32>,
        %mul3A_168 = arith.mulf %get3A_164, %get3A_167 : vector<16xf32>
        %add3A_169 = arith.addf %add3A_161, %mul3A_168 : vector<16xf32>
        %get3A_170 = arith.index_cast %add3A_139 : i32 to index
        %get3A_171 = arith.constant 64 : index
        %get3A_172 = tpu.vector_load %arg10[%get3A_170, %get3A_171] {strides = array<i32>} : memref<200x128xf32, #tpu.memory_space<vmem>>, vector<16xf32>,
        %get3A_173 = arith.index_cast %add3A_139 : i32 to index
        %get3A_174 = arith.constant 64 : index
        %get3A_175 = tpu.vector_load %arg11[%get3A_173, %get3A_174] {strides = array<i32>} : memref<200x128xf32, #tpu.memory_space<vmem>>, vector<16xf32>,
        %mul3A_176 = arith.mulf %get3A_172, %get3A_175 : vector<16xf32>
        %add3A_177 = arith.addf %add3A_169, %mul3A_176 : vector<16xf32>
        %get3A_178 = arith.index_cast %add3A_139 : i32 to index
        %get3A_179 = arith.constant 80 : index
        %get3A_180 = tpu.vector_load %arg10[%get3A_178, %get3A_179] {strides = array<i32>} : memref<200x128xf32, #tpu.memory_space<vmem>>, vector<16xf32>,
        %get3A_181 = arith.index_cast %add3A_139 : i32 to index
        %get3A_182 = arith.constant 80 : index
        %get3A_183 = tpu.vector_load %arg11[%get3A_181, %get3A_182] {strides = array<i32>} : memref<200x128xf32, #tpu.memory_space<vmem>>, vector<16xf32>,
        %mul3A_184 = arith.mulf %get3A_180, %get3A_183 : vector<16xf32>
        %add3A_185 = arith.addf %add3A_177, %mul3A_184 : vector<16xf32>
        %get3A_186 = arith.index_cast %add3A_139 : i32 to index
        %get3A_187 = arith.constant 96 : index
        %get3A_188 = tpu.vector_load %arg10[%get3A_186, %get3A_187] {strides = array<i32>} : memref<200x128xf32, #tpu.memory_space<vmem>>, vector<16xf32>,
        %get3A_189 = arith.index_cast %add3A_139 : i32 to index
        %get3A_190 = arith.constant 96 : index
        %get3A_191 = tpu.vector_load %arg11[%get3A_189, %get3A_190] {strides = array<i32>} : memref<200x128xf32, #tpu.memory_space<vmem>>, vector<16xf32>,
        %mul3A_192 = arith.mulf %get3A_188, %get3A_191 : vector<16xf32>
        %add3A_193 = arith.addf %add3A_185, %mul3A_192 : vector<16xf32>
        %get3A_194 = arith.index_cast %add3A_139 : i32 to index
        %get3A_195 = arith.constant 112 : index
        %get3A_196 = tpu.vector_load %arg10[%get3A_194, %get3A_195] {strides = array<i32>} : memref<200x128xf32, #tpu.memory_space<vmem>>, vector<16xf32>,
        %get3A_197 = arith.index_cast %add3A_139 : i32 to index
        %get3A_198 = arith.constant 112 : index
        %get3A_199 = tpu.vector_load %arg11[%get3A_197, %get3A_198] {strides = array<i32>} : memref<200x128xf32, #tpu.memory_space<vmem>>, vector<16xf32>,
        %mul3A_200 = arith.mulf %get3A_196, %get3A_199 : vector<16xf32>
        %add3A_201 = arith.addf %add3A_193, %mul3A_200 : vector<16xf32>
        %broadcast_in_dim3A = arith.constant true
        %broadcast_in_dim3A_202 = vector.broadcast %broadcast_in_dim3A : i1 to vector<16xi1>
        %masked_cumsum3A = tpu.scan <sum>, %add3A_201 masked %broadcast_in_dim3A_202 : vector<16xf32>, vector<16xi1> -> vector<16xf32>
        %broadcast_in_dim3A_203 = arith.constant 0 : i32
        %broadcast_in_dim3A_204 = vector.broadcast %broadcast_in_dim3A_203 : i32 to vector<16xi32>
        %add3A_205 = vector.broadcast %add3A_139 : i32 to vector<16xi32>
        %add3A_206 = arith.addi %broadcast_in_dim3A_204, %add3A_205 : vector<16xi32>
        tpu.vector_store_idx %arg13[%add3A_206], %masked_cumsum3A masked %eq3A_108 : memref<208xf32, #tpu.memory_space<vmem>>[vector<16xi32>], vector<16xf32>, vector<16xi1>
        %mul3A_207 = arith.constant 8 : i32
        %mul3A_208 = arith.muli %scan3A_135, %mul3A_207 : i32
        %add3A_209 = arith.constant 1 : i32
        %add3A_210 = arith.addi %mul3A_208, %add3A_209 : i32
        %get3A_211 = arith.index_cast %add3A_210 : i32 to index
        %get3A_212 = arith.constant 0 : index
        %get3A_213 = tpu.vector_load %arg10[%get3A_211, %get3A_212] {strides = array<i32>} : memref<200x128xf32, #tpu.memory_space<vmem>>, vector<16xf32>,
        %get3A_214 = arith.index_cast %add3A_210 : i32 to index
        %get3A_215 = arith.constant 0 : index
        %get3A_216 = tpu.vector_load %arg11[%get3A_214, %get3A_215] {strides = array<i32>} : memref<200x128xf32, #tpu.memory_space<vmem>>, vector<16xf32>,
        %mul3A_217 = arith.mulf %get3A_213, %get3A_216 : vector<16xf32>
        %get3A_218 = arith.index_cast %add3A_210 : i32 to index
        %get3A_219 = arith.constant 16 : index
        %get3A_220 = tpu.vector_load %arg10[%get3A_218, %get3A_219] {strides = array<i32>} : memref<200x128xf32, #tpu.memory_space<vmem>>, vector<16xf32>,
        %get3A_221 = arith.index_cast %add3A_210 : i32 to index
        %get3A_222 = arith.constant 16 : index
        %get3A_223 = tpu.vector_load %arg11[%get3A_221, %get3A_222] {strides = array<i32>} : memref<200x128xf32, #tpu.memory_space<vmem>>, vector<16xf32>,
        %mul3A_224 = arith.mulf %get3A_220, %get3A_223 : vector<16xf32>
        %add3A_225 = arith.addf %mul3A_217, %mul3A_224 : vector<16xf32>
        %get3A_226 = arith.index_cast %add3A_210 : i32 to index
        %get3A_227 = arith.constant 32 : index
        %get3A_228 = tpu.vector_load %arg10[%get3A_226, %get3A_227] {strides = array<i32>} : memref<200x128xf32, #tpu.memory_space<vmem>>, vector<16xf32>,
        %get3A_229 = arith.index_cast %add3A_210 : i32 to index
        %get3A_230 = arith.constant 32 : index
        %get3A_231 = tpu.vector_load %arg11[%get3A_229, %get3A_230] {strides = array<i32>} : memref<200x128xf32, #tpu.memory_space<vmem>>, vector<16xf32>,
        %mul3A_232 = arith.mulf %get3A_228, %get3A_231 : vector<16xf32>
        %add3A_233 = arith.addf %add3A_225, %mul3A_232 : vector<16xf32>
        %get3A_234 = arith.index_cast %add3A_210 : i32 to index
        %get3A_235 = arith.constant 48 : index
        %get3A_236 = tpu.vector_load %arg10[%get3A_234, %get3A_235] {strides = array<i32>} : memref<200x128xf32, #tpu.memory_space<vmem>>, vector<16xf32>,
        %get3A_237 = arith.index_cast %add3A_210 : i32 to index
        %get3A_238 = arith.constant 48 : index
        %get3A_239 = tpu.vector_load %arg11[%get3A_237, %get3A_238] {strides = array<i32>} : memref<200x128xf32, #tpu.memory_space<vmem>>, vector<16xf32>,
        %mul3A_240 = arith.mulf %get3A_236, %get3A_239 : vector<16xf32>
        %add3A_241 = arith.addf %add3A_233, %mul3A_240 : vector<16xf32>
        %get3A_242 = arith.index_cast %add3A_210 : i32 to index
        %get3A_243 = arith.constant 64 : index
        %get3A_244 = tpu.vector_load %arg10[%get3A_242, %get3A_243] {strides = array<i32>} : memref<200x128xf32, #tpu.memory_space<vmem>>, vector<16xf32>,
        %get3A_245 = arith.index_cast %add3A_210 : i32 to index
        %get3A_246 = arith.constant 64 : index
        %get3A_247 = tpu.vector_load %arg11[%get3A_245, %get3A_246] {strides = array<i32>} : memref<200x128xf32, #tpu.memory_space<vmem>>, vector<16xf32>,
        %mul3A_248 = arith.mulf %get3A_244, %get3A_247 : vector<16xf32>
        %add3A_249 = arith.addf %add3A_241, %mul3A_248 : vector<16xf32>
        %get3A_250 = arith.index_cast %add3A_210 : i32 to index
        %get3A_251 = arith.constant 80 : index
        %get3A_252 = tpu.vector_load %arg10[%get3A_250, %get3A_251] {strides = array<i32>} : memref<200x128xf32, #tpu.memory_space<vmem>>, vector<16xf32>,
        %get3A_253 = arith.index_cast %add3A_210 : i32 to index
        %get3A_254 = arith.constant 80 : index
        %get3A_255 = tpu.vector_load %arg11[%get3A_253, %get3A_254] {strides = array<i32>} : memref<200x128xf32, #tpu.memory_space<vmem>>, vector<16xf32>,
        %mul3A_256 = arith.mulf %get3A_252, %get3A_255 : vector<16xf32>
        %add3A_257 = arith.addf %add3A_249, %mul3A_256 : vector<16xf32>
        %get3A_258 = arith.index_cast %add3A_210 : i32 to index
        %get3A_259 = arith.constant 96 : index
        %get3A_260 = tpu.vector_load %arg10[%get3A_258, %get3A_259] {strides = array<i32>} : memref<200x128xf32, #tpu.memory_space<vmem>>, vector<16xf32>,
        %get3A_261 = arith.index_cast %add3A_210 : i32 to index
        %get3A_262 = arith.constant 96 : index
        %get3A_263 = tpu.vector_load %arg11[%get3A_261, %get3A_262] {strides = array<i32>} : memref<200x128xf32, #tpu.memory_space<vmem>>, vector<16xf32>,
        %mul3A_264 = arith.mulf %get3A_260, %get3A_263 : vector<16xf32>
        %add3A_265 = arith.addf %add3A_257, %mul3A_264 : vector<16xf32>
        %get3A_266 = arith.index_cast %add3A_210 : i32 to index
        %get3A_267 = arith.constant 112 : index
        %get3A_268 = tpu.vector_load %arg10[%get3A_266, %get3A_267] {strides = array<i32>} : memref<200x128xf32, #tpu.memory_space<vmem>>, vector<16xf32>,
        %get3A_269 = arith.index_cast %add3A_210 : i32 to index
        %get3A_270 = arith.constant 112 : index
        %get3A_271 = tpu.vector_load %arg11[%get3A_269, %get3A_270] {strides = array<i32>} : memref<200x128xf32, #tpu.memory_space<vmem>>, vector<16xf32>,
        %mul3A_272 = arith.mulf %get3A_268, %get3A_271 : vector<16xf32>
        %add3A_273 = arith.addf %add3A_265, %mul3A_272 : vector<16xf32>
        %broadcast_in_dim3A_274 = arith.constant true
        %broadcast_in_dim3A_275 = vector.broadcast %broadcast_in_dim3A_274 : i1 to vector<16xi1>
        %masked_cumsum3A_276 = tpu.scan <sum>, %add3A_273 masked %broadcast_in_dim3A_275 : vector<16xf32>, vector<16xi1> -> vector<16xf32>
        %broadcast_in_dim3A_277 = arith.constant 0 : i32
        %broadcast_in_dim3A_278 = vector.broadcast %broadcast_in_dim3A_277 : i32 to vector<16xi32>
        %add3A_279 = vector.broadcast %add3A_210 : i32 to vector<16xi32>
        %add3A_280 = arith.addi %broadcast_in_dim3A_278, %add3A_279 : vector<16xi32>
        tpu.vector_store_idx %arg13[%add3A_280], %masked_cumsum3A_276 masked %eq3A_108 : memref<208xf32, #tpu.memory_space<vmem>>[vector<16xi32>], vector<16xf32>, vector<16xi1>
        %mul3A_281 = arith.constant 8 : i32
        %mul3A_282 = arith.muli %scan3A_135, %mul3A_281 : i32
        %add3A_283 = arith.constant 2 : i32
        %add3A_284 = arith.addi %mul3A_282, %add3A_283 : i32
        %get3A_285 = arith.index_cast %add3A_284 : i32 to index
        %get3A_286 = arith.constant 0 : index
        %get3A_287 = tpu.vector_load %arg10[%get3A_285, %get3A_286] {strides = array<i32>} : memref<200x128xf32, #tpu.memory_space<vmem>>, vector<16xf32>,
        %get3A_288 = arith.index_cast %add3A_284 : i32 to index
        %get3A_289 = arith.constant 0 : index
        %get3A_290 = tpu.vector_load %arg11[%get3A_288, %get3A_289] {strides = array<i32>} : memref<200x128xf32, #tpu.memory_space<vmem>>, vector<16xf32>,
        %mul3A_291 = arith.mulf %get3A_287, %get3A_290 : vector<16xf32>
        %get3A_292 = arith.index_cast %add3A_284 : i32 to index
        %get3A_293 = arith.constant 16 : index
        %get3A_294 = tpu.vector_load %arg10[%get3A_292, %get3A_293] {strides = array<i32>} : memref<200x128xf32, #tpu.memory_space<vmem>>, vector<16xf32>,
        %get3A_295 = arith.index_cast %add3A_284 : i32 to index
        %get3A_296 = arith.constant 16 : index
        %get3A_297 = tpu.vector_load %arg11[%get3A_295, %get3A_296] {strides = array<i32>} : memref<200x128xf32, #tpu.memory_space<vmem>>, vector<16xf32>,
        %mul3A_298 = arith.mulf %get3A_294, %get3A_297 : vector<16xf32>
        %add3A_299 = arith.addf %mul3A_291, %mul3A_298 : vector<16xf32>
        %get3A_300 = arith.index_cast %add3A_284 : i32 to index
        %get3A_301 = arith.constant 32 : index
        %get3A_302 = tpu.vector_load %arg10[%get3A_300, %get3A_301] {strides = array<i32>} : memref<200x128xf32, #tpu.memory_space<vmem>>, vector<16xf32>,
        %get3A_303 = arith.index_cast %add3A_284 : i32 to index
        %get3A_304 = arith.constant 32 : index
        %get3A_305 = tpu.vector_load %arg11[%get3A_303, %get3A_304] {strides = array<i32>} : memref<200x128xf32, #tpu.memory_space<vmem>>, vector<16xf32>,
        %mul3A_306 = arith.mulf %get3A_302, %get3A_305 : vector<16xf32>
        %add3A_307 = arith.addf %add3A_299, %mul3A_306 : vector<16xf32>
        %get3A_308 = arith.index_cast %add3A_284 : i32 to index
        %get3A_309 = arith.constant 48 : index
        %get3A_310 = tpu.vector_load %arg10[%get3A_308, %get3A_309] {strides = array<i32>} : memref<200x128xf32, #tpu.memory_space<vmem>>, vector<16xf32>,
        %get3A_311 = arith.index_cast %add3A_284 : i32 to index
        %get3A_312 = arith.constant 48 : index
        %get3A_313 = tpu.vector_load %arg11[%get3A_311, %get3A_312] {strides = array<i32>} : memref<200x128xf32, #tpu.memory_space<vmem>>, vector<16xf32>,
        %mul3A_314 = arith.mulf %get3A_310, %get3A_313 : vector<16xf32>
        %add3A_315 = arith.addf %add3A_307, %mul3A_314 : vector<16xf32>
        %get3A_316 = arith.index_cast %add3A_284 : i32 to index
        %get3A_317 = arith.constant 64 : index
        %get3A_318 = tpu.vector_load %arg10[%get3A_316, %get3A_317] {strides = array<i32>} : memref<200x128xf32, #tpu.memory_space<vmem>>, vector<16xf32>,
        %get3A_319 = arith.index_cast %add3A_284 : i32 to index
        %get3A_320 = arith.constant 64 : index
        %get3A_321 = tpu.vector_load %arg11[%get3A_319, %get3A_320] {strides = array<i32>} : memref<200x128xf32, #tpu.memory_space<vmem>>, vector<16xf32>,
        %mul3A_322 = arith.mulf %get3A_318, %get3A_321 : vector<16xf32>
        %add3A_323 = arith.addf %add3A_315, %mul3A_322 : vector<16xf32>
        %get3A_324 = arith.index_cast %add3A_284 : i32 to index
        %get3A_325 = arith.constant 80 : index
        %get3A_326 = tpu.vector_load %arg10[%get3A_324, %get3A_325] {strides = array<i32>} : memref<200x128xf32, #tpu.memory_space<vmem>>, vector<16xf32>,
        %get3A_327 = arith.index_cast %add3A_284 : i32 to index
        %get3A_328 = arith.constant 80 : index
        %get3A_329 = tpu.vector_load %arg11[%get3A_327, %get3A_328] {strides = array<i32>} : memref<200x128xf32, #tpu.memory_space<vmem>>, vector<16xf32>,
        %mul3A_330 = arith.mulf %get3A_326, %get3A_329 : vector<16xf32>
        %add3A_331 = arith.addf %add3A_323, %mul3A_330 : vector<16xf32>
        %get3A_332 = arith.index_cast %add3A_284 : i32 to index
        %get3A_333 = arith.constant 96 : index
        %get3A_334 = tpu.vector_load %arg10[%get3A_332, %get3A_333] {strides = array<i32>} : memref<200x128xf32, #tpu.memory_space<vmem>>, vector<16xf32>,
        %get3A_335 = arith.index_cast %add3A_284 : i32 to index
        %get3A_336 = arith.constant 96 : index
        %get3A_337 = tpu.vector_load %arg11[%get3A_335, %get3A_336] {strides = array<i32>} : memref<200x128xf32, #tpu.memory_space<vmem>>, vector<16xf32>,
        %mul3A_338 = arith.mulf %get3A_334, %get3A_337 : vector<16xf32>
        %add3A_339 = arith.addf %add3A_331, %mul3A_338 : vector<16xf32>
        %get3A_340 = arith.index_cast %add3A_284 : i32 to index
        %get3A_341 = arith.constant 112 : index
        %get3A_342 = tpu.vector_load %arg10[%get3A_340, %get3A_341] {strides = array<i32>} : memref<200x128xf32, #tpu.memory_space<vmem>>, vector<16xf32>,
        %get3A_343 = arith.index_cast %add3A_284 : i32 to index
        %get3A_344 = arith.constant 112 : index
        %get3A_345 = tpu.vector_load %arg11[%get3A_343, %get3A_344] {strides = array<i32>} : memref<200x128xf32, #tpu.memory_space<vmem>>, vector<16xf32>,
        %mul3A_346 = arith.mulf %get3A_342, %get3A_345 : vector<16xf32>
        %add3A_347 = arith.addf %add3A_339, %mul3A_346 : vector<16xf32>
        %broadcast_in_dim3A_348 = arith.constant true
        %broadcast_in_dim3A_349 = vector.broadcast %broadcast_in_dim3A_348 : i1 to vector<16xi1>
        %masked_cumsum3A_350 = tpu.scan <sum>, %add3A_347 masked %broadcast_in_dim3A_349 : vector<16xf32>, vector<16xi1> -> vector<16xf32>
        %broadcast_in_dim3A_351 = arith.constant 0 : i32
        %broadcast_in_dim3A_352 = vector.broadcast %broadcast_in_dim3A_351 : i32 to vector<16xi32>
        %add3A_353 = vector.broadcast %add3A_284 : i32 to vector<16xi32>
        %add3A_354 = arith.addi %broadcast_in_dim3A_352, %add3A_353 : vector<16xi32>
        tpu.vector_store_idx %arg13[%add3A_354], %masked_cumsum3A_350 masked %eq3A_108 : memref<208xf32, #tpu.memory_space<vmem>>[vector<16xi32>], vector<16xf32>, vector<16xi1>
        %mul3A_355 = arith.constant 8 : i32
        %mul3A_356 = arith.muli %scan3A_135, %mul3A_355 : i32
        %add3A_357 = arith.constant 3 : i32
        %add3A_358 = arith.addi %mul3A_356, %add3A_357 : i32
        %get3A_359 = arith.index_cast %add3A_358 : i32 to index
        %get3A_360 = arith.constant 0 : index
        %get3A_361 = tpu.vector_load %arg10[%get3A_359, %get3A_360] {strides = array<i32>} : memref<200x128xf32, #tpu.memory_space<vmem>>, vector<16xf32>,
        %get3A_362 = arith.index_cast %add3A_358 : i32 to index
        %get3A_363 = arith.constant 0 : index
        %get3A_364 = tpu.vector_load %arg11[%get3A_362, %get3A_363] {strides = array<i32>} : memref<200x128xf32, #tpu.memory_space<vmem>>, vector<16xf32>,
        %mul3A_365 = arith.mulf %get3A_361, %get3A_364 : vector<16xf32>
        %get3A_366 = arith.index_cast %add3A_358 : i32 to index
        %get3A_367 = arith.constant 16 : index
        %get3A_368 = tpu.vector_load %arg10[%get3A_366, %get3A_367] {strides = array<i32>} : memref<200x128xf32, #tpu.memory_space<vmem>>, vector<16xf32>,
        %get3A_369 = arith.index_cast %add3A_358 : i32 to index
        %get3A_370 = arith.constant 16 : index
        %get3A_371 = tpu.vector_load %arg11[%get3A_369, %get3A_370] {strides = array<i32>} : memref<200x128xf32, #tpu.memory_space<vmem>>, vector<16xf32>,
        %mul3A_372 = arith.mulf %get3A_368, %get3A_371 : vector<16xf32>
        %add3A_373 = arith.addf %mul3A_365, %mul3A_372 : vector<16xf32>
        %get3A_374 = arith.index_cast %add3A_358 : i32 to index
        %get3A_375 = arith.constant 32 : index
        %get3A_376 = tpu.vector_load %arg10[%get3A_374, %get3A_375] {strides = array<i32>} : memref<200x128xf32, #tpu.memory_space<vmem>>, vector<16xf32>,
        %get3A_377 = arith.index_cast %add3A_358 : i32 to index
        %get3A_378 = arith.constant 32 : index
        %get3A_379 = tpu.vector_load %arg11[%get3A_377, %get3A_378] {strides = array<i32>} : memref<200x128xf32, #tpu.memory_space<vmem>>, vector<16xf32>,
        %mul3A_380 = arith.mulf %get3A_376, %get3A_379 : vector<16xf32>
        %add3A_381 = arith.addf %add3A_373, %mul3A_380 : vector<16xf32>
        %get3A_382 = arith.index_cast %add3A_358 : i32 to index
        %get3A_383 = arith.constant 48 : index
        %get3A_384 = tpu.vector_load %arg10[%get3A_382, %get3A_383] {strides = array<i32>} : memref<200x128xf32, #tpu.memory_space<vmem>>, vector<16xf32>,
        %get3A_385 = arith.index_cast %add3A_358 : i32 to index
        %get3A_386 = arith.constant 48 : index
        %get3A_387 = tpu.vector_load %arg11[%get3A_385, %get3A_386] {strides = array<i32>} : memref<200x128xf32, #tpu.memory_space<vmem>>, vector<16xf32>,
        %mul3A_388 = arith.mulf %get3A_384, %get3A_387 : vector<16xf32>
        %add3A_389 = arith.addf %add3A_381, %mul3A_388 : vector<16xf32>
        %get3A_390 = arith.index_cast %add3A_358 : i32 to index
        %get3A_391 = arith.constant 64 : index
        %get3A_392 = tpu.vector_load %arg10[%get3A_390, %get3A_391] {strides = array<i32>} : memref<200x128xf32, #tpu.memory_space<vmem>>, vector<16xf32>,
        %get3A_393 = arith.index_cast %add3A_358 : i32 to index
        %get3A_394 = arith.constant 64 : index
        %get3A_395 = tpu.vector_load %arg11[%get3A_393, %get3A_394] {strides = array<i32>} : memref<200x128xf32, #tpu.memory_space<vmem>>, vector<16xf32>,
        %mul3A_396 = arith.mulf %get3A_392, %get3A_395 : vector<16xf32>
        %add3A_397 = arith.addf %add3A_389, %mul3A_396 : vector<16xf32>
        %get3A_398 = arith.index_cast %add3A_358 : i32 to index
        %get3A_399 = arith.constant 80 : index
        %get3A_400 = tpu.vector_load %arg10[%get3A_398, %get3A_399] {strides = array<i32>} : memref<200x128xf32, #tpu.memory_space<vmem>>, vector<16xf32>,
        %get3A_401 = arith.index_cast %add3A_358 : i32 to index
        %get3A_402 = arith.constant 80 : index
        %get3A_403 = tpu.vector_load %arg11[%get3A_401, %get3A_402] {strides = array<i32>} : memref<200x128xf32, #tpu.memory_space<vmem>>, vector<16xf32>,
        %mul3A_404 = arith.mulf %get3A_400, %get3A_403 : vector<16xf32>
        %add3A_405 = arith.addf %add3A_397, %mul3A_404 : vector<16xf32>
        %get3A_406 = arith.index_cast %add3A_358 : i32 to index
        %get3A_407 = arith.constant 96 : index
        %get3A_408 = tpu.vector_load %arg10[%get3A_406, %get3A_407] {strides = array<i32>} : memref<200x128xf32, #tpu.memory_space<vmem>>, vector<16xf32>,
        %get3A_409 = arith.index_cast %add3A_358 : i32 to index
        %get3A_410 = arith.constant 96 : index
        %get3A_411 = tpu.vector_load %arg11[%get3A_409, %get3A_410] {strides = array<i32>} : memref<200x128xf32, #tpu.memory_space<vmem>>, vector<16xf32>,
        %mul3A_412 = arith.mulf %get3A_408, %get3A_411 : vector<16xf32>
        %add3A_413 = arith.addf %add3A_405, %mul3A_412 : vector<16xf32>
        %get3A_414 = arith.index_cast %add3A_358 : i32 to index
        %get3A_415 = arith.constant 112 : index
        %get3A_416 = tpu.vector_load %arg10[%get3A_414, %get3A_415] {strides = array<i32>} : memref<200x128xf32, #tpu.memory_space<vmem>>, vector<16xf32>,
        %get3A_417 = arith.index_cast %add3A_358 : i32 to index
        %get3A_418 = arith.constant 112 : index
        %get3A_419 = tpu.vector_load %arg11[%get3A_417, %get3A_418] {strides = array<i32>} : memref<200x128xf32, #tpu.memory_space<vmem>>, vector<16xf32>,
        %mul3A_420 = arith.mulf %get3A_416, %get3A_419 : vector<16xf32>
        %add3A_421 = arith.addf %add3A_413, %mul3A_420 : vector<16xf32>
        %broadcast_in_dim3A_422 = arith.constant true
        %broadcast_in_dim3A_423 = vector.broadcast %broadcast_in_dim3A_422 : i1 to vector<16xi1>
        %masked_cumsum3A_424 = tpu.scan <sum>, %add3A_421 masked %broadcast_in_dim3A_423 : vector<16xf32>, vector<16xi1> -> vector<16xf32>
        %broadcast_in_dim3A_425 = arith.constant 0 : i32
        %broadcast_in_dim3A_426 = vector.broadcast %broadcast_in_dim3A_425 : i32 to vector<16xi32>
        %add3A_427 = vector.broadcast %add3A_358 : i32 to vector<16xi32>
        %add3A_428 = arith.addi %broadcast_in_dim3A_426, %add3A_427 : vector<16xi32>
        tpu.vector_store_idx %arg13[%add3A_428], %masked_cumsum3A_424 masked %eq3A_108 : memref<208xf32, #tpu.memory_space<vmem>>[vector<16xi32>], vector<16xf32>, vector<16xi1>
        %mul3A_429 = arith.constant 8 : i32
        %mul3A_430 = arith.muli %scan3A_135, %mul3A_429 : i32
        %add3A_431 = arith.constant 4 : i32
        %add3A_432 = arith.addi %mul3A_430, %add3A_431 : i32
        %get3A_433 = arith.index_cast %add3A_432 : i32 to index
        %get3A_434 = arith.constant 0 : index
        %get3A_435 = tpu.vector_load %arg10[%get3A_433, %get3A_434] {strides = array<i32>} : memref<200x128xf32, #tpu.memory_space<vmem>>, vector<16xf32>,
        %get3A_436 = arith.index_cast %add3A_432 : i32 to index
        %get3A_437 = arith.constant 0 : index
        %get3A_438 = tpu.vector_load %arg11[%get3A_436, %get3A_437] {strides = array<i32>} : memref<200x128xf32, #tpu.memory_space<vmem>>, vector<16xf32>,
        %mul3A_439 = arith.mulf %get3A_435, %get3A_438 : vector<16xf32>
        %get3A_440 = arith.index_cast %add3A_432 : i32 to index
        %get3A_441 = arith.constant 16 : index
        %get3A_442 = tpu.vector_load %arg10[%get3A_440, %get3A_441] {strides = array<i32>} : memref<200x128xf32, #tpu.memory_space<vmem>>, vector<16xf32>,
        %get3A_443 = arith.index_cast %add3A_432 : i32 to index
        %get3A_444 = arith.constant 16 : index
        %get3A_445 = tpu.vector_load %arg11[%get3A_443, %get3A_444] {strides = array<i32>} : memref<200x128xf32, #tpu.memory_space<vmem>>, vector<16xf32>,
        %mul3A_446 = arith.mulf %get3A_442, %get3A_445 : vector<16xf32>
        %add3A_447 = arith.addf %mul3A_439, %mul3A_446 : vector<16xf32>
        %get3A_448 = arith.index_cast %add3A_432 : i32 to index
        %get3A_449 = arith.constant 32 : index
        %get3A_450 = tpu.vector_load %arg10[%get3A_448, %get3A_449] {strides = array<i32>} : memref<200x128xf32, #tpu.memory_space<vmem>>, vector<16xf32>,
        %get3A_451 = arith.index_cast %add3A_432 : i32 to index
        %get3A_452 = arith.constant 32 : index
        %get3A_453 = tpu.vector_load %arg11[%get3A_451, %get3A_452] {strides = array<i32>} : memref<200x128xf32, #tpu.memory_space<vmem>>, vector<16xf32>,
        %mul3A_454 = arith.mulf %get3A_450, %get3A_453 : vector<16xf32>
        %add3A_455 = arith.addf %add3A_447, %mul3A_454 : vector<16xf32>
        %get3A_456 = arith.index_cast %add3A_432 : i32 to index
        %get3A_457 = arith.constant 48 : index
        %get3A_458 = tpu.vector_load %arg10[%get3A_456, %get3A_457] {strides = array<i32>} : memref<200x128xf32, #tpu.memory_space<vmem>>, vector<16xf32>,
        %get3A_459 = arith.index_cast %add3A_432 : i32 to index
        %get3A_460 = arith.constant 48 : index
        %get3A_461 = tpu.vector_load %arg11[%get3A_459, %get3A_460] {strides = array<i32>} : memref<200x128xf32, #tpu.memory_space<vmem>>, vector<16xf32>,
        %mul3A_462 = arith.mulf %get3A_458, %get3A_461 : vector<16xf32>
        %add3A_463 = arith.addf %add3A_455, %mul3A_462 : vector<16xf32>
        %get3A_464 = arith.index_cast %add3A_432 : i32 to index
        %get3A_465 = arith.constant 64 : index
        %get3A_466 = tpu.vector_load %arg10[%get3A_464, %get3A_465] {strides = array<i32>} : memref<200x128xf32, #tpu.memory_space<vmem>>, vector<16xf32>,
        %get3A_467 = arith.index_cast %add3A_432 : i32 to index
        %get3A_468 = arith.constant 64 : index
        %get3A_469 = tpu.vector_load %arg11[%get3A_467, %get3A_468] {strides = array<i32>} : memref<200x128xf32, #tpu.memory_space<vmem>>, vector<16xf32>,
        %mul3A_470 = arith.mulf %get3A_466, %get3A_469 : vector<16xf32>
        %add3A_471 = arith.addf %add3A_463, %mul3A_470 : vector<16xf32>
        %get3A_472 = arith.index_cast %add3A_432 : i32 to index
        %get3A_473 = arith.constant 80 : index
        %get3A_474 = tpu.vector_load %arg10[%get3A_472, %get3A_473] {strides = array<i32>} : memref<200x128xf32, #tpu.memory_space<vmem>>, vector<16xf32>,
        %get3A_475 = arith.index_cast %add3A_432 : i32 to index
        %get3A_476 = arith.constant 80 : index
        %get3A_477 = tpu.vector_load %arg11[%get3A_475, %get3A_476] {strides = array<i32>} : memref<200x128xf32, #tpu.memory_space<vmem>>, vector<16xf32>,
        %mul3A_478 = arith.mulf %get3A_474, %get3A_477 : vector<16xf32>
        %add3A_479 = arith.addf %add3A_471, %mul3A_478 : vector<16xf32>
        %get3A_480 = arith.index_cast %add3A_432 : i32 to index
        %get3A_481 = arith.constant 96 : index
        %get3A_482 = tpu.vector_load %arg10[%get3A_480, %get3A_481] {strides = array<i32>} : memref<200x128xf32, #tpu.memory_space<vmem>>, vector<16xf32>,
        %get3A_483 = arith.index_cast %add3A_432 : i32 to index
        %get3A_484 = arith.constant 96 : index
        %get3A_485 = tpu.vector_load %arg11[%get3A_483, %get3A_484] {strides = array<i32>} : memref<200x128xf32, #tpu.memory_space<vmem>>, vector<16xf32>,
        %mul3A_486 = arith.mulf %get3A_482, %get3A_485 : vector<16xf32>
        %add3A_487 = arith.addf %add3A_479, %mul3A_486 : vector<16xf32>
        %get3A_488 = arith.index_cast %add3A_432 : i32 to index
        %get3A_489 = arith.constant 112 : index
        %get3A_490 = tpu.vector_load %arg10[%get3A_488, %get3A_489] {strides = array<i32>} : memref<200x128xf32, #tpu.memory_space<vmem>>, vector<16xf32>,
        %get3A_491 = arith.index_cast %add3A_432 : i32 to index
        %get3A_492 = arith.constant 112 : index
        %get3A_493 = tpu.vector_load %arg11[%get3A_491, %get3A_492] {strides = array<i32>} : memref<200x128xf32, #tpu.memory_space<vmem>>, vector<16xf32>,
        %mul3A_494 = arith.mulf %get3A_490, %get3A_493 : vector<16xf32>
        %add3A_495 = arith.addf %add3A_487, %mul3A_494 : vector<16xf32>
        %broadcast_in_dim3A_496 = arith.constant true
        %broadcast_in_dim3A_497 = vector.broadcast %broadcast_in_dim3A_496 : i1 to vector<16xi1>
        %masked_cumsum3A_498 = tpu.scan <sum>, %add3A_495 masked %broadcast_in_dim3A_497 : vector<16xf32>, vector<16xi1> -> vector<16xf32>
        %broadcast_in_dim3A_499 = arith.constant 0 : i32
        %broadcast_in_dim3A_500 = vector.broadcast %broadcast_in_dim3A_499 : i32 to vector<16xi32>
        %add3A_501 = vector.broadcast %add3A_432 : i32 to vector<16xi32>
        %add3A_502 = arith.addi %broadcast_in_dim3A_500, %add3A_501 : vector<16xi32>
        tpu.vector_store_idx %arg13[%add3A_502], %masked_cumsum3A_498 masked %eq3A_108 : memref<208xf32, #tpu.memory_space<vmem>>[vector<16xi32>], vector<16xf32>, vector<16xi1>
        %mul3A_503 = arith.constant 8 : i32
        %mul3A_504 = arith.muli %scan3A_135, %mul3A_503 : i32
        %add3A_505 = arith.constant 5 : i32
        %add3A_506 = arith.addi %mul3A_504, %add3A_505 : i32
        %get3A_507 = arith.index_cast %add3A_506 : i32 to index
        %get3A_508 = arith.constant 0 : index
        %get3A_509 = tpu.vector_load %arg10[%get3A_507, %get3A_508] {strides = array<i32>} : memref<200x128xf32, #tpu.memory_space<vmem>>, vector<16xf32>,
        %get3A_510 = arith.index_cast %add3A_506 : i32 to index
        %get3A_511 = arith.constant 0 : index
        %get3A_512 = tpu.vector_load %arg11[%get3A_510, %get3A_511] {strides = array<i32>} : memref<200x128xf32, #tpu.memory_space<vmem>>, vector<16xf32>,
        %mul3A_513 = arith.mulf %get3A_509, %get3A_512 : vector<16xf32>
        %get3A_514 = arith.index_cast %add3A_506 : i32 to index
        %get3A_515 = arith.constant 16 : index
        %get3A_516 = tpu.vector_load %arg10[%get3A_514, %get3A_515] {strides = array<i32>} : memref<200x128xf32, #tpu.memory_space<vmem>>, vector<16xf32>,
        %get3A_517 = arith.index_cast %add3A_506 : i32 to index
        %get3A_518 = arith.constant 16 : index
        %get3A_519 = tpu.vector_load %arg11[%get3A_517, %get3A_518] {strides = array<i32>} : memref<200x128xf32, #tpu.memory_space<vmem>>, vector<16xf32>,
        %mul3A_520 = arith.mulf %get3A_516, %get3A_519 : vector<16xf32>
        %add3A_521 = arith.addf %mul3A_513, %mul3A_520 : vector<16xf32>
        %get3A_522 = arith.index_cast %add3A_506 : i32 to index
        %get3A_523 = arith.constant 32 : index
        %get3A_524 = tpu.vector_load %arg10[%get3A_522, %get3A_523] {strides = array<i32>} : memref<200x128xf32, #tpu.memory_space<vmem>>, vector<16xf32>,
        %get3A_525 = arith.index_cast %add3A_506 : i32 to index
        %get3A_526 = arith.constant 32 : index
        %get3A_527 = tpu.vector_load %arg11[%get3A_525, %get3A_526] {strides = array<i32>} : memref<200x128xf32, #tpu.memory_space<vmem>>, vector<16xf32>,
        %mul3A_528 = arith.mulf %get3A_524, %get3A_527 : vector<16xf32>
        %add3A_529 = arith.addf %add3A_521, %mul3A_528 : vector<16xf32>
        %get3A_530 = arith.index_cast %add3A_506 : i32 to index
        %get3A_531 = arith.constant 48 : index
        %get3A_532 = tpu.vector_load %arg10[%get3A_530, %get3A_531] {strides = array<i32>} : memref<200x128xf32, #tpu.memory_space<vmem>>, vector<16xf32>,
        %get3A_533 = arith.index_cast %add3A_506 : i32 to index
        %get3A_534 = arith.constant 48 : index
        %get3A_535 = tpu.vector_load %arg11[%get3A_533, %get3A_534] {strides = array<i32>} : memref<200x128xf32, #tpu.memory_space<vmem>>, vector<16xf32>,
        %mul3A_536 = arith.mulf %get3A_532, %get3A_535 : vector<16xf32>
        %add3A_537 = arith.addf %add3A_529, %mul3A_536 : vector<16xf32>
        %get3A_538 = arith.index_cast %add3A_506 : i32 to index
        %get3A_539 = arith.constant 64 : index
        %get3A_540 = tpu.vector_load %arg10[%get3A_538, %get3A_539] {strides = array<i32>} : memref<200x128xf32, #tpu.memory_space<vmem>>, vector<16xf32>,
        %get3A_541 = arith.index_cast %add3A_506 : i32 to index
        %get3A_542 = arith.constant 64 : index
        %get3A_543 = tpu.vector_load %arg11[%get3A_541, %get3A_542] {strides = array<i32>} : memref<200x128xf32, #tpu.memory_space<vmem>>, vector<16xf32>,
        %mul3A_544 = arith.mulf %get3A_540, %get3A_543 : vector<16xf32>
        %add3A_545 = arith.addf %add3A_537, %mul3A_544 : vector<16xf32>
        %get3A_546 = arith.index_cast %add3A_506 : i32 to index
        %get3A_547 = arith.constant 80 : index
        %get3A_548 = tpu.vector_load %arg10[%get3A_546, %get3A_547] {strides = array<i32>} : memref<200x128xf32, #tpu.memory_space<vmem>>, vector<16xf32>,
        %get3A_549 = arith.index_cast %add3A_506 : i32 to index
        %get3A_550 = arith.constant 80 : index
        %get3A_551 = tpu.vector_load %arg11[%get3A_549, %get3A_550] {strides = array<i32>} : memref<200x128xf32, #tpu.memory_space<vmem>>, vector<16xf32>,
        %mul3A_552 = arith.mulf %get3A_548, %get3A_551 : vector<16xf32>
        %add3A_553 = arith.addf %add3A_545, %mul3A_552 : vector<16xf32>
        %get3A_554 = arith.index_cast %add3A_506 : i32 to index
        %get3A_555 = arith.constant 96 : index
        %get3A_556 = tpu.vector_load %arg10[%get3A_554, %get3A_555] {strides = array<i32>} : memref<200x128xf32, #tpu.memory_space<vmem>>, vector<16xf32>,
        %get3A_557 = arith.index_cast %add3A_506 : i32 to index
        %get3A_558 = arith.constant 96 : index
        %get3A_559 = tpu.vector_load %arg11[%get3A_557, %get3A_558] {strides = array<i32>} : memref<200x128xf32, #tpu.memory_space<vmem>>, vector<16xf32>,
        %mul3A_560 = arith.mulf %get3A_556, %get3A_559 : vector<16xf32>
        %add3A_561 = arith.addf %add3A_553, %mul3A_560 : vector<16xf32>
        %get3A_562 = arith.index_cast %add3A_506 : i32 to index
        %get3A_563 = arith.constant 112 : index
        %get3A_564 = tpu.vector_load %arg10[%get3A_562, %get3A_563] {strides = array<i32>} : memref<200x128xf32, #tpu.memory_space<vmem>>, vector<16xf32>,
        %get3A_565 = arith.index_cast %add3A_506 : i32 to index
        %get3A_566 = arith.constant 112 : index
        %get3A_567 = tpu.vector_load %arg11[%get3A_565, %get3A_566] {strides = array<i32>} : memref<200x128xf32, #tpu.memory_space<vmem>>, vector<16xf32>,
        %mul3A_568 = arith.mulf %get3A_564, %get3A_567 : vector<16xf32>
        %add3A_569 = arith.addf %add3A_561, %mul3A_568 : vector<16xf32>
        %broadcast_in_dim3A_570 = arith.constant true
        %broadcast_in_dim3A_571 = vector.broadcast %broadcast_in_dim3A_570 : i1 to vector<16xi1>
        %masked_cumsum3A_572 = tpu.scan <sum>, %add3A_569 masked %broadcast_in_dim3A_571 : vector<16xf32>, vector<16xi1> -> vector<16xf32>
        %broadcast_in_dim3A_573 = arith.constant 0 : i32
        %broadcast_in_dim3A_574 = vector.broadcast %broadcast_in_dim3A_573 : i32 to vector<16xi32>
        %add3A_575 = vector.broadcast %add3A_506 : i32 to vector<16xi32>
        %add3A_576 = arith.addi %broadcast_in_dim3A_574, %add3A_575 : vector<16xi32>
        tpu.vector_store_idx %arg13[%add3A_576], %masked_cumsum3A_572 masked %eq3A_108 : memref<208xf32, #tpu.memory_space<vmem>>[vector<16xi32>], vector<16xf32>, vector<16xi1>
        %mul3A_577 = arith.constant 8 : i32
        %mul3A_578 = arith.muli %scan3A_135, %mul3A_577 : i32
        %add3A_579 = arith.constant 6 : i32
        %add3A_580 = arith.addi %mul3A_578, %add3A_579 : i32
        %get3A_581 = arith.index_cast %add3A_580 : i32 to index
        %get3A_582 = arith.constant 0 : index
        %get3A_583 = tpu.vector_load %arg10[%get3A_581, %get3A_582] {strides = array<i32>} : memref<200x128xf32, #tpu.memory_space<vmem>>, vector<16xf32>,
        %get3A_584 = arith.index_cast %add3A_580 : i32 to index
        %get3A_585 = arith.constant 0 : index
        %get3A_586 = tpu.vector_load %arg11[%get3A_584, %get3A_585] {strides = array<i32>} : memref<200x128xf32, #tpu.memory_space<vmem>>, vector<16xf32>,
        %mul3A_587 = arith.mulf %get3A_583, %get3A_586 : vector<16xf32>
        %get3A_588 = arith.index_cast %add3A_580 : i32 to index
        %get3A_589 = arith.constant 16 : index
        %get3A_590 = tpu.vector_load %arg10[%get3A_588, %get3A_589] {strides = array<i32>} : memref<200x128xf32, #tpu.memory_space<vmem>>, vector<16xf32>,
        %get3A_591 = arith.index_cast %add3A_580 : i32 to index
        %get3A_592 = arith.constant 16 : index
        %get3A_593 = tpu.vector_load %arg11[%get3A_591, %get3A_592] {strides = array<i32>} : memref<200x128xf32, #tpu.memory_space<vmem>>, vector<16xf32>,
        %mul3A_594 = arith.mulf %get3A_590, %get3A_593 : vector<16xf32>
        %add3A_595 = arith.addf %mul3A_587, %mul3A_594 : vector<16xf32>
        %get3A_596 = arith.index_cast %add3A_580 : i32 to index
        %get3A_597 = arith.constant 32 : index
        %get3A_598 = tpu.vector_load %arg10[%get3A_596, %get3A_597] {strides = array<i32>} : memref<200x128xf32, #tpu.memory_space<vmem>>, vector<16xf32>,
        %get3A_599 = arith.index_cast %add3A_580 : i32 to index
        %get3A_600 = arith.constant 32 : index
        %get3A_601 = tpu.vector_load %arg11[%get3A_599, %get3A_600] {strides = array<i32>} : memref<200x128xf32, #tpu.memory_space<vmem>>, vector<16xf32>,
        %mul3A_602 = arith.mulf %get3A_598, %get3A_601 : vector<16xf32>
        %add3A_603 = arith.addf %add3A_595, %mul3A_602 : vector<16xf32>
        %get3A_604 = arith.index_cast %add3A_580 : i32 to index
        %get3A_605 = arith.constant 48 : index
        %get3A_606 = tpu.vector_load %arg10[%get3A_604, %get3A_605] {strides = array<i32>} : memref<200x128xf32, #tpu.memory_space<vmem>>, vector<16xf32>,
        %get3A_607 = arith.index_cast %add3A_580 : i32 to index
        %get3A_608 = arith.constant 48 : index
        %get3A_609 = tpu.vector_load %arg11[%get3A_607, %get3A_608] {strides = array<i32>} : memref<200x128xf32, #tpu.memory_space<vmem>>, vector<16xf32>,
        %mul3A_610 = arith.mulf %get3A_606, %get3A_609 : vector<16xf32>
        %add3A_611 = arith.addf %add3A_603, %mul3A_610 : vector<16xf32>
        %get3A_612 = arith.index_cast %add3A_580 : i32 to index
        %get3A_613 = arith.constant 64 : index
        %get3A_614 = tpu.vector_load %arg10[%get3A_612, %get3A_613] {strides = array<i32>} : memref<200x128xf32, #tpu.memory_space<vmem>>, vector<16xf32>,
        %get3A_615 = arith.index_cast %add3A_580 : i32 to index
        %get3A_616 = arith.constant 64 : index
        %get3A_617 = tpu.vector_load %arg11[%get3A_615, %get3A_616] {strides = array<i32>} : memref<200x128xf32, #tpu.memory_space<vmem>>, vector<16xf32>,
        %mul3A_618 = arith.mulf %get3A_614, %get3A_617 : vector<16xf32>
        %add3A_619 = arith.addf %add3A_611, %mul3A_618 : vector<16xf32>
        %get3A_620 = arith.index_cast %add3A_580 : i32 to index
        %get3A_621 = arith.constant 80 : index
        %get3A_622 = tpu.vector_load %arg10[%get3A_620, %get3A_621] {strides = array<i32>} : memref<200x128xf32, #tpu.memory_space<vmem>>, vector<16xf32>,
        %get3A_623 = arith.index_cast %add3A_580 : i32 to index
        %get3A_624 = arith.constant 80 : index
        %get3A_625 = tpu.vector_load %arg11[%get3A_623, %get3A_624] {strides = array<i32>} : memref<200x128xf32, #tpu.memory_space<vmem>>, vector<16xf32>,
        %mul3A_626 = arith.mulf %get3A_622, %get3A_625 : vector<16xf32>
        %add3A_627 = arith.addf %add3A_619, %mul3A_626 : vector<16xf32>
        %get3A_628 = arith.index_cast %add3A_580 : i32 to index
        %get3A_629 = arith.constant 96 : index
        %get3A_630 = tpu.vector_load %arg10[%get3A_628, %get3A_629] {strides = array<i32>} : memref<200x128xf32, #tpu.memory_space<vmem>>, vector<16xf32>,
        %get3A_631 = arith.index_cast %add3A_580 : i32 to index
        %get3A_632 = arith.constant 96 : index
        %get3A_633 = tpu.vector_load %arg11[%get3A_631, %get3A_632] {strides = array<i32>} : memref<200x128xf32, #tpu.memory_space<vmem>>, vector<16xf32>,
        %mul3A_634 = arith.mulf %get3A_630, %get3A_633 : vector<16xf32>
        %add3A_635 = arith.addf %add3A_627, %mul3A_634 : vector<16xf32>
        %get3A_636 = arith.index_cast %add3A_580 : i32 to index
        %get3A_637 = arith.constant 112 : index
        %get3A_638 = tpu.vector_load %arg10[%get3A_636, %get3A_637] {strides = array<i32>} : memref<200x128xf32, #tpu.memory_space<vmem>>, vector<16xf32>,
        %get3A_639 = arith.index_cast %add3A_580 : i32 to index
        %get3A_640 = arith.constant 112 : index
        %get3A_641 = tpu.vector_load %arg11[%get3A_639, %get3A_640] {strides = array<i32>} : memref<200x128xf32, #tpu.memory_space<vmem>>, vector<16xf32>,
        %mul3A_642 = arith.mulf %get3A_638, %get3A_641 : vector<16xf32>
        %add3A_643 = arith.addf %add3A_635, %mul3A_642 : vector<16xf32>
        %broadcast_in_dim3A_644 = arith.constant true
        %broadcast_in_dim3A_645 = vector.broadcast %broadcast_in_dim3A_644 : i1 to vector<16xi1>
        %masked_cumsum3A_646 = tpu.scan <sum>, %add3A_643 masked %broadcast_in_dim3A_645 : vector<16xf32>, vector<16xi1> -> vector<16xf32>
        %broadcast_in_dim3A_647 = arith.constant 0 : i32
        %broadcast_in_dim3A_648 = vector.broadcast %broadcast_in_dim3A_647 : i32 to vector<16xi32>
        %add3A_649 = vector.broadcast %add3A_580 : i32 to vector<16xi32>
        %add3A_650 = arith.addi %broadcast_in_dim3A_648, %add3A_649 : vector<16xi32>
        tpu.vector_store_idx %arg13[%add3A_650], %masked_cumsum3A_646 masked %eq3A_108 : memref<208xf32, #tpu.memory_space<vmem>>[vector<16xi32>], vector<16xf32>, vector<16xi1>
        %mul3A_651 = arith.constant 8 : i32
        %mul3A_652 = arith.muli %scan3A_135, %mul3A_651 : i32
        %add3A_653 = arith.constant 7 : i32
        %add3A_654 = arith.addi %mul3A_652, %add3A_653 : i32
        %get3A_655 = arith.index_cast %add3A_654 : i32 to index
        %get3A_656 = arith.constant 0 : index
        %get3A_657 = tpu.vector_load %arg10[%get3A_655, %get3A_656] {strides = array<i32>} : memref<200x128xf32, #tpu.memory_space<vmem>>, vector<16xf32>,
        %get3A_658 = arith.index_cast %add3A_654 : i32 to index
        %get3A_659 = arith.constant 0 : index
        %get3A_660 = tpu.vector_load %arg11[%get3A_658, %get3A_659] {strides = array<i32>} : memref<200x128xf32, #tpu.memory_space<vmem>>, vector<16xf32>,
        %mul3A_661 = arith.mulf %get3A_657, %get3A_660 : vector<16xf32>
        %get3A_662 = arith.index_cast %add3A_654 : i32 to index
        %get3A_663 = arith.constant 16 : index
        %get3A_664 = tpu.vector_load %arg10[%get3A_662, %get3A_663] {strides = array<i32>} : memref<200x128xf32, #tpu.memory_space<vmem>>, vector<16xf32>,
        %get3A_665 = arith.index_cast %add3A_654 : i32 to index
        %get3A_666 = arith.constant 16 : index
        %get3A_667 = tpu.vector_load %arg11[%get3A_665, %get3A_666] {strides = array<i32>} : memref<200x128xf32, #tpu.memory_space<vmem>>, vector<16xf32>,
        %mul3A_668 = arith.mulf %get3A_664, %get3A_667 : vector<16xf32>
        %add3A_669 = arith.addf %mul3A_661, %mul3A_668 : vector<16xf32>
        %get3A_670 = arith.index_cast %add3A_654 : i32 to index
        %get3A_671 = arith.constant 32 : index
        %get3A_672 = tpu.vector_load %arg10[%get3A_670, %get3A_671] {strides = array<i32>} : memref<200x128xf32, #tpu.memory_space<vmem>>, vector<16xf32>,
        %get3A_673 = arith.index_cast %add3A_654 : i32 to index
        %get3A_674 = arith.constant 32 : index
        %get3A_675 = tpu.vector_load %arg11[%get3A_673, %get3A_674] {strides = array<i32>} : memref<200x128xf32, #tpu.memory_space<vmem>>, vector<16xf32>,
        %mul3A_676 = arith.mulf %get3A_672, %get3A_675 : vector<16xf32>
        %add3A_677 = arith.addf %add3A_669, %mul3A_676 : vector<16xf32>
        %get3A_678 = arith.index_cast %add3A_654 : i32 to index
        %get3A_679 = arith.constant 48 : index
        %get3A_680 = tpu.vector_load %arg10[%get3A_678, %get3A_679] {strides = array<i32>} : memref<200x128xf32, #tpu.memory_space<vmem>>, vector<16xf32>,
        %get3A_681 = arith.index_cast %add3A_654 : i32 to index
        %get3A_682 = arith.constant 48 : index
        %get3A_683 = tpu.vector_load %arg11[%get3A_681, %get3A_682] {strides = array<i32>} : memref<200x128xf32, #tpu.memory_space<vmem>>, vector<16xf32>,
        %mul3A_684 = arith.mulf %get3A_680, %get3A_683 : vector<16xf32>
        %add3A_685 = arith.addf %add3A_677, %mul3A_684 : vector<16xf32>
        %get3A_686 = arith.index_cast %add3A_654 : i32 to index
        %get3A_687 = arith.constant 64 : index
        %get3A_688 = tpu.vector_load %arg10[%get3A_686, %get3A_687] {strides = array<i32>} : memref<200x128xf32, #tpu.memory_space<vmem>>, vector<16xf32>,
        %get3A_689 = arith.index_cast %add3A_654 : i32 to index
        %get3A_690 = arith.constant 64 : index
        %get3A_691 = tpu.vector_load %arg11[%get3A_689, %get3A_690] {strides = array<i32>} : memref<200x128xf32, #tpu.memory_space<vmem>>, vector<16xf32>,
        %mul3A_692 = arith.mulf %get3A_688, %get3A_691 : vector<16xf32>
        %add3A_693 = arith.addf %add3A_685, %mul3A_692 : vector<16xf32>
        %get3A_694 = arith.index_cast %add3A_654 : i32 to index
        %get3A_695 = arith.constant 80 : index
        %get3A_696 = tpu.vector_load %arg10[%get3A_694, %get3A_695] {strides = array<i32>} : memref<200x128xf32, #tpu.memory_space<vmem>>, vector<16xf32>,
        %get3A_697 = arith.index_cast %add3A_654 : i32 to index
        %get3A_698 = arith.constant 80 : index
        %get3A_699 = tpu.vector_load %arg11[%get3A_697, %get3A_698] {strides = array<i32>} : memref<200x128xf32, #tpu.memory_space<vmem>>, vector<16xf32>,
        %mul3A_700 = arith.mulf %get3A_696, %get3A_699 : vector<16xf32>
        %add3A_701 = arith.addf %add3A_693, %mul3A_700 : vector<16xf32>
        %get3A_702 = arith.index_cast %add3A_654 : i32 to index
        %get3A_703 = arith.constant 96 : index
        %get3A_704 = tpu.vector_load %arg10[%get3A_702, %get3A_703] {strides = array<i32>} : memref<200x128xf32, #tpu.memory_space<vmem>>, vector<16xf32>,
        %get3A_705 = arith.index_cast %add3A_654 : i32 to index
        %get3A_706 = arith.constant 96 : index
        %get3A_707 = tpu.vector_load %arg11[%get3A_705, %get3A_706] {strides = array<i32>} : memref<200x128xf32, #tpu.memory_space<vmem>>, vector<16xf32>,
        %mul3A_708 = arith.mulf %get3A_704, %get3A_707 : vector<16xf32>
        %add3A_709 = arith.addf %add3A_701, %mul3A_708 : vector<16xf32>
        %get3A_710 = arith.index_cast %add3A_654 : i32 to index
        %get3A_711 = arith.constant 112 : index
        %get3A_712 = tpu.vector_load %arg10[%get3A_710, %get3A_711] {strides = array<i32>} : memref<200x128xf32, #tpu.memory_space<vmem>>, vector<16xf32>,
        %get3A_713 = arith.index_cast %add3A_654 : i32 to index
        %get3A_714 = arith.constant 112 : index
        %get3A_715 = tpu.vector_load %arg11[%get3A_713, %get3A_714] {strides = array<i32>} : memref<200x128xf32, #tpu.memory_space<vmem>>, vector<16xf32>,
        %mul3A_716 = arith.mulf %get3A_712, %get3A_715 : vector<16xf32>
        %add3A_717 = arith.addf %add3A_709, %mul3A_716 : vector<16xf32>
        %broadcast_in_dim3A_718 = arith.constant true
        %broadcast_in_dim3A_719 = vector.broadcast %broadcast_in_dim3A_718 : i1 to vector<16xi1>
        %masked_cumsum3A_720 = tpu.scan <sum>, %add3A_717 masked %broadcast_in_dim3A_719 : vector<16xf32>, vector<16xi1> -> vector<16xf32>
        %broadcast_in_dim3A_721 = arith.constant 0 : i32
        %broadcast_in_dim3A_722 = vector.broadcast %broadcast_in_dim3A_721 : i32 to vector<16xi32>
        %add3A_723 = vector.broadcast %add3A_654 : i32 to vector<16xi32>
        %add3A_724 = arith.addi %broadcast_in_dim3A_722, %add3A_723 : vector<16xi32>
        tpu.vector_store_idx %arg13[%add3A_724], %masked_cumsum3A_720 masked %eq3A_108 : memref<208xf32, #tpu.memory_space<vmem>>[vector<16xi32>], vector<16xf32>, vector<16xi1>
      }
      %scan3A_114 = arith.constant 25 : i32
      %scan3A_115 = arith.constant 0 : i32
      %scan3A_116 = arith.constant 0 : i32
      %scan3A_117 = arith.constant 13 : i32
      %scan3A_118 = arith.addi %scan3A_116, %scan3A_117 : i32
      %scan3A_119 = arith.constant 1 : i32
      scf.for %scan3A_135 = %scan3A_116 to %scan3A_118 step %scan3A_119  : i32 {
        %mul3A_136 = arith.constant 16 : i32
        %mul3A_137 = arith.muli %scan3A_135, %mul3A_136 : i32
        %get3A = arith.index_cast %mul3A_137 : i32 to index
        %get3A_138 = tpu.vector_load %arg13[%get3A] {strides = array<i32>} : memref<208xf32, #tpu.memory_space<vmem>>, vector<16xf32>,
        %neg3A = arith.constant 0.000000e+00 : f32
        %neg3A_139 = vector.broadcast %neg3A : f32 to vector<16xf32>
        %neg3A_140 = arith.subf %neg3A_139, %get3A_138 : vector<16xf32>
        %exp3A = math.exp %neg3A_140 : vector<16xf32>
        %add3A_141 = arith.constant 1.000000e+00 : f32
        %add3A_142 = vector.broadcast %add3A_141 : f32 to vector<16xf32>
        %add3A_143 = arith.addf %add3A_142, %exp3A : vector<16xf32>
        %div3A = arith.constant 1.000000e+00 : f32
        %div3A_144 = vector.broadcast %div3A : f32 to vector<16xf32>
        %div3A_145 = arith.divf %div3A_144, %add3A_143 : vector<16xf32>
        %add3A_146 = arith.constant 1.000000e-15 : f32
        %add3A_147 = vector.broadcast %add3A_146 : f32 to vector<16xf32>
        %add3A_148 = arith.addf %div3A_145, %add3A_147 : vector<16xf32>
        %mul3A_149 = arith.constant 16 : i32
        %mul3A_150 = arith.muli %scan3A_135, %mul3A_149 : i32
        %swap3A = arith.index_cast %mul3A_150 : i32 to index
        %swap3A_151 = tpu.vector_load %arg13[%swap3A] {strides = array<i32>} : memref<208xf32, #tpu.memory_space<vmem>>, vector<16xf32>,
        tpu.vector_store %arg13[%swap3A], %add3A_148 {strides = array<i32>} : memref<208xf32, #tpu.memory_space<vmem>>, vector<16xf32>,
      }
      %scan3A_120 = arith.constant 13 : i32
      %add3A_121 = arith.addi %mul3A_2, %mul3A_104 : i32
      %dma_start3A_122 = arith.constant 0 : i32
      %dma_start3A_123 = tpu.memref_slice %arg13[%dma_start3A_122] : memref<208xf32, #tpu.memory_space<vmem>> -> memref<200xf32, #tpu.memory_space<vmem>>
      %dma_start3A_124 = tpu.memref_slice %arg5[%add3A_121] : memref<320000xf32, #tpu.memory_space<hbm>> -> memref<200xf32, #tpu.memory_space<hbm>>
      %dma_start3A_125 = tpu.memref_slice %arg5[%add3A_121] : memref<320000xf32, #tpu.memory_space<hbm>> -> memref<200xf32, #tpu.memory_space<hbm>>
      %dma_start3A_126 = arith.constant 0 : i32
      %dma_start3A_127 = tpu.memref_slice %arg13[%dma_start3A_126] : memref<208xf32, #tpu.memory_space<vmem>> -> memref<200xf32, #tpu.memory_space<vmem>>
      tpu.enqueue_dma source(%dma_start3A_127 : memref<200xf32, #tpu.memory_space<vmem>>) target(%dma_start3A_125 : memref<200xf32, #tpu.memory_space<hbm>>) target_semaphore(%arg19 : memref<!tpu.dma_semaphore, #tpu.memory_space<semaphore_mem>>)
      %add3A_128 = arith.constant 3 : i32
      %add3A_129 = arith.addi %mul3A_40, %add3A_128 : i32
      %lt3A_130 = arith.constant 50 : i32
      %lt3A_131 = arith.cmpi slt, %add3A_129, %lt3A_130 : i32
      %convert_element_type3A_132 = arith.extui %lt3A_131 : i1 to i32
      %cond3A_133 = arith.constant 0 : i32
      %cond3A_134 = arith.cmpi ne, %convert_element_type3A_132, %cond3A_133 : i32
      scf.if %cond3A_134 {
        %add3A_135 = arith.constant 3 : i32
        %add3A_136 = arith.addi %mul3A_40, %add3A_135 : i32
        %mul3A_137 = arith.constant 200 : i32
        %mul3A_138 = arith.muli %add3A_136, %mul3A_137 : i32
        %dma_start3A_139 = tpu.memref_slice %arg6[%mul3A_138] : memref<10000xi32, #tpu.memory_space<vmem>> -> memref<200xi32, #tpu.memory_space<vmem>>
        %dma_start3A_140 = arith.constant 0 : i32
        %dma_start3A_141 = arith.constant 0 : i32
        %dma_start3A_142 = tpu.memref_slice %arg2[%dma_start3A_140, %dma_start3A_141] : memref<10000x128xf32, #tpu.memory_space<hbm>> -> memref<10000x128xf32, #tpu.memory_space<hbm>>
        tpu.enqueue_indirect_dma source(%dma_start3A_142 : memref<10000x128xf32, #tpu.memory_space<hbm>>) target(%arg10 : memref<200x128xf32, #tpu.memory_space<vmem>>) offsets(%dma_start3A_139 : memref<200xi32, #tpu.memory_space<vmem>>) semaphore(%arg16 : memref<!tpu.dma_semaphore, #tpu.memory_space<semaphore_mem>>)
        %dma_start3A_143 = tpu.memref_slice %arg7[%mul3A_138] : memref<10000xi32, #tpu.memory_space<vmem>> -> memref<200xi32, #tpu.memory_space<vmem>>
        %dma_start3A_144 = arith.constant 0 : i32
        %dma_start3A_145 = arith.constant 0 : i32
        %dma_start3A_146 = tpu.memref_slice %arg2[%dma_start3A_144, %dma_start3A_145] : memref<10000x128xf32, #tpu.memory_space<hbm>> -> memref<10000x128xf32, #tpu.memory_space<hbm>>
        tpu.enqueue_indirect_dma source(%dma_start3A_146 : memref<10000x128xf32, #tpu.memory_space<hbm>>) target(%arg11 : memref<200x128xf32, #tpu.memory_space<vmem>>) offsets(%dma_start3A_143 : memref<200xi32, #tpu.memory_space<vmem>>) semaphore(%arg17 : memref<!tpu.dma_semaphore, #tpu.memory_space<semaphore_mem>>)
      } else {
      }
    }
    %scan3A_26 = arith.constant 25 : i32
    %dma_wait3A = arith.constant 0 : i32
    %dma_wait3A_27 = tpu.memref_slice %arg12[%dma_wait3A] : memref<208xf32, #tpu.memory_space<vmem>> -> memref<200xf32, #tpu.memory_space<vmem>>
    %dma_wait3A_28 = tpu.memref_slice %arg5[%mul3A_2] : memref<320000xf32, #tpu.memory_space<hbm>> -> memref<200xf32, #tpu.memory_space<hbm>>
    %dma_wait3A_29 = tpu.memref_slice %arg5[%mul3A_2] : memref<320000xf32, #tpu.memory_space<hbm>> -> memref<200xf32, #tpu.memory_space<hbm>>
    %dma_wait3A_30 = arith.constant 0 : i32
    %dma_wait3A_31 = tpu.memref_slice %arg12[%dma_wait3A_30] : memref<208xf32, #tpu.memory_space<vmem>> -> memref<200xf32, #tpu.memory_space<vmem>>
    tpu.wait_dma2 semaphore(%arg18 : memref<!tpu.dma_semaphore, #tpu.memory_space<semaphore_mem>>) src(%dma_wait3A_31 : memref<200xf32, #tpu.memory_space<vmem>>) dst(%dma_wait3A_29 : memref<200xf32, #tpu.memory_space<hbm>>)
    %dma_wait3A_32 = arith.constant 0 : i32
    %dma_wait3A_33 = tpu.memref_slice %arg13[%dma_wait3A_32] : memref<208xf32, #tpu.memory_space<vmem>> -> memref<200xf32, #tpu.memory_space<vmem>>
    %dma_wait3A_34 = tpu.memref_slice %arg5[%mul3A_2] : memref<320000xf32, #tpu.memory_space<hbm>> -> memref<200xf32, #tpu.memory_space<hbm>>
    %dma_wait3A_35 = tpu.memref_slice %arg5[%mul3A_2] : memref<320000xf32, #tpu.memory_space<hbm>> -> memref<200xf32, #tpu.memory_space<hbm>>
    %dma_wait3A_36 = arith.constant 0 : i32
    %dma_wait3A_37 = tpu.memref_slice %arg13[%dma_wait3A_36] : memref<208xf32, #tpu.memory_space<vmem>> -> memref<200xf32, #tpu.memory_space<vmem>>
    tpu.wait_dma2 semaphore(%arg19 : memref<!tpu.dma_semaphore, #tpu.memory_space<semaphore_mem>>) src(%dma_wait3A_37 : memref<200xf32, #tpu.memory_space<vmem>>) dst(%dma_wait3A_35 : memref<200xf32, #tpu.memory_space<hbm>>)
    return
  }
}

</mosaic_0001>

<sc_bundles>
// kernel: kernel.3.cloned.1.call-start
scs
__scs_entry_jumppad:
0x0: {  	(pc) =	sbr.rel $0x88, $3  }
0x1: {  	(tag) =	ssettag $0x0;
	lr =	simm.s32 $0x1  }
0x2: {  	[smem:$0x3F9F] =	sst lr;
	_ =	strace $0xD0000000  }
0x3: {  	_ = 	snop  }
0x4: {  	_ = 	snop  }
0x5: {  	_ = 	snop  }
0x6: {  	_ = 	snop  }
0x7: {  	_ = 	snop  }
__scs_overlays_trampoline_lowered:
0x8: {  	[smem:$0x3FAE] =	sst s0  }
0x9: {  	[smem:$0x3FAF] =	sst s1  }
0xa: {  	[smem:$0x3FB0] =	sst s2  }
0xb: {  	[smem:$0x3FB1] =	sst s3  }
0xc: {  	[smem:$0x3FB2] =	sst s4  }
0xd: {  	[smem:$0x3FB3] =	sst s5  }
0xe: {  	[smem:$0x3FB4] =	sst s6  }
0xf: {  	[smem:$0x3FB5] =	sst s7  }
0x10: {  	[smem:$0x3FB6] =	sst s8  }
0x11: {  	[smem:$0x3FB7] =	sst s9;
	s0 =	simm.s32 @!p0 $0x0  }
0x12: {  	s1 =	sld [smem:$0x3F9D];
	s0 =	simm.s32 @p0 $0x1  }
0x13: {  	[smem:$0x3FB8] =	sst s0;
	s0 =	simm.s32 @!p1 $0x0  }
0x14: {  	s2 =	sld [smem:$0x3F9C];
	s0 =	simm.s32 @p1 $0x1  }
0x15: {  	[smem:$0x3FB9] =	sst s0;
	s0 =	simm.s32 @!p2 $0x0  }
0x16: {  	s3 =	sld [smem:$0x3FDB];
	s0 =	simm.s32 @p2 $0x1  }
0x17: {  	s4 =	simm.s32 $0x1BF5;
	[smem:$0x3FBB] =	sst s0  }
0x18: {  	s0 =	sld [smem:$0x3F9E];
	_ =	swait.ge [sflag:s4], $0x0  }
0x19: {  	s7 =	sld [smem:$0x3F9F]  }
0x1a: {  	s8 =	sadd.s32 $0xFFFFE003, lr  }
0x1b: {  	s9 =	sadd.s32 $0xFFFFFEF7, lr;
	s5 =	simm.s32 $0xFFFFFFFF;
	p2 =	slt.u32 s8, $0xFFFFF086  }
0x1c: {  	p1 =	slt.u32 s9, $0xF7A;
	s5 =	simm.s32 @!p2 $0x0  }
0x1d: {  	s5 =	simm.s32 @p1 $0x1;
	p0 =	seq.s32 s7, s2  }
0x1e: {  	s7 =	smul.u32 @!p0 $0xF7A, s2;
	p2 =	seq.s32 @!p0 s5, $0x0  }
0x1f: {  	s9 =	smul.u32 $0xF7A, s1;
	s8 =	simm.s32 @!p0 $0x1BF5;
	p2 =	por !p2, p0  }
0x20: {  	[sflag:s8] =	ssyncset.s32 @!p0 $0xFFFFF086;
	s6 =	sadd.s32 @!p0 s3, s7;
	s7 =	simm.s32 @!p0 $0x108  }
0x21: {  	s3 =	sadd.s32 s3, s9;
	s6 =	sadd.s32 @!p0 $0x88, s6;
	s7 =	simm.s32 @p2 $0x1082  }
0x22: {  	[simem:s7], [sflag:s8] =	dma.local @!p0 [hbm:s6], $0xF7A  }
0x23: {  	s9 =	sor.u32 $0xD0000000, s2;
	s6 =	simm.s32 $0x108;
	_ =	swait.ge @!p0 [sflag:s8], $0x0  }
0x24: {  	s3 =	sadd.s32 $0x88, s3;
	s6 =	simm.s32 @!p1 $0x1082;
	[sflag:s4] =	ssyncset.s32 $0xFFFFF086  }
0x25: {  	[simem:s6], [sflag:s4] =	dma.local [hbm:s3], $0xF7A  }
0x26: {  	[smem:$0x3F9F] =	sst s1;
	(tag) =	ssettag s2;
	_ =	strace s9  }
0x27: {  	s1 =	sld [smem:$0x3FAF]  }
0x28: {  	s2 =	sld [smem:$0x3FB0]  }
0x29: {  	s4 =	sld [smem:$0x3FB2]  }
0x2a: {  	p0 =	seq.s32 s5, $0x0;
	s5 =	sld [smem:$0x3FB3]  }
0x2b: {  	s6 =	sld [smem:$0x3FB4]  }
0x2c: {  	s7 =	sld [smem:$0x3FB5]  }
0x2d: {  	s3 =	simm.s32 $0x108;
	s8 =	sld [smem:$0x3FB6]  }
0x2e: {  	s3 =	simm.s32 @!p0 $0x1082;
	s9 =	sld [smem:$0x3FB7]  }
0x2f: {  	lr =	sadd.s32 s0, s3;
	s0 =	sld [smem:$0x3FAE]  }
0x30: {  	s3 =	sld [smem:$0x3FB1]  }
0x31: {  	[smem:$0x3FBA] =	sst s10  }
0x32: {  	s10 =	sld [smem:$0x3FB8];
	_ =	sdelay $0x3  }
0x33: {  	p0 =	seq.s32 s10, $0x1;
	s10 =	sld [smem:$0x3FBA];
	_ =	sdelay $0x3  }
0x34: {  	[smem:$0x3FBA] =	sst s10  }
0x35: {  	s10 =	sld [smem:$0x3FB9];
	_ =	sdelay $0x3  }
0x36: {  	p1 =	seq.s32 s10, $0x1;
	s10 =	sld [smem:$0x3FBA];
	_ =	sdelay $0x3  }
0x37: {  	[smem:$0x3FBA] =	sst s10  }
0x38: {  	s10 =	sld [smem:$0x3FBB]  }
0x39: {  	_ = 	snop;
	(pc) =	sbr.ind lr, $3  }
0x3a: {  	_ = 	snop  }
0x3b: {  	_ = 	snop  }
0x3c: {  	p2 =	seq.s32 s10, $0x1;
	s10 =	sld [smem:$0x3FBA]  }
0x3d: {  	_ =	shalt  }
0x3e: {  	_ =	shalt  }
0x3f: {  	_ =	shalt  }
0x40: {  	_ =	shalt  }
0x41: {  	_ =	shalt  }
0x42: {  	_ =	shalt  }
0x43: {  	_ =	shalt  }
0x44: {  	_ =	shalt  }
0x45: {  	_ =	shalt  }
0x46: {  	_ =	shalt  }
0x47: {  	_ =	shalt  }
0x48: {  	_ =	shalt  }
0x49: {  	_ =	shalt  }
0x4a: {  	_ =	shalt  }
0x4b: {  	_ =	shalt  }
0x4c: {  	_ =	shalt  }
0x4d: {  	_ =	shalt  }
0x4e: {  	_ =	shalt  }
0x4f: {  	_ =	shalt  }
0x50: {  	_ =	shalt  }
0x51: {  	_ =	shalt  }
0x52: {  	_ =	shalt  }
0x53: {  	_ =	shalt  }
0x54: {  	_ =	shalt  }
0x55: {  	_ =	shalt  }
0x56: {  	_ =	shalt  }
0x57: {  	_ =	shalt  }
0x58: {  	_ =	shalt  }
0x59: {  	_ =	shalt  }
0x5a: {  	_ =	shalt  }
0x5b: {  	_ =	shalt  }
0x5c: {  	_ =	shalt  }
0x5d: {  	_ =	shalt  }
0x5e: {  	_ =	shalt  }
0x5f: {  	_ =	shalt  }
0x60: {  	_ =	shalt  }
0x61: {  	_ =	shalt  }
0x62: {  	_ =	shalt  }
0x63: {  	_ =	shalt  }
0x64: {  	_ =	shalt  }
0x65: {  	_ =	shalt  }
0x66: {  	_ =	shalt  }
0x67: {  	_ =	shalt  }
0x68: {  	_ =	shalt  }
0x69: {  	_ =	shalt  }
0x6a: {  	_ =	shalt  }
0x6b: {  	_ =	shalt  }
0x6c: {  	_ =	shalt  }
0x6d: {  	_ =	shalt  }
0x6e: {  	_ =	shalt  }
0x6f: {  	_ =	shalt  }
0x70: {  	_ =	shalt  }
0x71: {  	_ =	shalt  }
0x72: {  	_ =	shalt  }
0x73: {  	_ =	shalt  }
0x74: {  	_ =	shalt  }
0x75: {  	_ =	shalt  }
0x76: {  	_ =	shalt  }
0x77: {  	_ =	shalt  }
0x78: {  	_ =	shalt  }
0x79: {  	_ =	shalt  }
0x7a: {  	_ =	shalt  }
0x7b: {  	_ =	shalt  }
0x7c: {  	_ =	shalt  }
0x7d: {  	_ =	shalt  }
0x7e: {  	_ =	shalt  }
0x7f: {  	_ =	shalt  }
0x80: {  	_ =	shalt  }
0x81: {  	_ =	shalt  }
0x82: {  	_ =	shalt  }
0x83: {  	_ =	shalt  }
0x84: {  	_ =	shalt  }
0x85: {  	_ =	shalt  }
0x86: {  	_ =	shalt  }
0x87: {  	_ =	shalt  }
.Lfunc_end0:
.L_simem_size_0:
called_computation_lowered:
.L_overlay_start_0:
0x88: {  	s2 =	sld [smem:$0x3FD9]  }
0x89: {  	s3 =	sld [smem:$0x3FFE];
	_ =	sdelay $0x1  }
0x8a: {  	s1 =	srdreg.scid  }
0x8b: {  	s0 =	sand.u32 $0x1, s1  }
0x8c: {  	s14 =	sshll.u32 s0, $0xA;
	s2 =	sadd.s32 s3, s2  }
0x8d: {  	s2 =	sadd.s32 s2, s14  }
0x8e: {  	[smem:$0x3FC6] =	sst s2  }
0x8f: {  	_ = 	snop  }
0x90: {  	s2 =	sld [smem:$0x3FD0];
	_ =	sdelay $0x2  }
0x91: {  	s4 =	simm.s32 $0xA;
	s5 =	simm.s32 $0x10;
	s15 =	sld [smem:$0x3FC9]  }
0x92: {  	[smem:s5], [sflag:s4] =	dma.local [hbm:s2], $0x1  }
0x93: {  	_ =	swait.eq [sflag:s4], $0x1  }
0x94: {  	[sflag:s4] =	ssyncset.done $0x0  }
0x95: {  	s16 =	sld [smem:$0x10];
	[sflag:s4] =	ssyncadd.s32 $0xFFFFFFFF  }
0x96: {  	s17 =	sld [smem:$0x11];
	(tm) =	ssettm $0x1  }
0x97: {  	s18 =	sld [smem:$0x3FFB];
	_ =	sdelay $0x3  }
0x98: {  	_ =	strace s18  }
0x99: {  	s5 =	sld [smem:$0x3FFC];
	_ =	sdelay $0x3  }
0x9a: {  	_ =	strace s5  }
0x9b: {  	s5 =	sld [smem:$0x3FFD];
	_ =	sdelay $0x3  }
0x9c: {  	_ =	strace s5  }
0x9d: {  	_ =	strace $0x8FFFFFFF  }
0x9e: {  	s19 =	sld [smem:$0x3FDB];
	_ =	sdelay $0x1  }
0x9f: {  	s6 =	simm.s32 $_scs_section_size  }
0xa0: {  	s7 =	simm.s32 $_size__tile_overlayer_lowered;
	s8 =	simm.s32 $_tile_overlayer_lowered  }
0xa1: {  	s22 =	simm.s32 $0x1BFF;
	s21 =	sshll.u32 s8, $0x1;
	s5 =	sadd.s32 s6, s19  }
0xa2: {  	s9 =	simm.s32 $0x0;
	s20 =	sshll.u32 s7, $0x1;
	s7 =	sadd.s32 s21, s5  }
0xa3: {  	[timem:s9], [sflag:s22] =	dma.local [hbm:s7], s20  }
0xa4: {  	_ =	swait.ge [sflag:s22], s20  }
0xa5: {  	s6 =	ssub.s32 $0x0, s20;
	[sflag:s22] =	ssyncset.done $0x0  }
0xa6: {  	[sflag:s22] =	ssyncadd.s32 s6;
	_ =	sdelay $0x1  }
0xa7: {  	s23 =	simm.s32 $0x1B8B  }
0xa8: {  	_ =	swait.ge [sflag:s23], $0x1  }
0xa9: {  	[sflag:s23] =	ssyncset.done $0x0  }
0xaa: {  	s25 =	simm.s32 $0x1B8E;
	s24 =	sld [smem:$0x3FFE];
	[sflag:s23] =	ssyncadd.s32 $0xFFFFFFFF  }
0xab: {  	s26 =	simm.s32 $execute0_lowered;
	[smem:$0x3FD2] =	sst s25  }
0xac: {  	s7 =	sshll.u32 s26, $0x1;
	_ =	strace $0x80000046;
	[dreg:$0x1] =	wrdreg $0xFFFFFFFF  }
0xad: {  	s28 =	simm.s32 $_size_execute0_lowered;
	s5 =	sadd.s32 s5, s7;
	[dreg:$0x0] =	wrdreg $0x0  }
0xae: {  	s7 =	sshll.u32 s28, $0x1;
	[dreg:$0x2] =	wrdreg s5  }
0xaf: {  	[dreg:$0x3] =	wrdreg s7  }
0xb0: {  	[dreg:$0x4] =	wrdreg $0xC0  }
0xb1: {  	_ =	task [dreg:s9], $0x5FFFF  }
0xb2: {  	[dreg:$0x1] =	wrdreg $0xFFFFFFFF  }
0xb3: {  	[dreg:$0x0] =	wrdreg $0x60  }
0xb4: {  	[dreg:$0x2] =	wrdreg s15  }
0xb5: {  	[dreg:$0x3] =	wrdreg s24  }
0xb6: {  	[dreg:$0x4] =	wrdreg s17  }
0xb7: {  	[dreg:$0x5] =	wrdreg s16  }
0xb8: {  	[dreg:$0x6] =	wrdreg $0x9  }
0xb9: {  	_ =	task.clear_ibuf [dreg:s9], $0x7FFFF;
	_ =	strace $0x90000046  }
0xba: {  	s29 =	simm.s32 $0x9;
	_ =	strace $0x80000048  }
0xbb: {  	_ =	swait.ge [sflag:s29], $0x1  }
0xbc: {  	[sflag:s29] =	ssyncadd.s32 $0xFFFFFFFF  }
0xbd: {  	_ =	strace $0x90000048  }
0xbe: {  	_ =	sfence  }
0xbf: {  	s30 =	sld [smem:$0x0];
	_ =	sdelay $0x2  }
0xc0: {  	s31 =	sshll.u32 s1, $0xD;
	s1 =	sshrl.u32 s1, $0x2  }
0xc1: {  	s3 =	sand.u32 $0x4000, s31;
	s1 =	sadd.s32 s1, s30  }
0xc2: {  	s0 =	sor.u32 s3, s0;
	s1 =	sshll.u32 s1, $0x11  }
0xc3: {  	s0 =	sor.u32 s1, s0  }
0xc4: {  	s0 =	sadd.s32 $0x8F2B, s0  }
0xc5: {  	[sflag:s0] =	ssyncadd.remote.s32 $0x1  }
0xc6: {  	_ =	sfence.sel $0xFFFF  }
0xc7: {  	[dreg:$0x0] =	wrdreg $0xFFFFFFFF;
	(pc) =	sbr.abs _section_cstart, $3  }
0xc8: {  	[dreg:$0x1] =	wrdreg $0xFFFFFFFF  }
0xc9: {  	_ =	task.clear_ibuf [dreg:s9], $0x2FFFF;
	_ =	strace $0x9FFFFFFF  }
0xca: {  	(tm) =	ssettm $0x7FFFFFFF  }
0xcb: {  	_ =	shalt  }
tec
execute0_lowered:
.L_overlay_start_1:
0x0: {  	(tag) =	ssettag $0x1  }
0x1: {  	s1 =	rddreg [dreg:$0x0]  }
0x2: {  	s0 =	rddreg [dreg:$0x1]  }
0x3: {  	s2 =	rddreg [dreg:$0x2];
	s4 =	srdreg.scid  }
0x4: {  	s6 =	stileid.u32;
	s3 =	rddreg [dreg:$0x3];
	s10 =	simm.s32 $0x7  }
0x5: {  	s11 =	simm.s32 $0x2780;
	s12 =	simm.s32 $0xC8;
	s15 =	simm.s32 $0x11700  }
0x6: {  	s16 =	simm.s32 $0x2848;
	s17 =	simm.s32 $0x17B00;
	s18 =	simm.s32 $0x1  }
0x7: {  	s19 =	simm.s32 $0x2;
	s20 =	simm.s32 $0x1DF00;
	s21 =	simm.s32 $0x3  }
0x8: {  	s22 =	simm.s32 $0x4;
	s23 =	simm.s32 $0x1E000;
	s24 =	simm.s32 $0x5  }
0x9: {  	s25 =	simm.s32 $0x6;
	s5 =	sand.u32 $0x1, s4;
	s29 =	sshll.u32 s6, $0x1  }
.Ltmp0:
0xa: {  	s4 =	simm.s32 $0x0;
	s6 =	sor.u32 s5, s29;
	(pc) =	sbr.rel .LBB2_1-.Ltmp0, $4  }
0xb: {  	s7 =	ssub.s32 $0x2, s5;
	[smem:$0x7FF] =	sst s4;
	s5 =	smul.u32 $0x2710, s6  }
0xc: {  	s26 =	simm.s32 $0x0;
	s30 =	sshrl.u32 s7, $0x1;
	_ =	strace $0x80000047  }
0xd: {  	s9 =	ssub.s32 s7, s30;
	s31 =	sshrl.u32 s5, $0x3;
	s8 =	sadd.s32 $0xC8, s5  }
0xe: {  	vm0 =	vcmask $0x3F3C;
	s9 =	smax.u32 s9, $0x1;
	s6 =	sadd.s32 s0, s31;
	s7 =	sadd.s32 s2, s31  }
.LBB2_8:
0xf: {  	s26 =	sadd.s32 $0x1, s26  }
0x10: {  	_ =	swait.ge [sflag:s24], $0xC8;
	p0 =	sne.s32 s26, s9  }
.Ltmp1:
0x11: {  	[sflag:s24] =	ssyncset.done $0x0;
	(pc) =	sbr.rel @!p0 .LBB2_9-.Ltmp1, $4  }
0x12: {  	[sflag:s24] =	ssyncadd.s32 $0xFFFFFF38  }
0x13: {  	_ =	swait.ge [sflag:s25], $0xC8  }
0x14: {  	[sflag:s25] =	ssyncset.done $0x0  }
0x15: {  	[sflag:s25] =	ssyncadd.s32 $0xFFFFFF38  }
.LBB2_1:
0x16: {  	[tilespmem:s4], [sflag:$0x7] =	stream.linear.gather [hbm4b:s6+s4], $0x2710, $0x38;
	[tilespmem:$0x1E100] =	vst v63  }
0x17: {  	_ =	swait.ge [sflag:s10], $0x2710  }
0x18: {  	[sflag:s10] =	ssyncset.done $0x0  }
0x19: {  	[sflag:s10] =	ssyncadd.s32 $0xFFFFD8F0  }
0x1a: {  	[tilespmem:s11], [sflag:$0x7] =	stream.linear.gather [hbm4b:s7+s4], $0x2710, $0x38;
	[tilespmem:$0x1E100] =	vst v63  }
0x1b: {  	_ =	swait.ge [sflag:s10], $0x2710  }
0x1c: {  	[sflag:s10] =	ssyncset.done $0x0  }
0x1d: {  	s0 =	simm.s32 $0x4F00;
	[sflag:s10] =	ssyncadd.s32 $0xFFFFD8F0  }
0x1e: {  	[tilespmem:s0], [sflag:$0x1] =	stream.indirect.gather [hbm4b:s1+s12], $0x80, s4, s12, $0xb8;
	[tilespmem:$0x1E100] =	vst v63  }
0x1f: {  	s31 =	simm.s32 $0xB300  }
0x20: {  	[tilespmem:s31], [sflag:$0x2] =	stream.indirect.gather [hbm4b:s1+s12], $0x80, s11, s12, $0xb8;
	[tilespmem:$0x1E100] =	vst v63  }
0x21: {  	_ = 	snop  }
0x22: {  	[tilespmem:s15], [sflag:$0x3] =	stream.indirect.gather [hbm4b:s1+s12], $0x80, s12, s12, $0xb8;
	[tilespmem:$0x1E100] =	vst v63  }
0x23: {  	s28 =	simm.s32 $0x0  }
0x24: {  	[tilespmem:s17], [sflag:$0x4] =	stream.indirect.gather [hbm4b:s1+s12], $0x80, s16, s12, $0xb8;
	[tilespmem:$0x1E100] =	vst v63  }
.LBB2_2:
0x25: {  	_ =	swait.ge [sflag:s18], $0x6400  }
0x26: {  	[sflag:s18] =	ssyncset.done $0x0  }
0x27: {  	[sflag:s18] =	ssyncadd.s32 $0xFFFF9C00  }
0x28: {  	_ =	swait.ge [sflag:s19], $0x6400  }
0x29: {  	p0 =	seq.s32 s28, $0x0;
	[sflag:s19] =	ssyncset.done $0x0  }
0x2a: {  	s0 =	simm.s32 @!p0 $0x5;
	[sflag:s19] =	ssyncadd.s32 $0xFFFF9C00  }
0x2b: {  	_ =	swait.ge @!p0 [sflag:s0], $0xC8  }
0x2c: {  	[sflag:s0] =	ssyncset.done @!p0 $0x0  }
0x2d: {  	s30 =	simm.s32 $0xB500;
	[sflag:s0] =	ssyncadd.s32 @!p0 $0xFFFFFF38  }
0x2e: {  	s29 =	simm.s32 $0x5100;
	v0 =	vld [tilespmem:s30+$0xFFFFFE10]  }
0x2f: {  	v1 =	vld [tilespmem:s29+$0xFFFFFE10]  }
0x30: {  	v2 =	vld [tilespmem:s30+$0xFFFFFE00]  }
0x31: {  	v3 =	vld [tilespmem:s29+$0xFFFFFE00]  }
0x32: {  	v4 =	vld [tilespmem:s30+$0xFFFFFE20]  }
0x33: {  	v5 =	vld [tilespmem:s29+$0xFFFFFE20]  }
0x34: {  	v6 =	vld [tilespmem:s30+$0xFFFFFE30]  }
0x35: {  	v7 =	vld [tilespmem:s29+$0xFFFFFE30]  }
0x36: {  	v0 =	vmul.f32 v0, v1;
	v1 =	vmul.f32 v2, v3;
	v2 =	vld [tilespmem:s30+$0xFFFFFE40]  }
0x37: {  	v3 =	vld [tilespmem:s29+$0xFFFFFE40]  }
0x38: {  	v0 =	vadd.f32 v0, v1;
	v1 =	vmul.f32 v4, v5;
	v4 =	vld [tilespmem:s30+$0xFFFFFE50]  }
0x39: {  	v5 =	vld [tilespmem:s29+$0xFFFFFE50]  }
0x3a: {  	v0 =	vadd.f32 v1, v0;
	v1 =	vmul.f32 v6, v7;
	v6 =	vld [tilespmem:s30+$0xFFFFFE60]  }
0x3b: {  	v7 =	vld [tilespmem:s29+$0xFFFFFE60]  }
0x3c: {  	v0 =	vadd.f32 v1, v0;
	v1 =	vmul.f32 v2, v3;
	v2 =	vld [tilespmem:s30+$0xFFFFFE70]  }
0x3d: {  	v3 =	vld [tilespmem:s29+$0xFFFFFE70]  }
0x3e: {  	v0 =	vadd.f32 v1, v0;
	v1 =	vmul.f32 v4, v5;
	_ =	sdelay $0x1  }
0x3f: {  	v0 =	vadd.f32 v1, v0;
	v1 =	vmul.f32 v6, v7;
	_ =	sdelay $0x1  }
0x40: {  	v0 =	vadd.f32 v1, v0;
	v1 =	vmul.f32 v2, v3;
	_ =	sdelay $0x1  }
0x41: {  	v0 =	vadd.f32 v1, v0;
	_ =	sdelay $0x1  }
0x42: {  	(xrf2) =	vadd.scan.msk.f32 $0xffff, v0;
	_ =	sdelay $0x1  }
0x43: {  	s14 =	simm.s32 $0x0  }
0x44: {  	v0 =	vmov s14  }
0x45: {  	v0 =	vand.u32 $0xFFFFFFF8, v0  }
0x46: {  	v0 =	vbroadcast v0, $0x0;
	_ =	sdelay $0x4  }
0x47: {  	v1, _, _ =	vpop (xrf2)  }
0x48: {  	[tilespmem:v0+s20+$0x0] =	vst.idx.msk vm0, v1  }
0x49: {  	v0 =	vld [tilespmem:s30+$0xFFFFFE90]  }
0x4a: {  	v1 =	vld [tilespmem:s29+$0xFFFFFE80]  }
0x4b: {  	v2 =	vld [tilespmem:s29+$0xFFFFFE90]  }
0x4c: {  	v3 =	vld [tilespmem:s30+$0xFFFFFE80]  }
0x4d: {  	v4 =	vld [tilespmem:s30+$0xFFFFFEA0]  }
0x4e: {  	v5 =	vld [tilespmem:s29+$0xFFFFFEA0]  }
0x4f: {  	v6 =	vld [tilespmem:s30+$0xFFFFFEB0]  }
0x50: {  	v7 =	vld [tilespmem:s29+$0xFFFFFEB0]  }
0x51: {  	v0 =	vmul.f32 v0, v2;
	v1 =	vmul.f32 v3, v1;
	v2 =	vld [tilespmem:s30+$0xFFFFFEC0]  }
0x52: {  	v3 =	vld [tilespmem:s29+$0xFFFFFEC0]  }
0x53: {  	v0 =	vadd.f32 v0, v1;
	v1 =	vmul.f32 v4, v5;
	v4 =	vld [tilespmem:s30+$0xFFFFFED0]  }
0x54: {  	v5 =	vld [tilespmem:s29+$0xFFFFFED0]  }
0x55: {  	v0 =	vadd.f32 v1, v0;
	v1 =	vmul.f32 v6, v7;
	v6 =	vld [tilespmem:s30+$0xFFFFFEE0]  }
0x56: {  	v7 =	vld [tilespmem:s29+$0xFFFFFEE0]  }
0x57: {  	v0 =	vadd.f32 v1, v0;
	v1 =	vmul.f32 v2, v3;
	v2 =	vld [tilespmem:s30+$0xFFFFFEF0]  }
0x58: {  	v3 =	vld [tilespmem:s29+$0xFFFFFEF0]  }
0x59: {  	v0 =	vadd.f32 v1, v0;
	v1 =	vmul.f32 v4, v5;
	_ =	sdelay $0x1  }
0x5a: {  	v0 =	vadd.f32 v1, v0;
	v1 =	vmul.f32 v6, v7;
	_ =	sdelay $0x1  }
0x5b: {  	v0 =	vadd.f32 v1, v0;
	v1 =	vmul.f32 v2, v3;
	_ =	sdelay $0x1  }
0x5c: {  	v0 =	vadd.f32 v1, v0;
	_ =	sdelay $0x1  }
0x5d: {  	(xrf2) =	vadd.scan.msk.f32 $0xffff, v0;
	_ =	sdelay $0x1  }
0x5e: {  	s2 =	simm.s32 $0x1  }
0x5f: {  	v0 =	vmov s2  }
0x60: {  	v0 =	vand.u32 $0xFFFFFFF9, v0  }
0x61: {  	v0 =	vbroadcast v0, $0x0;
	_ =	sdelay $0x4  }
0x62: {  	v1, _, _ =	vpop (xrf2)  }
0x63: {  	[tilespmem:v0+s20+$0x0] =	vst.idx.msk vm0, v1  }
0x64: {  	v0 =	vld [tilespmem:s29+$0xFFFFFF00]  }
0x65: {  	v1 =	vld [tilespmem:s30+$0xFFFFFF00]  }
0x66: {  	v2 =	vld [tilespmem:s29+$0xFFFFFF10]  }
0x67: {  	v3 =	vld [tilespmem:s30+$0xFFFFFF10]  }
0x68: {  	v4 =	vld [tilespmem:s29+$0xFFFFFF20]  }
0x69: {  	v5 =	vld [tilespmem:s30+$0xFFFFFF20]  }
0x6a: {  	v6 =	vld [tilespmem:s29+$0xFFFFFF30]  }
0x6b: {  	v7 =	vld [tilespmem:s30+$0xFFFFFF30]  }
0x6c: {  	v0 =	vmul.f32 v1, v0;
	v1 =	vmul.f32 v3, v2;
	v2 =	vld [tilespmem:s30+$0xFFFFFF40]  }
0x6d: {  	v3 =	vld [tilespmem:s29+$0xFFFFFF40]  }
0x6e: {  	v0 =	vadd.f32 v1, v0;
	v1 =	vmul.f32 v5, v4;
	v4 =	vld [tilespmem:s30+$0xFFFFFF50]  }
0x6f: {  	v5 =	vld [tilespmem:s29+$0xFFFFFF50]  }
0x70: {  	v0 =	vadd.f32 v1, v0;
	v1 =	vmul.f32 v7, v6;
	v6 =	vld [tilespmem:s30+$0xFFFFFF60]  }
0x71: {  	v7 =	vld [tilespmem:s29+$0xFFFFFF60]  }
0x72: {  	v0 =	vadd.f32 v1, v0;
	v1 =	vmul.f32 v2, v3;
	v2 =	vld [tilespmem:s30+$0xFFFFFF70]  }
0x73: {  	v3 =	vld [tilespmem:s29+$0xFFFFFF70]  }
0x74: {  	v0 =	vadd.f32 v1, v0;
	v1 =	vmul.f32 v4, v5;
	_ =	sdelay $0x1  }
0x75: {  	v0 =	vadd.f32 v1, v0;
	v1 =	vmul.f32 v6, v7;
	_ =	sdelay $0x1  }
0x76: {  	v0 =	vadd.f32 v1, v0;
	v1 =	vmul.f32 v2, v3;
	_ =	sdelay $0x1  }
0x77: {  	v0 =	vadd.f32 v1, v0;
	_ =	sdelay $0x1  }
0x78: {  	(xrf2) =	vadd.scan.msk.f32 $0xffff, v0;
	_ =	sdelay $0x1  }
0x79: {  	s13 =	simm.s32 $0x2  }
0x7a: {  	v0 =	vmov s13  }
0x7b: {  	v0 =	vand.u32 $0xFFFFFFFA, v0  }
0x7c: {  	v0 =	vbroadcast v0, $0x0;
	_ =	sdelay $0x4  }
0x7d: {  	v1, _, _ =	vpop (xrf2)  }
0x7e: {  	[tilespmem:v0+s20+$0x0] =	vst.idx.msk vm0, v1  }
0x7f: {  	v0 =	vld [tilespmem:s30+$0xFFFFFF90]  }
0x80: {  	v1 =	vld [tilespmem:s29+$0xFFFFFF80]  }
0x81: {  	v2 =	vld [tilespmem:s30+$0xFFFFFF80]  }
0x82: {  	v3 =	vld [tilespmem:s29+$0xFFFFFF90]  }
0x83: {  	v4 =	vld [tilespmem:s29+$0xFFFFFFA0]  }
0x84: {  	v5 =	vld [tilespmem:s30+$0xFFFFFFA0]  }
0x85: {  	v6 =	vld [tilespmem:s30+$0xFFFFFFB0]  }
0x86: {  	v7 =	vld [tilespmem:s29+$0xFFFFFFB0]  }
0x87: {  	v1 =	vmul.f32 v2, v1;
	v0 =	vmul.f32 v0, v3;
	v2 =	vld [tilespmem:s30+$0xFFFFFFC0]  }
0x88: {  	v3 =	vld [tilespmem:s29+$0xFFFFFFC0]  }
0x89: {  	v0 =	vadd.f32 v0, v1;
	v1 =	vmul.f32 v5, v4;
	v4 =	vld [tilespmem:s30+$0xFFFFFFD0]  }
0x8a: {  	v5 =	vld [tilespmem:s29+$0xFFFFFFD0]  }
0x8b: {  	v0 =	vadd.f32 v1, v0;
	v1 =	vmul.f32 v6, v7;
	v6 =	vld [tilespmem:s30+$0xFFFFFFE0]  }
0x8c: {  	v7 =	vld [tilespmem:s29+$0xFFFFFFE0]  }
0x8d: {  	v0 =	vadd.f32 v1, v0;
	v1 =	vmul.f32 v2, v3;
	v2 =	vld [tilespmem:s30+$0xFFFFFFF0]  }
0x8e: {  	v3 =	vld [tilespmem:s29+$0xFFFFFFF0]  }
0x8f: {  	v0 =	vadd.f32 v1, v0;
	v1 =	vmul.f32 v4, v5;
	_ =	sdelay $0x1  }
0x90: {  	v0 =	vadd.f32 v1, v0;
	v1 =	vmul.f32 v6, v7;
	_ =	sdelay $0x1  }
0x91: {  	v0 =	vadd.f32 v1, v0;
	v1 =	vmul.f32 v2, v3;
	_ =	sdelay $0x1  }
0x92: {  	v0 =	vadd.f32 v1, v0;
	_ =	sdelay $0x1  }
0x93: {  	(xrf2) =	vadd.scan.msk.f32 $0xffff, v0;
	_ =	sdelay $0x1  }
0x94: {  	s14 =	simm.s32 $0x3  }
0x95: {  	v0 =	vmov s14  }
0x96: {  	v0 =	vand.u32 $0xFFFFFFFB, v0  }
0x97: {  	v0 =	vbroadcast v0, $0x0;
	_ =	sdelay $0x4  }
0x98: {  	v1, _, _ =	vpop (xrf2)  }
0x99: {  	[tilespmem:v0+s20+$0x0] =	vst.idx.msk vm0, v1  }
0x9a: {  	v0 =	vld [tilespmem:s30+$0x10]  }
0x9b: {  	v1 =	vld [tilespmem:s29+$0x0]  }
0x9c: {  	v2 =	vld [tilespmem:s30+$0x0]  }
0x9d: {  	v3 =	vld [tilespmem:s29+$0x10]  }
0x9e: {  	v4 =	vld [tilespmem:s30+$0x20]  }
0x9f: {  	v5 =	vld [tilespmem:s29+$0x20]  }
0xa0: {  	v6 =	vld [tilespmem:s30+$0x30]  }
0xa1: {  	v7 =	vld [tilespmem:s29+$0x30]  }
0xa2: {  	v1 =	vmul.f32 v2, v1;
	v0 =	vmul.f32 v0, v3;
	v2 =	vld [tilespmem:s30+$0x40]  }
0xa3: {  	v3 =	vld [tilespmem:s29+$0x40]  }
0xa4: {  	v0 =	vadd.f32 v0, v1;
	v1 =	vmul.f32 v4, v5;
	v4 =	vld [tilespmem:s30+$0x50]  }
0xa5: {  	v5 =	vld [tilespmem:s29+$0x50]  }
0xa6: {  	v0 =	vadd.f32 v1, v0;
	v1 =	vmul.f32 v6, v7;
	v6 =	vld [tilespmem:s30+$0x60]  }
0xa7: {  	v7 =	vld [tilespmem:s29+$0x60]  }
0xa8: {  	v0 =	vadd.f32 v1, v0;
	v1 =	vmul.f32 v2, v3;
	v2 =	vld [tilespmem:s30+$0x70]  }
0xa9: {  	v3 =	vld [tilespmem:s29+$0x70]  }
0xaa: {  	v0 =	vadd.f32 v1, v0;
	v1 =	vmul.f32 v4, v5;
	_ =	sdelay $0x1  }
0xab: {  	v0 =	vadd.f32 v1, v0;
	v1 =	vmul.f32 v6, v7;
	_ =	sdelay $0x1  }
0xac: {  	v0 =	vadd.f32 v1, v0;
	v1 =	vmul.f32 v2, v3;
	_ =	sdelay $0x1  }
0xad: {  	v0 =	vadd.f32 v1, v0;
	_ =	sdelay $0x1  }
0xae: {  	(xrf2) =	vadd.scan.msk.f32 $0xffff, v0;
	_ =	sdelay $0x1  }
0xaf: {  	s2 =	simm.s32 $0x4  }
0xb0: {  	v0 =	vmov s2  }
0xb1: {  	v0 =	vand.u32 $0xFFFFFFFC, v0  }
0xb2: {  	v0 =	vbroadcast v0, $0x0;
	_ =	sdelay $0x4  }
0xb3: {  	v1, _, _ =	vpop (xrf2)  }
0xb4: {  	[tilespmem:v0+s20+$0x0] =	vst.idx.msk vm0, v1  }
0xb5: {  	v0 =	vld [tilespmem:s30+$0x80]  }
0xb6: {  	v1 =	vld [tilespmem:s29+$0x80]  }
0xb7: {  	v2 =	vld [tilespmem:s30+$0x90]  }
0xb8: {  	v3 =	vld [tilespmem:s29+$0x90]  }
0xb9: {  	v4 =	vld [tilespmem:s29+$0xA0]  }
0xba: {  	v5 =	vld [tilespmem:s30+$0xA0]  }
0xbb: {  	v6 =	vld [tilespmem:s29+$0xB0]  }
0xbc: {  	v7 =	vld [tilespmem:s30+$0xB0]  }
0xbd: {  	v0 =	vmul.f32 v0, v1;
	v1 =	vmul.f32 v2, v3;
	v2 =	vld [tilespmem:s29+$0xC0]  }
0xbe: {  	v3 =	vld [tilespmem:s30+$0xC0]  }
0xbf: {  	v0 =	vadd.f32 v1, v0;
	v1 =	vmul.f32 v5, v4;
	v4 =	vld [tilespmem:s29+$0xD0]  }
0xc0: {  	v5 =	vld [tilespmem:s30+$0xD0]  }
0xc1: {  	v0 =	vadd.f32 v1, v0;
	v1 =	vmul.f32 v7, v6;
	v6 =	vld [tilespmem:s29+$0xE0]  }
0xc2: {  	v7 =	vld [tilespmem:s30+$0xE0]  }
0xc3: {  	v0 =	vadd.f32 v1, v0;
	v1 =	vmul.f32 v3, v2;
	v2 =	vld [tilespmem:s29+$0xF0]  }
0xc4: {  	v3 =	vld [tilespmem:s30+$0xF0]  }
0xc5: {  	v0 =	vadd.f32 v1, v0;
	v1 =	vmul.f32 v5, v4;
	_ =	sdelay $0x1  }
0xc6: {  	v0 =	vadd.f32 v1, v0;
	v1 =	vmul.f32 v7, v6;
	_ =	sdelay $0x1  }
0xc7: {  	v0 =	vadd.f32 v1, v0;
	v1 =	vmul.f32 v3, v2;
	_ =	sdelay $0x1  }
0xc8: {  	v0 =	vadd.f32 v1, v0;
	_ =	sdelay $0x1  }
0xc9: {  	(xrf2) =	vadd.scan.msk.f32 $0xffff, v0;
	_ =	sdelay $0x1  }
0xca: {  	s13 =	simm.s32 $0x5  }
0xcb: {  	v0 =	vmov s13  }
0xcc: {  	v0 =	vand.u32 $0xFFFFFFFD, v0  }
0xcd: {  	v0 =	vbroadcast v0, $0x0;
	_ =	sdelay $0x4  }
0xce: {  	v1, _, _ =	vpop (xrf2)  }
0xcf: {  	[tilespmem:v0+s20+$0x0] =	vst.idx.msk vm0, v1  }
0xd0: {  	v0 =	vld [tilespmem:s29+$0x100]  }
0xd1: {  	v1 =	vld [tilespmem:s30+$0x100]  }
0xd2: {  	v2 =	vld [tilespmem:s30+$0x110]  }
0xd3: {  	v3 =	vld [tilespmem:s29+$0x110]  }
0xd4: {  	v4 =	vld [tilespmem:s29+$0x120]  }
0xd5: {  	v5 =	vld [tilespmem:s30+$0x120]  }
0xd6: {  	v6 =	vld [tilespmem:s29+$0x130]  }
0xd7: {  	v7 =	vld [tilespmem:s30+$0x130]  }
0xd8: {  	v0 =	vmul.f32 v1, v0;
	v1 =	vmul.f32 v2, v3;
	v2 =	vld [tilespmem:s29+$0x140]  }
0xd9: {  	v3 =	vld [tilespmem:s30+$0x140]  }
0xda: {  	v0 =	vadd.f32 v1, v0;
	v1 =	vmul.f32 v5, v4;
	v4 =	vld [tilespmem:s29+$0x150]  }
0xdb: {  	v5 =	vld [tilespmem:s30+$0x150]  }
0xdc: {  	v0 =	vadd.f32 v1, v0;
	v1 =	vmul.f32 v7, v6;
	v6 =	vld [tilespmem:s29+$0x160]  }
0xdd: {  	v7 =	vld [tilespmem:s30+$0x160]  }
0xde: {  	v0 =	vadd.f32 v1, v0;
	v1 =	vmul.f32 v3, v2;
	v2 =	vld [tilespmem:s29+$0x170]  }
0xdf: {  	v3 =	vld [tilespmem:s30+$0x170]  }
0xe0: {  	v0 =	vadd.f32 v1, v0;
	v1 =	vmul.f32 v5, v4;
	_ =	sdelay $0x1  }
0xe1: {  	v0 =	vadd.f32 v1, v0;
	v1 =	vmul.f32 v7, v6;
	_ =	sdelay $0x1  }
0xe2: {  	v0 =	vadd.f32 v1, v0;
	v1 =	vmul.f32 v3, v2;
	_ =	sdelay $0x1  }
0xe3: {  	v0 =	vadd.f32 v1, v0;
	_ =	sdelay $0x1  }
0xe4: {  	(xrf2) =	vadd.scan.msk.f32 $0xffff, v0;
	_ =	sdelay $0x1  }
0xe5: {  	s14 =	simm.s32 $0x6  }
0xe6: {  	v0 =	vmov s14  }
0xe7: {  	v0 =	vand.u32 $0xFFFFFFFE, v0  }
0xe8: {  	v0 =	vbroadcast v0, $0x0;
	_ =	sdelay $0x4  }
0xe9: {  	v1, _, _ =	vpop (xrf2)  }
0xea: {  	[tilespmem:v0+s20+$0x0] =	vst.idx.msk vm0, v1  }
0xeb: {  	v5 =	vld [tilespmem:s29+$0x1A0]  }
0xec: {  	v6 =	vld [tilespmem:s30+$0x1A0]  }
0xed: {  	v2 =	vld [tilespmem:s29+$0x180]  }
0xee: {  	v3 =	vld [tilespmem:s30+$0x190]  }
0xef: {  	v7 =	vld [tilespmem:s29+$0x190]  }
0xf0: {  	v8 =	vld [tilespmem:s30+$0x180]  }
0xf1: {  	v9 =	vld [tilespmem:s29+$0x1B0]  }
0xf2: {  	v10 =	vld [tilespmem:s30+$0x1B0]  }
0xf3: {  	v1 =	vld [tilespmem:s29+$0x1C0]  }
0xf4: {  	v4 =	vld [tilespmem:s30+$0x1C0]  }
0xf5: {  	v0 =	vld [tilespmem:s29+$0x1D0];
	v11 =	vmul.f32 v3, v7;
	v8 =	vmul.f32 v8, v2  }
0xf6: {  	v3 =	vld [tilespmem:s30+$0x1D0]  }
0xf7: {  	v2 =	vld [tilespmem:s29+$0x1E0];
	v7 =	vmul.f32 v6, v5;
	v8 =	vadd.f32 v11, v8  }
0xf8: {  	s31 =	simm.s32 $0x7;
	s0 =	simm.s32 $0xF;
	s2 =	simm.s32 $0xB500;
	v6 =	vmul.f32 v10, v9;
	v5 =	vld [tilespmem:s30+$0x1E0]  }
.LBB2_3:
0xf9: {  	p1 =	sne.s32 s0, $0xC7;
	v7 =	vadd.f32 v7, v8;
	v8 =	vld [tilespmem:s29+$0x1F0];
	s29 =	sadd.s32 $0x400, s29;
	s30 =	sadd.s32 $0x400, s30  }
0xfa: {  	v1 =	vmul.f32 v4, v1;
	s13 =	smov.u32 s0;
	s0 =	sadd.s32 $0x8, s0;
	v4 =	vld [tilespmem:s2+$0x1F0];
	s2 =	smov.u32 s30  }
0xfb: {  	v6 =	vadd.f32 v6, v7;
	v0 =	vmul.f32 v3, v0;
	_ =	sdelay $0x1  }
0xfc: {  	v1 =	vadd.f32 v1, v6;
	v2 =	vmul.f32 v5, v2;
	_ =	sdelay $0x1  }
0xfd: {  	v0 =	vadd.f32 v0, v1;
	v1 =	vmul.f32 v4, v8;
	_ =	sdelay $0x1  }
0xfe: {  	v0 =	vadd.f32 v2, v0;
	_ =	sdelay $0x1  }
0xff: {  	v0 =	vadd.f32 v1, v0;
	_ =	sdelay $0x1  }
0x100: {  	(xrf2) =	vadd.scan.msk.f32 $0xffff, v0;
	_ =	sdelay $0x4  }
0x101: {  	v0 =	vmov s31;
	s31 =	smov.u32 s13;
	_ =	sdelay $0x4  }
0x102: {  	v1, _, _ =	vpop (xrf2)  }
0x103: {  	[tilespmem:v0+s20+$0x0] =	vst.idx.msk vm0, v1  }
0x104: {  	v0 =	vld [tilespmem:s30+$0xFFFFFE10]  }
0x105: {  	v1 =	vld [tilespmem:s29+$0xFFFFFE10]  }
0x106: {  	v2 =	vld [tilespmem:s30+$0xFFFFFE00]  }
0x107: {  	v3 =	vld [tilespmem:s29+$0xFFFFFE00]  }
0x108: {  	v4 =	vld [tilespmem:s30+$0xFFFFFE20]  }
0x109: {  	v5 =	vld [tilespmem:s29+$0xFFFFFE20]  }
0x10a: {  	v0 =	vmul.f32 v0, v1;
	v1 =	vld [tilespmem:s30+$0xFFFFFE30]  }
0x10b: {  	v6 =	vld [tilespmem:s29+$0xFFFFFE30]  }
0x10c: {  	v2 =	vmul.f32 v2, v3;
	v3 =	vld [tilespmem:s30+$0xFFFFFE40]  }
0x10d: {  	v7 =	vld [tilespmem:s29+$0xFFFFFE40]  }
0x10e: {  	v0 =	vadd.f32 v0, v2;
	v2 =	vmul.f32 v4, v5;
	v4 =	vld [tilespmem:s30+$0xFFFFFE50]  }
0x10f: {  	v5 =	vld [tilespmem:s29+$0xFFFFFE50]  }
0x110: {  	v0 =	vadd.f32 v2, v0;
	v1 =	vmul.f32 v1, v6;
	v2 =	vld [tilespmem:s30+$0xFFFFFE60]  }
0x111: {  	v6 =	vld [tilespmem:s29+$0xFFFFFE60]  }
0x112: {  	v0 =	vadd.f32 v1, v0;
	v1 =	vmul.f32 v3, v7;
	v3 =	vld [tilespmem:s30+$0xFFFFFE70]  }
0x113: {  	v7 =	vld [tilespmem:s29+$0xFFFFFE70]  }
0x114: {  	v0 =	vadd.f32 v1, v0;
	v1 =	vmul.f32 v4, v5;
	_ =	sdelay $0x1  }
0x115: {  	v0 =	vadd.f32 v1, v0;
	v1 =	vmul.f32 v2, v6;
	_ =	sdelay $0x1  }
0x116: {  	v0 =	vadd.f32 v1, v0;
	v1 =	vmul.f32 v3, v7;
	_ =	sdelay $0x1  }
0x117: {  	v0 =	vadd.f32 v1, v0;
	_ =	sdelay $0x1  }
0x118: {  	(xrf2) =	vadd.scan.msk.f32 $0xffff, v0;
	_ =	sdelay $0x1  }
0x119: {  	s13 =	sadd.s32 $0xFFFFFFF9, s31  }
0x11a: {  	v0 =	vmov s13  }
0x11b: {  	v0 =	vand.u32 $0xFFFFFFF8, v0  }
0x11c: {  	v0 =	vbroadcast v0, $0x0;
	_ =	sdelay $0x4  }
0x11d: {  	v1, _, _ =	vpop (xrf2)  }
0x11e: {  	[tilespmem:v0+s20+$0x0] =	vst.idx.msk vm0, v1  }
0x11f: {  	v0 =	vld [tilespmem:s30+$0xFFFFFE90]  }
0x120: {  	v1 =	vld [tilespmem:s29+$0xFFFFFE80]  }
0x121: {  	v2 =	vld [tilespmem:s29+$0xFFFFFE90]  }
0x122: {  	v3 =	vld [tilespmem:s30+$0xFFFFFE80]  }
0x123: {  	v4 =	vld [tilespmem:s30+$0xFFFFFEA0]  }
0x124: {  	v5 =	vld [tilespmem:s29+$0xFFFFFEA0]  }
0x125: {  	v6 =	vld [tilespmem:s30+$0xFFFFFEB0]  }
0x126: {  	v0 =	vmul.f32 v0, v2;
	v2 =	vld [tilespmem:s29+$0xFFFFFEB0]  }
0x127: {  	v1 =	vmul.f32 v3, v1;
	v3 =	vld [tilespmem:s30+$0xFFFFFEC0]  }
0x128: {  	v7 =	vld [tilespmem:s29+$0xFFFFFEC0]  }
0x129: {  	v0 =	vadd.f32 v0, v1;
	v1 =	vmul.f32 v4, v5;
	v4 =	vld [tilespmem:s30+$0xFFFFFED0]  }
0x12a: {  	v5 =	vld [tilespmem:s29+$0xFFFFFED0]  }
0x12b: {  	v0 =	vadd.f32 v1, v0;
	v1 =	vmul.f32 v6, v2;
	v2 =	vld [tilespmem:s30+$0xFFFFFEE0]  }
0x12c: {  	v6 =	vld [tilespmem:s29+$0xFFFFFEE0]  }
0x12d: {  	v0 =	vadd.f32 v1, v0;
	v1 =	vmul.f32 v3, v7;
	v3 =	vld [tilespmem:s30+$0xFFFFFEF0]  }
0x12e: {  	v7 =	vld [tilespmem:s29+$0xFFFFFEF0]  }
0x12f: {  	v0 =	vadd.f32 v1, v0;
	v1 =	vmul.f32 v4, v5;
	_ =	sdelay $0x1  }
0x130: {  	v0 =	vadd.f32 v1, v0;
	v1 =	vmul.f32 v2, v6;
	_ =	sdelay $0x1  }
0x131: {  	v0 =	vadd.f32 v1, v0;
	v1 =	vmul.f32 v3, v7;
	_ =	sdelay $0x1  }
0x132: {  	v0 =	vadd.f32 v1, v0;
	_ =	sdelay $0x1  }
0x133: {  	(xrf2) =	vadd.scan.msk.f32 $0xffff, v0;
	_ =	sdelay $0x1  }
0x134: {  	s13 =	sadd.s32 $0xFFFFFFFA, s31  }
0x135: {  	v0 =	vmov s13  }
0x136: {  	v0 =	vand.u32 $0xFFFFFFF9, v0  }
0x137: {  	v0 =	vbroadcast v0, $0x0;
	_ =	sdelay $0x4  }
0x138: {  	v1, _, _ =	vpop (xrf2)  }
0x139: {  	[tilespmem:v0+s20+$0x0] =	vst.idx.msk vm0, v1  }
0x13a: {  	v0 =	vld [tilespmem:s29+$0xFFFFFF00]  }
0x13b: {  	v1 =	vld [tilespmem:s30+$0xFFFFFF00]  }
0x13c: {  	v2 =	vld [tilespmem:s29+$0xFFFFFF10]  }
0x13d: {  	v3 =	vld [tilespmem:s30+$0xFFFFFF10]  }
0x13e: {  	v4 =	vld [tilespmem:s29+$0xFFFFFF20]  }
0x13f: {  	v5 =	vld [tilespmem:s30+$0xFFFFFF20]  }
0x140: {  	v0 =	vmul.f32 v1, v0;
	v1 =	vld [tilespmem:s29+$0xFFFFFF30]  }
0x141: {  	v6 =	vld [tilespmem:s30+$0xFFFFFF30]  }
0x142: {  	v2 =	vmul.f32 v3, v2;
	v3 =	vld [tilespmem:s30+$0xFFFFFF40]  }
0x143: {  	v7 =	vld [tilespmem:s29+$0xFFFFFF40]  }
0x144: {  	v0 =	vadd.f32 v2, v0;
	v2 =	vmul.f32 v5, v4;
	v4 =	vld [tilespmem:s30+$0xFFFFFF50]  }
0x145: {  	v5 =	vld [tilespmem:s29+$0xFFFFFF50]  }
0x146: {  	v0 =	vadd.f32 v2, v0;
	v1 =	vmul.f32 v6, v1;
	v2 =	vld [tilespmem:s30+$0xFFFFFF60]  }
0x147: {  	v6 =	vld [tilespmem:s29+$0xFFFFFF60]  }
0x148: {  	v0 =	vadd.f32 v1, v0;
	v1 =	vmul.f32 v3, v7;
	v3 =	vld [tilespmem:s30+$0xFFFFFF70]  }
0x149: {  	v7 =	vld [tilespmem:s29+$0xFFFFFF70]  }
0x14a: {  	v0 =	vadd.f32 v1, v0;
	v1 =	vmul.f32 v4, v5;
	_ =	sdelay $0x1  }
0x14b: {  	v0 =	vadd.f32 v1, v0;
	v1 =	vmul.f32 v2, v6;
	_ =	sdelay $0x1  }
0x14c: {  	v0 =	vadd.f32 v1, v0;
	v1 =	vmul.f32 v3, v7;
	_ =	sdelay $0x1  }
0x14d: {  	v0 =	vadd.f32 v1, v0;
	_ =	sdelay $0x1  }
0x14e: {  	(xrf2) =	vadd.scan.msk.f32 $0xffff, v0;
	_ =	sdelay $0x1  }
0x14f: {  	s13 =	sadd.s32 $0xFFFFFFFB, s31  }
0x150: {  	v0 =	vmov s13  }
0x151: {  	v0 =	vand.u32 $0xFFFFFFFA, v0  }
0x152: {  	v0 =	vbroadcast v0, $0x0;
	_ =	sdelay $0x4  }
0x153: {  	v1, _, _ =	vpop (xrf2)  }
0x154: {  	[tilespmem:v0+s20+$0x0] =	vst.idx.msk vm0, v1  }
0x155: {  	v0 =	vld [tilespmem:s30+$0xFFFFFF90]  }
0x156: {  	v1 =	vld [tilespmem:s29+$0xFFFFFF80]  }
0x157: {  	v2 =	vld [tilespmem:s30+$0xFFFFFF80]  }
0x158: {  	v3 =	vld [tilespmem:s29+$0xFFFFFF90]  }
0x159: {  	v4 =	vld [tilespmem:s29+$0xFFFFFFA0]  }
0x15a: {  	v5 =	vld [tilespmem:s30+$0xFFFFFFA0]  }
0x15b: {  	v6 =	vld [tilespmem:s30+$0xFFFFFFB0]  }
0x15c: {  	v1 =	vmul.f32 v2, v1;
	v2 =	vld [tilespmem:s29+$0xFFFFFFB0]  }
0x15d: {  	v0 =	vmul.f32 v0, v3;
	v3 =	vld [tilespmem:s30+$0xFFFFFFC0]  }
0x15e: {  	v7 =	vld [tilespmem:s29+$0xFFFFFFC0]  }
0x15f: {  	v0 =	vadd.f32 v0, v1;
	v1 =	vmul.f32 v5, v4;
	v4 =	vld [tilespmem:s30+$0xFFFFFFD0]  }
0x160: {  	v5 =	vld [tilespmem:s29+$0xFFFFFFD0]  }
0x161: {  	v0 =	vadd.f32 v1, v0;
	v1 =	vmul.f32 v6, v2;
	v2 =	vld [tilespmem:s30+$0xFFFFFFE0]  }
0x162: {  	v6 =	vld [tilespmem:s29+$0xFFFFFFE0]  }
0x163: {  	v0 =	vadd.f32 v1, v0;
	v1 =	vmul.f32 v3, v7;
	v3 =	vld [tilespmem:s30+$0xFFFFFFF0]  }
0x164: {  	v7 =	vld [tilespmem:s29+$0xFFFFFFF0]  }
0x165: {  	v0 =	vadd.f32 v1, v0;
	v1 =	vmul.f32 v4, v5;
	_ =	sdelay $0x1  }
0x166: {  	v0 =	vadd.f32 v1, v0;
	v1 =	vmul.f32 v2, v6;
	_ =	sdelay $0x1  }
0x167: {  	v0 =	vadd.f32 v1, v0;
	v1 =	vmul.f32 v3, v7;
	_ =	sdelay $0x1  }
0x168: {  	v0 =	vadd.f32 v1, v0;
	_ =	sdelay $0x1  }
0x169: {  	(xrf2) =	vadd.scan.msk.f32 $0xffff, v0;
	_ =	sdelay $0x1  }
0x16a: {  	s13 =	sadd.s32 $0xFFFFFFFC, s31  }
0x16b: {  	v0 =	vmov s13  }
0x16c: {  	v0 =	vand.u32 $0xFFFFFFFB, v0  }
0x16d: {  	v0 =	vbroadcast v0, $0x0;
	_ =	sdelay $0x4  }
0x16e: {  	v1, _, _ =	vpop (xrf2)  }
0x16f: {  	[tilespmem:v0+s20+$0x0] =	vst.idx.msk vm0, v1  }
0x170: {  	v0 =	vld [tilespmem:s30+$0x10]  }
0x171: {  	v1 =	vld [tilespmem:s29+$0x0]  }
0x172: {  	v2 =	vld [tilespmem:s30+$0x0]  }
0x173: {  	v3 =	vld [tilespmem:s29+$0x10]  }
0x174: {  	v4 =	vld [tilespmem:s30+$0x20]  }
0x175: {  	v5 =	vld [tilespmem:s29+$0x20]  }
0x176: {  	v6 =	vld [tilespmem:s30+$0x30]  }
0x177: {  	v1 =	vmul.f32 v2, v1;
	v2 =	vld [tilespmem:s29+$0x30]  }
0x178: {  	v0 =	vmul.f32 v0, v3;
	v3 =	vld [tilespmem:s30+$0x40]  }
0x179: {  	v7 =	vld [tilespmem:s29+$0x40]  }
0x17a: {  	v0 =	vadd.f32 v0, v1;
	v1 =	vmul.f32 v4, v5;
	v4 =	vld [tilespmem:s30+$0x50]  }
0x17b: {  	v5 =	vld [tilespmem:s29+$0x50]  }
0x17c: {  	v0 =	vadd.f32 v1, v0;
	v1 =	vmul.f32 v6, v2;
	v2 =	vld [tilespmem:s30+$0x60]  }
0x17d: {  	v6 =	vld [tilespmem:s29+$0x60]  }
0x17e: {  	v0 =	vadd.f32 v1, v0;
	v1 =	vmul.f32 v3, v7;
	v3 =	vld [tilespmem:s30+$0x70]  }
0x17f: {  	v7 =	vld [tilespmem:s29+$0x70]  }
0x180: {  	v0 =	vadd.f32 v1, v0;
	v1 =	vmul.f32 v4, v5;
	_ =	sdelay $0x1  }
0x181: {  	v0 =	vadd.f32 v1, v0;
	v1 =	vmul.f32 v2, v6;
	_ =	sdelay $0x1  }
0x182: {  	v0 =	vadd.f32 v1, v0;
	v1 =	vmul.f32 v3, v7;
	_ =	sdelay $0x1  }
0x183: {  	v0 =	vadd.f32 v1, v0;
	_ =	sdelay $0x1  }
0x184: {  	(xrf2) =	vadd.scan.msk.f32 $0xffff, v0;
	_ =	sdelay $0x1  }
0x185: {  	s13 =	sadd.s32 $0xFFFFFFFD, s31  }
0x186: {  	v0 =	vmov s13  }
0x187: {  	v0 =	vand.u32 $0xFFFFFFFC, v0  }
0x188: {  	v0 =	vbroadcast v0, $0x0;
	_ =	sdelay $0x4  }
0x189: {  	v1, _, _ =	vpop (xrf2)  }
0x18a: {  	[tilespmem:v0+s20+$0x0] =	vst.idx.msk vm0, v1  }
0x18b: {  	v0 =	vld [tilespmem:s30+$0x80]  }
0x18c: {  	v1 =	vld [tilespmem:s29+$0x80]  }
0x18d: {  	v2 =	vld [tilespmem:s30+$0x90]  }
0x18e: {  	v3 =	vld [tilespmem:s29+$0x90]  }
0x18f: {  	v4 =	vld [tilespmem:s29+$0xA0]  }
0x190: {  	v5 =	vld [tilespmem:s30+$0xA0]  }
0x191: {  	v0 =	vmul.f32 v0, v1;
	v1 =	vld [tilespmem:s29+$0xB0]  }
0x192: {  	v6 =	vld [tilespmem:s30+$0xB0]  }
0x193: {  	v2 =	vmul.f32 v2, v3;
	v3 =	vld [tilespmem:s29+$0xC0]  }
0x194: {  	v7 =	vld [tilespmem:s30+$0xC0]  }
0x195: {  	v0 =	vadd.f32 v2, v0;
	v2 =	vmul.f32 v5, v4;
	v4 =	vld [tilespmem:s29+$0xD0]  }
0x196: {  	v5 =	vld [tilespmem:s30+$0xD0]  }
0x197: {  	v0 =	vadd.f32 v2, v0;
	v1 =	vmul.f32 v6, v1;
	v2 =	vld [tilespmem:s29+$0xE0]  }
0x198: {  	v6 =	vld [tilespmem:s30+$0xE0]  }
0x199: {  	v0 =	vadd.f32 v1, v0;
	v1 =	vmul.f32 v7, v3;
	v3 =	vld [tilespmem:s29+$0xF0]  }
0x19a: {  	v7 =	vld [tilespmem:s30+$0xF0]  }
0x19b: {  	v0 =	vadd.f32 v1, v0;
	v1 =	vmul.f32 v5, v4;
	_ =	sdelay $0x1  }
0x19c: {  	v0 =	vadd.f32 v1, v0;
	v1 =	vmul.f32 v6, v2;
	_ =	sdelay $0x1  }
0x19d: {  	v0 =	vadd.f32 v1, v0;
	v1 =	vmul.f32 v7, v3;
	_ =	sdelay $0x1  }
0x19e: {  	v0 =	vadd.f32 v1, v0;
	_ =	sdelay $0x1  }
0x19f: {  	(xrf2) =	vadd.scan.msk.f32 $0xffff, v0;
	_ =	sdelay $0x1  }
0x1a0: {  	s13 =	sadd.s32 $0xFFFFFFFE, s31  }
0x1a1: {  	v0 =	vmov s13  }
0x1a2: {  	v0 =	vand.u32 $0xFFFFFFFD, v0  }
0x1a3: {  	v0 =	vbroadcast v0, $0x0;
	_ =	sdelay $0x4  }
0x1a4: {  	v1, _, _ =	vpop (xrf2)  }
0x1a5: {  	[tilespmem:v0+s20+$0x0] =	vst.idx.msk vm0, v1  }
0x1a6: {  	v0 =	vld [tilespmem:s29+$0x100]  }
0x1a7: {  	v1 =	vld [tilespmem:s30+$0x100]  }
0x1a8: {  	v2 =	vld [tilespmem:s30+$0x110]  }
0x1a9: {  	v3 =	vld [tilespmem:s29+$0x110]  }
0x1aa: {  	v4 =	vld [tilespmem:s29+$0x120]  }
0x1ab: {  	v5 =	vld [tilespmem:s30+$0x120]  }
0x1ac: {  	v0 =	vmul.f32 v1, v0;
	v1 =	vld [tilespmem:s29+$0x130]  }
0x1ad: {  	v6 =	vld [tilespmem:s30+$0x130]  }
0x1ae: {  	v2 =	vmul.f32 v2, v3;
	v3 =	vld [tilespmem:s29+$0x140]  }
0x1af: {  	v7 =	vld [tilespmem:s30+$0x140]  }
0x1b0: {  	v0 =	vadd.f32 v2, v0;
	v2 =	vmul.f32 v5, v4;
	v4 =	vld [tilespmem:s29+$0x150]  }
0x1b1: {  	v5 =	vld [tilespmem:s30+$0x150]  }
0x1b2: {  	v0 =	vadd.f32 v2, v0;
	v1 =	vmul.f32 v6, v1;
	v2 =	vld [tilespmem:s29+$0x160]  }
0x1b3: {  	v6 =	vld [tilespmem:s30+$0x160]  }
0x1b4: {  	v0 =	vadd.f32 v1, v0;
	v1 =	vmul.f32 v7, v3;
	v3 =	vld [tilespmem:s29+$0x170]  }
0x1b5: {  	v7 =	vld [tilespmem:s30+$0x170]  }
0x1b6: {  	v0 =	vadd.f32 v1, v0;
	v1 =	vmul.f32 v5, v4;
	_ =	sdelay $0x1  }
0x1b7: {  	v0 =	vadd.f32 v1, v0;
	v1 =	vmul.f32 v6, v2;
	_ =	sdelay $0x1  }
0x1b8: {  	v0 =	vadd.f32 v1, v0;
	v1 =	vmul.f32 v7, v3;
	_ =	sdelay $0x1  }
0x1b9: {  	v0 =	vadd.f32 v1, v0;
	_ =	sdelay $0x1  }
0x1ba: {  	(xrf2) =	vadd.scan.msk.f32 $0xffff, v0;
	_ =	sdelay $0x1  }
0x1bb: {  	s13 =	sadd.s32 $0xFFFFFFFF, s31  }
0x1bc: {  	v0 =	vmov s13  }
0x1bd: {  	v0 =	vand.u32 $0xFFFFFFFE, v0  }
0x1be: {  	v0 =	vbroadcast v0, $0x0;
	_ =	sdelay $0x4  }
0x1bf: {  	v1, _, _ =	vpop (xrf2)  }
0x1c0: {  	[tilespmem:v0+s20+$0x0] =	vst.idx.msk vm0, v1  }
0x1c1: {  	v0 =	vld [tilespmem:s29+$0x1A0]  }
0x1c2: {  	v2 =	vld [tilespmem:s30+$0x1A0]  }
0x1c3: {  	v3 =	vld [tilespmem:s29+$0x180]  }
0x1c4: {  	v4 =	vld [tilespmem:s30+$0x190]  }
0x1c5: {  	v5 =	vld [tilespmem:s29+$0x190]  }
0x1c6: {  	v6 =	vld [tilespmem:s30+$0x180]  }
0x1c7: {  	v9 =	vld [tilespmem:s29+$0x1B0]  }
0x1c8: {  	v10 =	vld [tilespmem:s30+$0x1B0]  }
0x1c9: {  	v1 =	vld [tilespmem:s29+$0x1C0]  }
.Ltmp2:
0x1ca: {  	v7 =	vmul.f32 v2, v0;
	v5 =	vmul.f32 v4, v5;
	v4 =	vld [tilespmem:s30+$0x1C0];
	(pc) =	sbr.rel @p1 .LBB2_3-.Ltmp2, $4  }
0x1cb: {  	v2 =	vmul.f32 v6, v3;
	v0 =	vld [tilespmem:s29+$0x1D0]  }
0x1cc: {  	v3 =	vld [tilespmem:s30+$0x1D0]  }
0x1cd: {  	v8 =	vadd.f32 v5, v2;
	v6 =	vmul.f32 v10, v9;
	v2 =	vld [tilespmem:s29+$0x1E0]  }
0x1ce: {  	v5 =	vld [tilespmem:s30+$0x1E0]  }
0x1cf: {  	v7 =	vadd.f32 v7, v8;
	_ =	sdelay $0x1  }
0x1d0: {  	v8 =	vld [tilespmem:s29+$0x1F0];
	v1 =	vmul.f32 v4, v1;
	v4 =	vadd.f32 v6, v7  }
0x1d1: {  	v6 =	vld [tilespmem:s2+$0x1F0]  }
0x1d2: {  	v0 =	vmul.f32 v3, v0;
	v1 =	vadd.f32 v1, v4;
	_ =	sdelay $0x1  }
0x1d3: {  	v2 =	vmul.f32 v5, v2;
	v0 =	vadd.f32 v0, v1;
	_ =	sdelay $0x1  }
0x1d4: {  	v1 =	vmul.f32 v6, v8;
	v0 =	vadd.f32 v2, v0;
	_ =	sdelay $0x1  }
0x1d5: {  	v0 =	vadd.f32 v1, v0;
	_ =	sdelay $0x1  }
0x1d6: {  	(xrf2) =	vadd.scan.msk.f32 $0xffff, v0;
	_ =	sdelay $0x5  }
0x1d7: {  	v0 =	vmov s31;
	_ =	sdelay $0x3  }
0x1d8: {  	v1, _, _ =	vpop (xrf2)  }
0x1d9: {  	[tilespmem:v0+s20+$0x0] =	vst.idx.msk vm0, v1  }
0x1da: {  	v0 =	vld [tilespmem:$0x1DF00];
	_ =	sdelay $0x4  }
0x1db: {  	v0 =	vsub.f32 $0.0e+00, v0;
	_ =	sdelay $0x1  }
0x1dc: {  	v0 =	vmul.f32 $1.442695020e+00, v0;
	_ =	sdelay $0x1  }
0x1dd: {  	(erf) = vpow2.f32 v0;
	_ =	sdelay $0x3  }
0x1de: {  	v0 =	vld [tilespmem:$0x1DF10];
	_ =	sdelay $0x4  }
0x1df: {  	v0 =	vsub.f32 $0.0e+00, v0;
	v1 =	vpop (erf)  }
0x1e0: {  	v1 =	vadd.f32 $1.000000000e+00, v1  }
0x1e1: {  	v0 =	vmul.f32 $1.442695020e+00, v0  }
0x1e2: {  	(erf) = vrcp.f32 v1  }
0x1e3: {  	(erf) = vpow2.f32 v0;
	_ =	sdelay $0x3  }
0x1e4: {  	v0 =	vld [tilespmem:$0x1DF20];
	_ =	sdelay $0x3  }
0x1e5: {  	v1 =	vpop (erf)  }
0x1e6: {  	v0 =	vsub.f32 $0.0e+00, v0;
	v2 =	vpop (erf)  }
0x1e7: {  	v2 =	vadd.f32 $1.000000000e+00, v2  }
0x1e8: {  	v0 =	vmul.f32 $1.442695020e+00, v0  }
0x1e9: {  	(erf) = vrcp.f32 v2  }
0x1ea: {  	(erf) = vpow2.f32 v0;
	_ =	sdelay $0x3  }
0x1eb: {  	v0 =	vld [tilespmem:$0x1DF30];
	_ =	sdelay $0x3  }
0x1ec: {  	v2 =	vpop (erf)  }
0x1ed: {  	v0 =	vsub.f32 $0.0e+00, v0;
	v3 =	vpop (erf)  }
0x1ee: {  	v3 =	vadd.f32 $1.000000000e+00, v3  }
0x1ef: {  	v0 =	vmul.f32 $1.442695020e+00, v0  }
0x1f0: {  	(erf) = vrcp.f32 v3  }
0x1f1: {  	(erf) = vpow2.f32 v0;
	_ =	sdelay $0x3  }
0x1f2: {  	v0 =	vld [tilespmem:$0x1DF40];
	_ =	sdelay $0x3  }
0x1f3: {  	v3 =	vpop (erf)  }
0x1f4: {  	v0 =	vsub.f32 $0.0e+00, v0;
	v4 =	vpop (erf)  }
0x1f5: {  	v4 =	vadd.f32 $1.000000000e+00, v4  }
0x1f6: {  	v0 =	vmul.f32 $1.442695020e+00, v0  }
0x1f7: {  	(erf) = vrcp.f32 v4  }
0x1f8: {  	(erf) = vpow2.f32 v0;
	_ =	sdelay $0x3  }
0x1f9: {  	v0 =	vld [tilespmem:$0x1DF50];
	_ =	sdelay $0x3  }
0x1fa: {  	v4 =	vpop (erf)  }
0x1fb: {  	v0 =	vsub.f32 $0.0e+00, v0;
	v5 =	vpop (erf)  }
0x1fc: {  	v5 =	vadd.f32 $1.000000000e+00, v5  }
0x1fd: {  	v0 =	vmul.f32 $1.442695020e+00, v0  }
0x1fe: {  	(erf) = vrcp.f32 v5  }
0x1ff: {  	(erf) = vpow2.f32 v0;
	_ =	sdelay $0x3  }
0x200: {  	v0 =	vld [tilespmem:$0x1DF60];
	_ =	sdelay $0x3  }
0x201: {  	v5 =	vpop (erf)  }
0x202: {  	v0 =	vsub.f32 $0.0e+00, v0;
	v6 =	vpop (erf)  }
0x203: {  	v6 =	vadd.f32 $1.000000000e+00, v6  }
0x204: {  	v0 =	vmul.f32 $1.442695020e+00, v0  }
0x205: {  	(erf) = vrcp.f32 v6  }
0x206: {  	(erf) = vpow2.f32 v0;
	_ =	sdelay $0x3  }
0x207: {  	v0 =	vld [tilespmem:$0x1DF70];
	_ =	sdelay $0x3  }
0x208: {  	v6 =	vpop (erf)  }
0x209: {  	v0 =	vsub.f32 $0.0e+00, v0;
	v7 =	vpop (erf)  }
0x20a: {  	v7 =	vadd.f32 $1.000000000e+00, v7  }
0x20b: {  	v0 =	vmul.f32 $1.442695020e+00, v0  }
0x20c: {  	(erf) = vrcp.f32 v7  }
0x20d: {  	(erf) = vpow2.f32 v0;
	_ =	sdelay $0x3  }
0x20e: {  	v0 =	vld [tilespmem:$0x1DF80];
	_ =	sdelay $0x3  }
0x20f: {  	v7 =	vpop (erf)  }
0x210: {  	v0 =	vsub.f32 $0.0e+00, v0;
	v8 =	vpop (erf)  }
0x211: {  	v8 =	vadd.f32 $1.000000000e+00, v8  }
0x212: {  	v0 =	vmul.f32 $1.442695020e+00, v0  }
0x213: {  	(erf) = vrcp.f32 v8  }
0x214: {  	(erf) = vpow2.f32 v0;
	_ =	sdelay $0x3  }
0x215: {  	v0 =	vld [tilespmem:$0x1DF90];
	_ =	sdelay $0x3  }
0x216: {  	v8 =	vpop (erf)  }
0x217: {  	v0 =	vsub.f32 $0.0e+00, v0;
	v9 =	vpop (erf)  }
0x218: {  	v9 =	vadd.f32 $1.000000000e+00, v9  }
0x219: {  	v0 =	vmul.f32 $1.442695020e+00, v0  }
0x21a: {  	(erf) = vrcp.f32 v9  }
0x21b: {  	(erf) = vpow2.f32 v0;
	_ =	sdelay $0x3  }
0x21c: {  	v0 =	vld [tilespmem:$0x1DFA0];
	_ =	sdelay $0x3  }
0x21d: {  	v9 =	vpop (erf)  }
0x21e: {  	v0 =	vsub.f32 $0.0e+00, v0;
	v10 =	vpop (erf)  }
0x21f: {  	v10 =	vadd.f32 $1.000000000e+00, v10  }
0x220: {  	v0 =	vmul.f32 $1.442695020e+00, v0  }
0x221: {  	(erf) = vrcp.f32 v10  }
0x222: {  	(erf) = vpow2.f32 v0;
	_ =	sdelay $0x3  }
0x223: {  	v0 =	vld [tilespmem:$0x1DFB0];
	_ =	sdelay $0x3  }
0x224: {  	v10 =	vpop (erf)  }
0x225: {  	v0 =	vsub.f32 $0.0e+00, v0;
	v11 =	vpop (erf)  }
0x226: {  	v11 =	vadd.f32 $1.000000000e+00, v11  }
0x227: {  	v0 =	vmul.f32 $1.442695020e+00, v0  }
0x228: {  	(erf) = vrcp.f32 v11  }
0x229: {  	(erf) = vpow2.f32 v0;
	_ =	sdelay $0x3  }
0x22a: {  	v0 =	vld [tilespmem:$0x1DFC0];
	_ =	sdelay $0x3  }
0x22b: {  	v11 =	vpop (erf)  }
0x22c: {  	v0 =	vsub.f32 $0.0e+00, v0;
	v12 =	vpop (erf)  }
0x22d: {  	v12 =	vadd.f32 $1.000000000e+00, v12  }
0x22e: {  	v0 =	vmul.f32 $1.442695020e+00, v0  }
0x22f: {  	(erf) = vrcp.f32 v12  }
0x230: {  	(erf) = vpow2.f32 v0;
	_ =	sdelay $0x7  }
0x231: {  	v0 =	vpop (erf)  }
0x232: {  	v2 =	vadd.f32 $1.000000000e-15, v2;
	v63 =	vpop (erf)  }
0x233: {  	v1 =	vadd.f32 $1.000000000e-15, v1;
	v12 =	vadd.f32 $1.000000000e+00, v63  }
0x234: {  	[tilespmem:$0x1DF10] =	vst v2;
	v2 =	vadd.f32 $1.000000000e-15, v4  }
0x235: {  	[tilespmem:$0x1DF00] =	vst v1;
	v1 =	vadd.f32 $1.000000000e-15, v3;
	(erf) = vrcp.f32 v12  }
0x236: {  	[tilespmem:$0x1DF30] =	vst v2;
	v2 =	vadd.f32 $1.000000000e-15, v6  }
0x237: {  	[tilespmem:$0x1DF20] =	vst v1;
	v1 =	vadd.f32 $1.000000000e-15, v5  }
0x238: {  	[tilespmem:$0x1DF50] =	vst v2;
	v2 =	vadd.f32 $1.000000000e-15, v8  }
0x239: {  	[tilespmem:$0x1DF40] =	vst v1;
	v1 =	vadd.f32 $1.000000000e-15, v7  }
0x23a: {  	[tilespmem:$0x1DF70] =	vst v2;
	v2 =	vadd.f32 $1.000000000e-15, v10  }
0x23b: {  	[tilespmem:$0x1DF60] =	vst v1;
	v1 =	vadd.f32 $1.000000000e-15, v9;
	_ =	sdelay $0x1  }
0x23c: {  	s29 =	smul.u32 $0x190, s28;
	[tilespmem:$0x1DF80] =	vst v1;
	v1 =	vadd.f32 $1.000000000e-15, v11  }
0x23d: {  	[tilespmem:$0x1DF90] =	vst v2;
	v0 =	vadd.f32 $1.000000000e-15, v0;
	v2 =	vpop (erf)  }
0x23e: {  	s0 =	sadd.s32 s5, s29;
	[tilespmem:$0x1DFA0] =	vst v1;
	v1 =	vadd.f32 $1.000000000e-15, v2  }
0x23f: {  	s0 =	sshrl.u32 s0, $0x3;
	[tilespmem:$0x1DFB0] =	vst v0  }
0x240: {  	p1 =	seq.s32 s28, $0x18;
	s0 =	sadd.s32 s3, s0;
	[tilespmem:$0x1DFC0] =	vst v1  }
0x241: {  	[hbm4b:s0+s4] =	stream.linear.scatter [tilespmem:s20], [sflag:$0x5], $0xC8, $0x38;
	[tilespmem:$0x1E100] =	vst v63  }
0x242: {  	s13 =	simm.s32 @!p1 $0x4F00;
	s2 =	simm.s32 @!p1 $0xC8;
	s0 =	sadd.s32 @!p1 $0x190, s29  }
0x243: {  	[tilespmem:s13], [sflag:$0x1] =	stream.indirect.gather @!p1 [hbm4b:s1+s2], $0x80, s0, s2, $0xb8;
	[tilespmem:$0x1E100] =	vst v63  }
0x244: {  	s0 =	sadd.s32 @!p1 $0x2910, s29;
	s13 =	simm.s32 @!p1 $0xB300  }
0x245: {  	[tilespmem:s13], [sflag:$0x2] =	stream.indirect.gather @!p1 [hbm4b:s1+s2], $0x80, s0, s2, $0xb8;
	[tilespmem:$0x1E100] =	vst v63  }
0x246: {  	_ =	swait.ge [sflag:s21], $0x6400  }
0x247: {  	[sflag:s21] =	ssyncset.done $0x0  }
0x248: {  	[sflag:s21] =	ssyncadd.s32 $0xFFFF9C00  }
0x249: {  	_ =	swait.ge [sflag:s22], $0x6400  }
0x24a: {  	[sflag:s22] =	ssyncset.done $0x0  }
0x24b: {  	s0 =	simm.s32 @!p0 $0x6;
	[sflag:s22] =	ssyncadd.s32 $0xFFFF9C00  }
0x24c: {  	_ =	swait.ge @!p0 [sflag:s0], $0xC8  }
0x24d: {  	[sflag:s0] =	ssyncset.done @!p0 $0x0  }
0x24e: {  	s31 =	simm.s32 $0x17D00;
	[sflag:s0] =	ssyncadd.s32 @!p0 $0xFFFFFF38  }
0x24f: {  	s30 =	simm.s32 $0x11900;
	v0 =	vld [tilespmem:s31+$0xFFFFFE10]  }
0x250: {  	v1 =	vld [tilespmem:s30+$0xFFFFFE10]  }
0x251: {  	v2 =	vld [tilespmem:s31+$0xFFFFFE00]  }
0x252: {  	v3 =	vld [tilespmem:s30+$0xFFFFFE00]  }
0x253: {  	v4 =	vld [tilespmem:s31+$0xFFFFFE20]  }
0x254: {  	v5 =	vld [tilespmem:s30+$0xFFFFFE20]  }
0x255: {  	v6 =	vld [tilespmem:s31+$0xFFFFFE30]  }
0x256: {  	v7 =	vld [tilespmem:s30+$0xFFFFFE30]  }
0x257: {  	v0 =	vmul.f32 v0, v1;
	v1 =	vmul.f32 v2, v3;
	v2 =	vld [tilespmem:s31+$0xFFFFFE40]  }
0x258: {  	v3 =	vld [tilespmem:s30+$0xFFFFFE40]  }
0x259: {  	v0 =	vadd.f32 v0, v1;
	v1 =	vmul.f32 v4, v5;
	v4 =	vld [tilespmem:s31+$0xFFFFFE50]  }
0x25a: {  	v5 =	vld [tilespmem:s30+$0xFFFFFE50]  }
0x25b: {  	v0 =	vadd.f32 v1, v0;
	v1 =	vmul.f32 v6, v7;
	v6 =	vld [tilespmem:s31+$0xFFFFFE60]  }
0x25c: {  	v7 =	vld [tilespmem:s30+$0xFFFFFE60]  }
0x25d: {  	v0 =	vadd.f32 v1, v0;
	v1 =	vmul.f32 v2, v3;
	v2 =	vld [tilespmem:s31+$0xFFFFFE70]  }
0x25e: {  	v3 =	vld [tilespmem:s30+$0xFFFFFE70]  }
0x25f: {  	v0 =	vadd.f32 v1, v0;
	v1 =	vmul.f32 v4, v5;
	_ =	sdelay $0x1  }
0x260: {  	v0 =	vadd.f32 v1, v0;
	v1 =	vmul.f32 v6, v7;
	_ =	sdelay $0x1  }
0x261: {  	v0 =	vadd.f32 v1, v0;
	v1 =	vmul.f32 v2, v3;
	_ =	sdelay $0x1  }
0x262: {  	v0 =	vadd.f32 v1, v0;
	_ =	sdelay $0x1  }
0x263: {  	(xrf2) =	vadd.scan.msk.f32 $0xffff, v0;
	_ =	sdelay $0x1  }
0x264: {  	s14 =	simm.s32 $0x0  }
0x265: {  	v0 =	vmov s14  }
0x266: {  	v0 =	vand.u32 $0xFFFFFFF8, v0  }
0x267: {  	v0 =	vbroadcast v0, $0x0;
	_ =	sdelay $0x4  }
0x268: {  	v1, _, _ =	vpop (xrf2)  }
0x269: {  	[tilespmem:v0+s23+$0x0] =	vst.idx.msk vm0, v1  }
0x26a: {  	v0 =	vld [tilespmem:s31+$0xFFFFFE90]  }
0x26b: {  	v1 =	vld [tilespmem:s30+$0xFFFFFE80]  }
0x26c: {  	v2 =	vld [tilespmem:s30+$0xFFFFFE90]  }
0x26d: {  	v3 =	vld [tilespmem:s31+$0xFFFFFE80]  }
0x26e: {  	v4 =	vld [tilespmem:s31+$0xFFFFFEA0]  }
0x26f: {  	v5 =	vld [tilespmem:s30+$0xFFFFFEA0]  }
0x270: {  	v6 =	vld [tilespmem:s31+$0xFFFFFEB0]  }
0x271: {  	v7 =	vld [tilespmem:s30+$0xFFFFFEB0]  }
0x272: {  	v0 =	vmul.f32 v0, v2;
	v1 =	vmul.f32 v3, v1;
	v2 =	vld [tilespmem:s31+$0xFFFFFEC0]  }
0x273: {  	v3 =	vld [tilespmem:s30+$0xFFFFFEC0]  }
0x274: {  	v0 =	vadd.f32 v0, v1;
	v1 =	vmul.f32 v4, v5;
	v4 =	vld [tilespmem:s31+$0xFFFFFED0]  }
0x275: {  	v5 =	vld [tilespmem:s30+$0xFFFFFED0]  }
0x276: {  	v0 =	vadd.f32 v1, v0;
	v1 =	vmul.f32 v6, v7;
	v6 =	vld [tilespmem:s31+$0xFFFFFEE0]  }
0x277: {  	v7 =	vld [tilespmem:s30+$0xFFFFFEE0]  }
0x278: {  	v0 =	vadd.f32 v1, v0;
	v1 =	vmul.f32 v2, v3;
	v2 =	vld [tilespmem:s31+$0xFFFFFEF0]  }
0x279: {  	v3 =	vld [tilespmem:s30+$0xFFFFFEF0]  }
0x27a: {  	v0 =	vadd.f32 v1, v0;
	v1 =	vmul.f32 v4, v5;
	_ =	sdelay $0x1  }
0x27b: {  	v0 =	vadd.f32 v1, v0;
	v1 =	vmul.f32 v6, v7;
	_ =	sdelay $0x1  }
0x27c: {  	v0 =	vadd.f32 v1, v0;
	v1 =	vmul.f32 v2, v3;
	_ =	sdelay $0x1  }
0x27d: {  	v0 =	vadd.f32 v1, v0;
	_ =	sdelay $0x1  }
0x27e: {  	(xrf2) =	vadd.scan.msk.f32 $0xffff, v0;
	_ =	sdelay $0x1  }
0x27f: {  	s2 =	simm.s32 $0x1  }
0x280: {  	v0 =	vmov s2  }
0x281: {  	v0 =	vand.u32 $0xFFFFFFF9, v0  }
0x282: {  	v0 =	vbroadcast v0, $0x0;
	_ =	sdelay $0x4  }
0x283: {  	v1, _, _ =	vpop (xrf2)  }
0x284: {  	[tilespmem:v0+s23+$0x0] =	vst.idx.msk vm0, v1  }
0x285: {  	v0 =	vld [tilespmem:s30+$0xFFFFFF00]  }
0x286: {  	v1 =	vld [tilespmem:s31+$0xFFFFFF00]  }
0x287: {  	v2 =	vld [tilespmem:s30+$0xFFFFFF10]  }
0x288: {  	v3 =	vld [tilespmem:s31+$0xFFFFFF10]  }
0x289: {  	v4 =	vld [tilespmem:s30+$0xFFFFFF20]  }
0x28a: {  	v5 =	vld [tilespmem:s31+$0xFFFFFF20]  }
0x28b: {  	v6 =	vld [tilespmem:s30+$0xFFFFFF30]  }
0x28c: {  	v7 =	vld [tilespmem:s31+$0xFFFFFF30]  }
0x28d: {  	v0 =	vmul.f32 v1, v0;
	v1 =	vmul.f32 v3, v2;
	v2 =	vld [tilespmem:s31+$0xFFFFFF40]  }
0x28e: {  	v3 =	vld [tilespmem:s30+$0xFFFFFF40]  }
0x28f: {  	v0 =	vadd.f32 v1, v0;
	v1 =	vmul.f32 v5, v4;
	v4 =	vld [tilespmem:s31+$0xFFFFFF50]  }
0x290: {  	v5 =	vld [tilespmem:s30+$0xFFFFFF50]  }
0x291: {  	v0 =	vadd.f32 v1, v0;
	v1 =	vmul.f32 v7, v6;
	v6 =	vld [tilespmem:s31+$0xFFFFFF60]  }
0x292: {  	v7 =	vld [tilespmem:s30+$0xFFFFFF60]  }
0x293: {  	v0 =	vadd.f32 v1, v0;
	v1 =	vmul.f32 v2, v3;
	v2 =	vld [tilespmem:s31+$0xFFFFFF70]  }
0x294: {  	v3 =	vld [tilespmem:s30+$0xFFFFFF70]  }
0x295: {  	v0 =	vadd.f32 v1, v0;
	v1 =	vmul.f32 v4, v5;
	_ =	sdelay $0x1  }
0x296: {  	v0 =	vadd.f32 v1, v0;
	v1 =	vmul.f32 v6, v7;
	_ =	sdelay $0x1  }
0x297: {  	v0 =	vadd.f32 v1, v0;
	v1 =	vmul.f32 v2, v3;
	_ =	sdelay $0x1  }
0x298: {  	v0 =	vadd.f32 v1, v0;
	_ =	sdelay $0x1  }
0x299: {  	(xrf2) =	vadd.scan.msk.f32 $0xffff, v0;
	_ =	sdelay $0x1  }
0x29a: {  	s13 =	simm.s32 $0x2  }
0x29b: {  	v0 =	vmov s13  }
0x29c: {  	v0 =	vand.u32 $0xFFFFFFFA, v0  }
0x29d: {  	v0 =	vbroadcast v0, $0x0;
	_ =	sdelay $0x4  }
0x29e: {  	v1, _, _ =	vpop (xrf2)  }
0x29f: {  	[tilespmem:v0+s23+$0x0] =	vst.idx.msk vm0, v1  }
0x2a0: {  	v0 =	vld [tilespmem:s31+$0xFFFFFF90]  }
0x2a1: {  	v1 =	vld [tilespmem:s30+$0xFFFFFF80]  }
0x2a2: {  	v2 =	vld [tilespmem:s31+$0xFFFFFF80]  }
0x2a3: {  	v3 =	vld [tilespmem:s30+$0xFFFFFF90]  }
0x2a4: {  	v4 =	vld [tilespmem:s30+$0xFFFFFFA0]  }
0x2a5: {  	v5 =	vld [tilespmem:s31+$0xFFFFFFA0]  }
0x2a6: {  	v6 =	vld [tilespmem:s31+$0xFFFFFFB0]  }
0x2a7: {  	v7 =	vld [tilespmem:s30+$0xFFFFFFB0]  }
0x2a8: {  	v1 =	vmul.f32 v2, v1;
	v0 =	vmul.f32 v0, v3;
	v2 =	vld [tilespmem:s31+$0xFFFFFFC0]  }
0x2a9: {  	v3 =	vld [tilespmem:s30+$0xFFFFFFC0]  }
0x2aa: {  	v0 =	vadd.f32 v0, v1;
	v1 =	vmul.f32 v5, v4;
	v4 =	vld [tilespmem:s31+$0xFFFFFFD0]  }
0x2ab: {  	v5 =	vld [tilespmem:s30+$0xFFFFFFD0]  }
0x2ac: {  	v0 =	vadd.f32 v1, v0;
	v1 =	vmul.f32 v6, v7;
	v6 =	vld [tilespmem:s31+$0xFFFFFFE0]  }
0x2ad: {  	v7 =	vld [tilespmem:s30+$0xFFFFFFE0]  }
0x2ae: {  	v0 =	vadd.f32 v1, v0;
	v1 =	vmul.f32 v2, v3;
	v2 =	vld [tilespmem:s31+$0xFFFFFFF0]  }
0x2af: {  	v3 =	vld [tilespmem:s30+$0xFFFFFFF0]  }
0x2b0: {  	v0 =	vadd.f32 v1, v0;
	v1 =	vmul.f32 v4, v5;
	_ =	sdelay $0x1  }
0x2b1: {  	v0 =	vadd.f32 v1, v0;
	v1 =	vmul.f32 v6, v7;
	_ =	sdelay $0x1  }
0x2b2: {  	v0 =	vadd.f32 v1, v0;
	v1 =	vmul.f32 v2, v3;
	_ =	sdelay $0x1  }
0x2b3: {  	v0 =	vadd.f32 v1, v0;
	_ =	sdelay $0x1  }
0x2b4: {  	(xrf2) =	vadd.scan.msk.f32 $0xffff, v0;
	_ =	sdelay $0x1  }
0x2b5: {  	s14 =	simm.s32 $0x3  }
0x2b6: {  	v0 =	vmov s14  }
0x2b7: {  	v0 =	vand.u32 $0xFFFFFFFB, v0  }
0x2b8: {  	v0 =	vbroadcast v0, $0x0;
	_ =	sdelay $0x4  }
0x2b9: {  	v1, _, _ =	vpop (xrf2)  }
0x2ba: {  	[tilespmem:v0+s23+$0x0] =	vst.idx.msk vm0, v1  }
0x2bb: {  	v0 =	vld [tilespmem:s31+$0x10]  }
0x2bc: {  	v1 =	vld [tilespmem:s30+$0x0]  }
0x2bd: {  	v2 =	vld [tilespmem:s31+$0x0]  }
0x2be: {  	v3 =	vld [tilespmem:s30+$0x10]  }
0x2bf: {  	v4 =	vld [tilespmem:s31+$0x20]  }
0x2c0: {  	v5 =	vld [tilespmem:s30+$0x20]  }
0x2c1: {  	v6 =	vld [tilespmem:s31+$0x30]  }
0x2c2: {  	v7 =	vld [tilespmem:s30+$0x30]  }
0x2c3: {  	v1 =	vmul.f32 v2, v1;
	v0 =	vmul.f32 v0, v3;
	v2 =	vld [tilespmem:s31+$0x40]  }
0x2c4: {  	v3 =	vld [tilespmem:s30+$0x40]  }
0x2c5: {  	v0 =	vadd.f32 v0, v1;
	v1 =	vmul.f32 v4, v5;
	v4 =	vld [tilespmem:s31+$0x50]  }
0x2c6: {  	v5 =	vld [tilespmem:s30+$0x50]  }
0x2c7: {  	v0 =	vadd.f32 v1, v0;
	v1 =	vmul.f32 v6, v7;
	v6 =	vld [tilespmem:s31+$0x60]  }
0x2c8: {  	v7 =	vld [tilespmem:s30+$0x60]  }
0x2c9: {  	v0 =	vadd.f32 v1, v0;
	v1 =	vmul.f32 v2, v3;
	v2 =	vld [tilespmem:s31+$0x70]  }
0x2ca: {  	v3 =	vld [tilespmem:s30+$0x70]  }
0x2cb: {  	v0 =	vadd.f32 v1, v0;
	v1 =	vmul.f32 v4, v5;
	_ =	sdelay $0x1  }
0x2cc: {  	v0 =	vadd.f32 v1, v0;
	v1 =	vmul.f32 v6, v7;
	_ =	sdelay $0x1  }
0x2cd: {  	v0 =	vadd.f32 v1, v0;
	v1 =	vmul.f32 v2, v3;
	_ =	sdelay $0x1  }
0x2ce: {  	v0 =	vadd.f32 v1, v0;
	_ =	sdelay $0x1  }
0x2cf: {  	(xrf2) =	vadd.scan.msk.f32 $0xffff, v0;
	_ =	sdelay $0x1  }
0x2d0: {  	s2 =	simm.s32 $0x4  }
0x2d1: {  	v0 =	vmov s2  }
0x2d2: {  	v0 =	vand.u32 $0xFFFFFFFC, v0  }
0x2d3: {  	v0 =	vbroadcast v0, $0x0;
	_ =	sdelay $0x4  }
0x2d4: {  	v1, _, _ =	vpop (xrf2)  }
0x2d5: {  	[tilespmem:v0+s23+$0x0] =	vst.idx.msk vm0, v1  }
0x2d6: {  	v0 =	vld [tilespmem:s31+$0x80]  }
0x2d7: {  	v1 =	vld [tilespmem:s30+$0x80]  }
0x2d8: {  	v2 =	vld [tilespmem:s31+$0x90]  }
0x2d9: {  	v3 =	vld [tilespmem:s30+$0x90]  }
0x2da: {  	v4 =	vld [tilespmem:s30+$0xA0]  }
0x2db: {  	v5 =	vld [tilespmem:s31+$0xA0]  }
0x2dc: {  	v6 =	vld [tilespmem:s30+$0xB0]  }
0x2dd: {  	v7 =	vld [tilespmem:s31+$0xB0]  }
0x2de: {  	v0 =	vmul.f32 v0, v1;
	v1 =	vmul.f32 v2, v3;
	v2 =	vld [tilespmem:s30+$0xC0]  }
0x2df: {  	v3 =	vld [tilespmem:s31+$0xC0]  }
0x2e0: {  	v0 =	vadd.f32 v1, v0;
	v1 =	vmul.f32 v5, v4;
	v4 =	vld [tilespmem:s30+$0xD0]  }
0x2e1: {  	v5 =	vld [tilespmem:s31+$0xD0]  }
0x2e2: {  	v0 =	vadd.f32 v1, v0;
	v1 =	vmul.f32 v7, v6;
	v6 =	vld [tilespmem:s30+$0xE0]  }
0x2e3: {  	v7 =	vld [tilespmem:s31+$0xE0]  }
0x2e4: {  	v0 =	vadd.f32 v1, v0;
	v1 =	vmul.f32 v3, v2;
	v2 =	vld [tilespmem:s30+$0xF0]  }
0x2e5: {  	v3 =	vld [tilespmem:s31+$0xF0]  }
0x2e6: {  	v0 =	vadd.f32 v1, v0;
	v1 =	vmul.f32 v5, v4;
	_ =	sdelay $0x1  }
0x2e7: {  	v0 =	vadd.f32 v1, v0;
	v1 =	vmul.f32 v7, v6;
	_ =	sdelay $0x1  }
0x2e8: {  	v0 =	vadd.f32 v1, v0;
	v1 =	vmul.f32 v3, v2;
	_ =	sdelay $0x1  }
0x2e9: {  	v0 =	vadd.f32 v1, v0;
	_ =	sdelay $0x1  }
0x2ea: {  	(xrf2) =	vadd.scan.msk.f32 $0xffff, v0;
	_ =	sdelay $0x1  }
0x2eb: {  	s13 =	simm.s32 $0x5  }
0x2ec: {  	v0 =	vmov s13  }
0x2ed: {  	v0 =	vand.u32 $0xFFFFFFFD, v0  }
0x2ee: {  	v0 =	vbroadcast v0, $0x0;
	_ =	sdelay $0x4  }
0x2ef: {  	v1, _, _ =	vpop (xrf2)  }
0x2f0: {  	[tilespmem:v0+s23+$0x0] =	vst.idx.msk vm0, v1  }
0x2f1: {  	v0 =	vld [tilespmem:s30+$0x100]  }
0x2f2: {  	v1 =	vld [tilespmem:s31+$0x100]  }
0x2f3: {  	v2 =	vld [tilespmem:s31+$0x110]  }
0x2f4: {  	v3 =	vld [tilespmem:s30+$0x110]  }
0x2f5: {  	v4 =	vld [tilespmem:s30+$0x120]  }
0x2f6: {  	v5 =	vld [tilespmem:s31+$0x120]  }
0x2f7: {  	v6 =	vld [tilespmem:s30+$0x130]  }
0x2f8: {  	v7 =	vld [tilespmem:s31+$0x130]  }
0x2f9: {  	v0 =	vmul.f32 v1, v0;
	v1 =	vmul.f32 v2, v3;
	v2 =	vld [tilespmem:s30+$0x140]  }
0x2fa: {  	v3 =	vld [tilespmem:s31+$0x140]  }
0x2fb: {  	v0 =	vadd.f32 v1, v0;
	v1 =	vmul.f32 v5, v4;
	v4 =	vld [tilespmem:s30+$0x150]  }
0x2fc: {  	v5 =	vld [tilespmem:s31+$0x150]  }
0x2fd: {  	v0 =	vadd.f32 v1, v0;
	v1 =	vmul.f32 v7, v6;
	v6 =	vld [tilespmem:s30+$0x160]  }
0x2fe: {  	v7 =	vld [tilespmem:s31+$0x160]  }
0x2ff: {  	v0 =	vadd.f32 v1, v0;
	v1 =	vmul.f32 v3, v2;
	v2 =	vld [tilespmem:s30+$0x170]  }
0x300: {  	v3 =	vld [tilespmem:s31+$0x170]  }
0x301: {  	v0 =	vadd.f32 v1, v0;
	v1 =	vmul.f32 v5, v4;
	_ =	sdelay $0x1  }
0x302: {  	v0 =	vadd.f32 v1, v0;
	v1 =	vmul.f32 v7, v6;
	_ =	sdelay $0x1  }
0x303: {  	v0 =	vadd.f32 v1, v0;
	v1 =	vmul.f32 v3, v2;
	_ =	sdelay $0x1  }
0x304: {  	v0 =	vadd.f32 v1, v0;
	_ =	sdelay $0x1  }
0x305: {  	(xrf2) =	vadd.scan.msk.f32 $0xffff, v0;
	_ =	sdelay $0x1  }
0x306: {  	s14 =	simm.s32 $0x6  }
0x307: {  	v0 =	vmov s14  }
0x308: {  	v0 =	vand.u32 $0xFFFFFFFE, v0  }
0x309: {  	v0 =	vbroadcast v0, $0x0;
	_ =	sdelay $0x4  }
0x30a: {  	v1, _, _ =	vpop (xrf2)  }
0x30b: {  	[tilespmem:v0+s23+$0x0] =	vst.idx.msk vm0, v1  }
0x30c: {  	v5 =	vld [tilespmem:s30+$0x1A0]  }
0x30d: {  	v6 =	vld [tilespmem:s31+$0x1A0]  }
0x30e: {  	v2 =	vld [tilespmem:s30+$0x180]  }
0x30f: {  	v3 =	vld [tilespmem:s31+$0x190]  }
0x310: {  	v7 =	vld [tilespmem:s30+$0x190]  }
0x311: {  	v8 =	vld [tilespmem:s31+$0x180]  }
0x312: {  	v9 =	vld [tilespmem:s30+$0x1B0]  }
0x313: {  	v10 =	vld [tilespmem:s31+$0x1B0]  }
0x314: {  	v1 =	vld [tilespmem:s30+$0x1C0]  }
0x315: {  	v4 =	vld [tilespmem:s31+$0x1C0]  }
0x316: {  	v0 =	vld [tilespmem:s30+$0x1D0];
	v11 =	vmul.f32 v3, v7;
	v8 =	vmul.f32 v8, v2  }
0x317: {  	v3 =	vld [tilespmem:s31+$0x1D0]  }
0x318: {  	v2 =	vld [tilespmem:s30+$0x1E0];
	v7 =	vmul.f32 v6, v5;
	v8 =	vadd.f32 v11, v8  }
0x319: {  	s0 =	simm.s32 $0x17D00;
	s2 =	simm.s32 $0x7;
	s13 =	simm.s32 $0xF;
	v6 =	vmul.f32 v10, v9;
	v5 =	vld [tilespmem:s31+$0x1E0]  }
.LBB2_5:
0x31a: {  	p0 =	sne.s32 s13, $0xC7;
	v7 =	vadd.f32 v7, v8;
	v8 =	vld [tilespmem:s30+$0x1F0];
	s30 =	sadd.s32 $0x400, s30;
	s31 =	sadd.s32 $0x400, s31  }
0x31b: {  	v1 =	vmul.f32 v4, v1;
	s14 =	smov.u32 s13;
	s13 =	sadd.s32 $0x8, s13;
	v4 =	vld [tilespmem:s0+$0x1F0];
	s0 =	smov.u32 s31  }
0x31c: {  	v6 =	vadd.f32 v6, v7;
	v0 =	vmul.f32 v3, v0;
	_ =	sdelay $0x1  }
0x31d: {  	v1 =	vadd.f32 v1, v6;
	v2 =	vmul.f32 v5, v2;
	_ =	sdelay $0x1  }
0x31e: {  	v0 =	vadd.f32 v0, v1;
	v1 =	vmul.f32 v4, v8;
	_ =	sdelay $0x1  }
0x31f: {  	v0 =	vadd.f32 v2, v0;
	_ =	sdelay $0x1  }
0x320: {  	v0 =	vadd.f32 v1, v0;
	_ =	sdelay $0x1  }
0x321: {  	(xrf2) =	vadd.scan.msk.f32 $0xffff, v0;
	_ =	sdelay $0x4  }
0x322: {  	v0 =	vmov s2;
	s2 =	smov.u32 s14;
	_ =	sdelay $0x4  }
0x323: {  	v1, _, _ =	vpop (xrf2)  }
0x324: {  	[tilespmem:v0+s23+$0x0] =	vst.idx.msk vm0, v1  }
0x325: {  	v0 =	vld [tilespmem:s31+$0xFFFFFE10]  }
0x326: {  	v1 =	vld [tilespmem:s30+$0xFFFFFE10]  }
0x327: {  	v2 =	vld [tilespmem:s31+$0xFFFFFE00]  }
0x328: {  	v3 =	vld [tilespmem:s30+$0xFFFFFE00]  }
0x329: {  	v4 =	vld [tilespmem:s31+$0xFFFFFE20]  }
0x32a: {  	v5 =	vld [tilespmem:s30+$0xFFFFFE20]  }
0x32b: {  	v0 =	vmul.f32 v0, v1;
	v1 =	vld [tilespmem:s31+$0xFFFFFE30]  }
0x32c: {  	v6 =	vld [tilespmem:s30+$0xFFFFFE30]  }
0x32d: {  	v2 =	vmul.f32 v2, v3;
	v3 =	vld [tilespmem:s31+$0xFFFFFE40]  }
0x32e: {  	v7 =	vld [tilespmem:s30+$0xFFFFFE40]  }
0x32f: {  	v0 =	vadd.f32 v0, v2;
	v2 =	vmul.f32 v4, v5;
	v4 =	vld [tilespmem:s31+$0xFFFFFE50]  }
0x330: {  	v5 =	vld [tilespmem:s30+$0xFFFFFE50]  }
0x331: {  	v0 =	vadd.f32 v2, v0;
	v1 =	vmul.f32 v1, v6;
	v2 =	vld [tilespmem:s31+$0xFFFFFE60]  }
0x332: {  	v6 =	vld [tilespmem:s30+$0xFFFFFE60]  }
0x333: {  	v0 =	vadd.f32 v1, v0;
	v1 =	vmul.f32 v3, v7;
	v3 =	vld [tilespmem:s31+$0xFFFFFE70]  }
0x334: {  	v7 =	vld [tilespmem:s30+$0xFFFFFE70]  }
0x335: {  	v0 =	vadd.f32 v1, v0;
	v1 =	vmul.f32 v4, v5;
	_ =	sdelay $0x1  }
0x336: {  	v0 =	vadd.f32 v1, v0;
	v1 =	vmul.f32 v2, v6;
	_ =	sdelay $0x1  }
0x337: {  	v0 =	vadd.f32 v1, v0;
	v1 =	vmul.f32 v3, v7;
	_ =	sdelay $0x1  }
0x338: {  	v0 =	vadd.f32 v1, v0;
	_ =	sdelay $0x1  }
0x339: {  	(xrf2) =	vadd.scan.msk.f32 $0xffff, v0;
	_ =	sdelay $0x1  }
0x33a: {  	s14 =	sadd.s32 $0xFFFFFFF9, s2  }
0x33b: {  	v0 =	vmov s14  }
0x33c: {  	v0 =	vand.u32 $0xFFFFFFF8, v0  }
0x33d: {  	v0 =	vbroadcast v0, $0x0;
	_ =	sdelay $0x4  }
0x33e: {  	v1, _, _ =	vpop (xrf2)  }
0x33f: {  	[tilespmem:v0+s23+$0x0] =	vst.idx.msk vm0, v1  }
0x340: {  	v0 =	vld [tilespmem:s31+$0xFFFFFE90]  }
0x341: {  	v1 =	vld [tilespmem:s30+$0xFFFFFE80]  }
0x342: {  	v2 =	vld [tilespmem:s30+$0xFFFFFE90]  }
0x343: {  	v3 =	vld [tilespmem:s31+$0xFFFFFE80]  }
0x344: {  	v4 =	vld [tilespmem:s31+$0xFFFFFEA0]  }
0x345: {  	v5 =	vld [tilespmem:s30+$0xFFFFFEA0]  }
0x346: {  	v6 =	vld [tilespmem:s31+$0xFFFFFEB0]  }
0x347: {  	v0 =	vmul.f32 v0, v2;
	v2 =	vld [tilespmem:s30+$0xFFFFFEB0]  }
0x348: {  	v1 =	vmul.f32 v3, v1;
	v3 =	vld [tilespmem:s31+$0xFFFFFEC0]  }
0x349: {  	v7 =	vld [tilespmem:s30+$0xFFFFFEC0]  }
0x34a: {  	v0 =	vadd.f32 v0, v1;
	v1 =	vmul.f32 v4, v5;
	v4 =	vld [tilespmem:s31+$0xFFFFFED0]  }
0x34b: {  	v5 =	vld [tilespmem:s30+$0xFFFFFED0]  }
0x34c: {  	v0 =	vadd.f32 v1, v0;
	v1 =	vmul.f32 v6, v2;
	v2 =	vld [tilespmem:s31+$0xFFFFFEE0]  }
0x34d: {  	v6 =	vld [tilespmem:s30+$0xFFFFFEE0]  }
0x34e: {  	v0 =	vadd.f32 v1, v0;
	v1 =	vmul.f32 v3, v7;
	v3 =	vld [tilespmem:s31+$0xFFFFFEF0]  }
0x34f: {  	v7 =	vld [tilespmem:s30+$0xFFFFFEF0]  }
0x350: {  	v0 =	vadd.f32 v1, v0;
	v1 =	vmul.f32 v4, v5;
	_ =	sdelay $0x1  }
0x351: {  	v0 =	vadd.f32 v1, v0;
	v1 =	vmul.f32 v2, v6;
	_ =	sdelay $0x1  }
0x352: {  	v0 =	vadd.f32 v1, v0;
	v1 =	vmul.f32 v3, v7;
	_ =	sdelay $0x1  }
0x353: {  	v0 =	vadd.f32 v1, v0;
	_ =	sdelay $0x1  }
0x354: {  	(xrf2) =	vadd.scan.msk.f32 $0xffff, v0;
	_ =	sdelay $0x1  }
0x355: {  	s14 =	sadd.s32 $0xFFFFFFFA, s2  }
0x356: {  	v0 =	vmov s14  }
0x357: {  	v0 =	vand.u32 $0xFFFFFFF9, v0  }
0x358: {  	v0 =	vbroadcast v0, $0x0;
	_ =	sdelay $0x4  }
0x359: {  	v1, _, _ =	vpop (xrf2)  }
0x35a: {  	[tilespmem:v0+s23+$0x0] =	vst.idx.msk vm0, v1  }
0x35b: {  	v0 =	vld [tilespmem:s30+$0xFFFFFF00]  }
0x35c: {  	v1 =	vld [tilespmem:s31+$0xFFFFFF00]  }
0x35d: {  	v2 =	vld [tilespmem:s30+$0xFFFFFF10]  }
0x35e: {  	v3 =	vld [tilespmem:s31+$0xFFFFFF10]  }
0x35f: {  	v4 =	vld [tilespmem:s30+$0xFFFFFF20]  }
0x360: {  	v5 =	vld [tilespmem:s31+$0xFFFFFF20]  }
0x361: {  	v0 =	vmul.f32 v1, v0;
	v1 =	vld [tilespmem:s30+$0xFFFFFF30]  }
0x362: {  	v6 =	vld [tilespmem:s31+$0xFFFFFF30]  }
0x363: {  	v2 =	vmul.f32 v3, v2;
	v3 =	vld [tilespmem:s31+$0xFFFFFF40]  }
0x364: {  	v7 =	vld [tilespmem:s30+$0xFFFFFF40]  }
0x365: {  	v0 =	vadd.f32 v2, v0;
	v2 =	vmul.f32 v5, v4;
	v4 =	vld [tilespmem:s31+$0xFFFFFF50]  }
0x366: {  	v5 =	vld [tilespmem:s30+$0xFFFFFF50]  }
0x367: {  	v0 =	vadd.f32 v2, v0;
	v1 =	vmul.f32 v6, v1;
	v2 =	vld [tilespmem:s31+$0xFFFFFF60]  }
0x368: {  	v6 =	vld [tilespmem:s30+$0xFFFFFF60]  }
0x369: {  	v0 =	vadd.f32 v1, v0;
	v1 =	vmul.f32 v3, v7;
	v3 =	vld [tilespmem:s31+$0xFFFFFF70]  }
0x36a: {  	v7 =	vld [tilespmem:s30+$0xFFFFFF70]  }
0x36b: {  	v0 =	vadd.f32 v1, v0;
	v1 =	vmul.f32 v4, v5;
	_ =	sdelay $0x1  }
0x36c: {  	v0 =	vadd.f32 v1, v0;
	v1 =	vmul.f32 v2, v6;
	_ =	sdelay $0x1  }
0x36d: {  	v0 =	vadd.f32 v1, v0;
	v1 =	vmul.f32 v3, v7;
	_ =	sdelay $0x1  }
0x36e: {  	v0 =	vadd.f32 v1, v0;
	_ =	sdelay $0x1  }
0x36f: {  	(xrf2) =	vadd.scan.msk.f32 $0xffff, v0;
	_ =	sdelay $0x1  }
0x370: {  	s14 =	sadd.s32 $0xFFFFFFFB, s2  }
0x371: {  	v0 =	vmov s14  }
0x372: {  	v0 =	vand.u32 $0xFFFFFFFA, v0  }
0x373: {  	v0 =	vbroadcast v0, $0x0;
	_ =	sdelay $0x4  }
0x374: {  	v1, _, _ =	vpop (xrf2)  }
0x375: {  	[tilespmem:v0+s23+$0x0] =	vst.idx.msk vm0, v1  }
0x376: {  	v0 =	vld [tilespmem:s31+$0xFFFFFF90]  }
0x377: {  	v1 =	vld [tilespmem:s30+$0xFFFFFF80]  }
0x378: {  	v2 =	vld [tilespmem:s31+$0xFFFFFF80]  }
0x379: {  	v3 =	vld [tilespmem:s30+$0xFFFFFF90]  }
0x37a: {  	v4 =	vld [tilespmem:s30+$0xFFFFFFA0]  }
0x37b: {  	v5 =	vld [tilespmem:s31+$0xFFFFFFA0]  }
0x37c: {  	v6 =	vld [tilespmem:s31+$0xFFFFFFB0]  }
0x37d: {  	v1 =	vmul.f32 v2, v1;
	v2 =	vld [tilespmem:s30+$0xFFFFFFB0]  }
0x37e: {  	v0 =	vmul.f32 v0, v3;
	v3 =	vld [tilespmem:s31+$0xFFFFFFC0]  }
0x37f: {  	v7 =	vld [tilespmem:s30+$0xFFFFFFC0]  }
0x380: {  	v0 =	vadd.f32 v0, v1;
	v1 =	vmul.f32 v5, v4;
	v4 =	vld [tilespmem:s31+$0xFFFFFFD0]  }
0x381: {  	v5 =	vld [tilespmem:s30+$0xFFFFFFD0]  }
0x382: {  	v0 =	vadd.f32 v1, v0;
	v1 =	vmul.f32 v6, v2;
	v2 =	vld [tilespmem:s31+$0xFFFFFFE0]  }
0x383: {  	v6 =	vld [tilespmem:s30+$0xFFFFFFE0]  }
0x384: {  	v0 =	vadd.f32 v1, v0;
	v1 =	vmul.f32 v3, v7;
	v3 =	vld [tilespmem:s31+$0xFFFFFFF0]  }
0x385: {  	v7 =	vld [tilespmem:s30+$0xFFFFFFF0]  }
0x386: {  	v0 =	vadd.f32 v1, v0;
	v1 =	vmul.f32 v4, v5;
	_ =	sdelay $0x1  }
0x387: {  	v0 =	vadd.f32 v1, v0;
	v1 =	vmul.f32 v2, v6;
	_ =	sdelay $0x1  }
0x388: {  	v0 =	vadd.f32 v1, v0;
	v1 =	vmul.f32 v3, v7;
	_ =	sdelay $0x1  }
0x389: {  	v0 =	vadd.f32 v1, v0;
	_ =	sdelay $0x1  }
0x38a: {  	(xrf2) =	vadd.scan.msk.f32 $0xffff, v0;
	_ =	sdelay $0x1  }
0x38b: {  	s14 =	sadd.s32 $0xFFFFFFFC, s2  }
0x38c: {  	v0 =	vmov s14  }
0x38d: {  	v0 =	vand.u32 $0xFFFFFFFB, v0  }
0x38e: {  	v0 =	vbroadcast v0, $0x0;
	_ =	sdelay $0x4  }
0x38f: {  	v1, _, _ =	vpop (xrf2)  }
0x390: {  	[tilespmem:v0+s23+$0x0] =	vst.idx.msk vm0, v1  }
0x391: {  	v0 =	vld [tilespmem:s31+$0x10]  }
0x392: {  	v1 =	vld [tilespmem:s30+$0x0]  }
0x393: {  	v2 =	vld [tilespmem:s31+$0x0]  }
0x394: {  	v3 =	vld [tilespmem:s30+$0x10]  }
0x395: {  	v4 =	vld [tilespmem:s31+$0x20]  }
0x396: {  	v5 =	vld [tilespmem:s30+$0x20]  }
0x397: {  	v6 =	vld [tilespmem:s31+$0x30]  }
0x398: {  	v1 =	vmul.f32 v2, v1;
	v2 =	vld [tilespmem:s30+$0x30]  }
0x399: {  	v0 =	vmul.f32 v0, v3;
	v3 =	vld [tilespmem:s31+$0x40]  }
0x39a: {  	v7 =	vld [tilespmem:s30+$0x40]  }
0x39b: {  	v0 =	vadd.f32 v0, v1;
	v1 =	vmul.f32 v4, v5;
	v4 =	vld [tilespmem:s31+$0x50]  }
0x39c: {  	v5 =	vld [tilespmem:s30+$0x50]  }
0x39d: {  	v0 =	vadd.f32 v1, v0;
	v1 =	vmul.f32 v6, v2;
	v2 =	vld [tilespmem:s31+$0x60]  }
0x39e: {  	v6 =	vld [tilespmem:s30+$0x60]  }
0x39f: {  	v0 =	vadd.f32 v1, v0;
	v1 =	vmul.f32 v3, v7;
	v3 =	vld [tilespmem:s31+$0x70]  }
0x3a0: {  	v7 =	vld [tilespmem:s30+$0x70]  }
0x3a1: {  	v0 =	vadd.f32 v1, v0;
	v1 =	vmul.f32 v4, v5;
	_ =	sdelay $0x1  }
0x3a2: {  	v0 =	vadd.f32 v1, v0;
	v1 =	vmul.f32 v2, v6;
	_ =	sdelay $0x1  }
0x3a3: {  	v0 =	vadd.f32 v1, v0;
	v1 =	vmul.f32 v3, v7;
	_ =	sdelay $0x1  }
0x3a4: {  	v0 =	vadd.f32 v1, v0;
	_ =	sdelay $0x1  }
0x3a5: {  	(xrf2) =	vadd.scan.msk.f32 $0xffff, v0;
	_ =	sdelay $0x1  }
0x3a6: {  	s14 =	sadd.s32 $0xFFFFFFFD, s2  }
0x3a7: {  	v0 =	vmov s14  }
0x3a8: {  	v0 =	vand.u32 $0xFFFFFFFC, v0  }
0x3a9: {  	v0 =	vbroadcast v0, $0x0;
	_ =	sdelay $0x4  }
0x3aa: {  	v1, _, _ =	vpop (xrf2)  }
0x3ab: {  	[tilespmem:v0+s23+$0x0] =	vst.idx.msk vm0, v1  }
0x3ac: {  	v0 =	vld [tilespmem:s31+$0x80]  }
0x3ad: {  	v1 =	vld [tilespmem:s30+$0x80]  }
0x3ae: {  	v2 =	vld [tilespmem:s31+$0x90]  }
0x3af: {  	v3 =	vld [tilespmem:s30+$0x90]  }
0x3b0: {  	v4 =	vld [tilespmem:s30+$0xA0]  }
0x3b1: {  	v5 =	vld [tilespmem:s31+$0xA0]  }
0x3b2: {  	v0 =	vmul.f32 v0, v1;
	v1 =	vld [tilespmem:s30+$0xB0]  }
0x3b3: {  	v6 =	vld [tilespmem:s31+$0xB0]  }
0x3b4: {  	v2 =	vmul.f32 v2, v3;
	v3 =	vld [tilespmem:s30+$0xC0]  }
0x3b5: {  	v7 =	vld [tilespmem:s31+$0xC0]  }
0x3b6: {  	v0 =	vadd.f32 v2, v0;
	v2 =	vmul.f32 v5, v4;
	v4 =	vld [tilespmem:s30+$0xD0]  }
0x3b7: {  	v5 =	vld [tilespmem:s31+$0xD0]  }
0x3b8: {  	v0 =	vadd.f32 v2, v0;
	v1 =	vmul.f32 v6, v1;
	v2 =	vld [tilespmem:s30+$0xE0]  }
0x3b9: {  	v6 =	vld [tilespmem:s31+$0xE0]  }
0x3ba: {  	v0 =	vadd.f32 v1, v0;
	v1 =	vmul.f32 v7, v3;
	v3 =	vld [tilespmem:s30+$0xF0]  }
0x3bb: {  	v7 =	vld [tilespmem:s31+$0xF0]  }
0x3bc: {  	v0 =	vadd.f32 v1, v0;
	v1 =	vmul.f32 v5, v4;
	_ =	sdelay $0x1  }
0x3bd: {  	v0 =	vadd.f32 v1, v0;
	v1 =	vmul.f32 v6, v2;
	_ =	sdelay $0x1  }
0x3be: {  	v0 =	vadd.f32 v1, v0;
	v1 =	vmul.f32 v7, v3;
	_ =	sdelay $0x1  }
0x3bf: {  	v0 =	vadd.f32 v1, v0;
	_ =	sdelay $0x1  }
0x3c0: {  	(xrf2) =	vadd.scan.msk.f32 $0xffff, v0;
	_ =	sdelay $0x1  }
0x3c1: {  	s14 =	sadd.s32 $0xFFFFFFFE, s2  }
0x3c2: {  	v0 =	vmov s14  }
0x3c3: {  	v0 =	vand.u32 $0xFFFFFFFD, v0  }
0x3c4: {  	v0 =	vbroadcast v0, $0x0;
	_ =	sdelay $0x4  }
0x3c5: {  	v1, _, _ =	vpop (xrf2)  }
0x3c6: {  	[tilespmem:v0+s23+$0x0] =	vst.idx.msk vm0, v1  }
0x3c7: {  	v0 =	vld [tilespmem:s30+$0x100]  }
0x3c8: {  	v1 =	vld [tilespmem:s31+$0x100]  }
0x3c9: {  	v2 =	vld [tilespmem:s31+$0x110]  }
0x3ca: {  	v3 =	vld [tilespmem:s30+$0x110]  }
0x3cb: {  	v4 =	vld [tilespmem:s30+$0x120]  }
0x3cc: {  	v5 =	vld [tilespmem:s31+$0x120]  }
0x3cd: {  	v0 =	vmul.f32 v1, v0;
	v1 =	vld [tilespmem:s30+$0x130]  }
0x3ce: {  	v6 =	vld [tilespmem:s31+$0x130]  }
0x3cf: {  	v2 =	vmul.f32 v2, v3;
	v3 =	vld [tilespmem:s30+$0x140]  }
0x3d0: {  	v7 =	vld [tilespmem:s31+$0x140]  }
0x3d1: {  	v0 =	vadd.f32 v2, v0;
	v2 =	vmul.f32 v5, v4;
	v4 =	vld [tilespmem:s30+$0x150]  }
0x3d2: {  	v5 =	vld [tilespmem:s31+$0x150]  }
0x3d3: {  	v0 =	vadd.f32 v2, v0;
	v1 =	vmul.f32 v6, v1;
	v2 =	vld [tilespmem:s30+$0x160]  }
0x3d4: {  	v6 =	vld [tilespmem:s31+$0x160]  }
0x3d5: {  	v0 =	vadd.f32 v1, v0;
	v1 =	vmul.f32 v7, v3;
	v3 =	vld [tilespmem:s30+$0x170]  }
0x3d6: {  	v7 =	vld [tilespmem:s31+$0x170]  }
0x3d7: {  	v0 =	vadd.f32 v1, v0;
	v1 =	vmul.f32 v5, v4;
	_ =	sdelay $0x1  }
0x3d8: {  	v0 =	vadd.f32 v1, v0;
	v1 =	vmul.f32 v6, v2;
	_ =	sdelay $0x1  }
0x3d9: {  	v0 =	vadd.f32 v1, v0;
	v1 =	vmul.f32 v7, v3;
	_ =	sdelay $0x1  }
0x3da: {  	v0 =	vadd.f32 v1, v0;
	_ =	sdelay $0x1  }
0x3db: {  	(xrf2) =	vadd.scan.msk.f32 $0xffff, v0;
	_ =	sdelay $0x1  }
0x3dc: {  	s14 =	sadd.s32 $0xFFFFFFFF, s2  }
0x3dd: {  	v0 =	vmov s14  }
0x3de: {  	v0 =	vand.u32 $0xFFFFFFFE, v0  }
0x3df: {  	v0 =	vbroadcast v0, $0x0;
	_ =	sdelay $0x4  }
0x3e0: {  	v1, _, _ =	vpop (xrf2)  }
0x3e1: {  	[tilespmem:v0+s23+$0x0] =	vst.idx.msk vm0, v1  }
0x3e2: {  	v0 =	vld [tilespmem:s30+$0x1A0]  }
0x3e3: {  	v2 =	vld [tilespmem:s31+$0x1A0]  }
0x3e4: {  	v3 =	vld [tilespmem:s30+$0x180]  }
0x3e5: {  	v4 =	vld [tilespmem:s31+$0x190]  }
0x3e6: {  	v5 =	vld [tilespmem:s30+$0x190]  }
0x3e7: {  	v6 =	vld [tilespmem:s31+$0x180]  }
0x3e8: {  	v9 =	vld [tilespmem:s30+$0x1B0]  }
0x3e9: {  	v10 =	vld [tilespmem:s31+$0x1B0]  }
0x3ea: {  	v1 =	vld [tilespmem:s30+$0x1C0]  }
.Ltmp3:
0x3eb: {  	v7 =	vmul.f32 v2, v0;
	v5 =	vmul.f32 v4, v5;
	v4 =	vld [tilespmem:s31+$0x1C0];
	(pc) =	sbr.rel @p0 .LBB2_5-.Ltmp3, $4  }
0x3ec: {  	v2 =	vmul.f32 v6, v3;
	v0 =	vld [tilespmem:s30+$0x1D0]  }
0x3ed: {  	v3 =	vld [tilespmem:s31+$0x1D0]  }
0x3ee: {  	v8 =	vadd.f32 v5, v2;
	v6 =	vmul.f32 v10, v9;
	v2 =	vld [tilespmem:s30+$0x1E0]  }
0x3ef: {  	v5 =	vld [tilespmem:s31+$0x1E0]  }
0x3f0: {  	v7 =	vadd.f32 v7, v8;
	_ =	sdelay $0x1  }
0x3f1: {  	v25 =	vld [tilespmem:s30+$0x1F0];
	v1 =	vmul.f32 v4, v1;
	v26 =	vadd.f32 v6, v7  }
0x3f2: {  	v27 =	vld [tilespmem:s0+$0x1F0]  }
0x3f3: {  	v0 =	vmul.f32 v3, v0;
	v1 =	vadd.f32 v1, v26;
	_ =	sdelay $0x1  }
0x3f4: {  	v2 =	vmul.f32 v5, v2;
	v0 =	vadd.f32 v0, v1;
	_ =	sdelay $0x1  }
0x3f5: {  	v28 =	vmul.f32 v27, v25;
	v0 =	vadd.f32 v2, v0;
	_ =	sdelay $0x1  }
0x3f6: {  	v0 =	vadd.f32 v28, v0;
	_ =	sdelay $0x1  }
0x3f7: {  	(xrf2) =	vadd.scan.msk.f32 $0xffff, v0;
	_ =	sdelay $0x5  }
0x3f8: {  	v29 =	vmov s2;
	_ =	sdelay $0x3  }
0x3f9: {  	v30, _, _ =	vpop (xrf2)  }
0x3fa: {  	[tilespmem:v29+s23+$0x0] =	vst.idx.msk vm0, v30  }
0x3fb: {  	v0 =	vld [tilespmem:$0x1E000];
	_ =	sdelay $0x4  }
0x3fc: {  	v0 =	vsub.f32 $0.0e+00, v0;
	_ =	sdelay $0x1  }
0x3fd: {  	v0 =	vmul.f32 $1.442695020e+00, v0;
	_ =	sdelay $0x1  }
0x3fe: {  	(erf) = vpow2.f32 v0;
	_ =	sdelay $0x3  }
0x3ff: {  	v31 =	vld [tilespmem:$0x1E010];
	_ =	sdelay $0x4  }
0x400: {  	v0 =	vsub.f32 $0.0e+00, v31;
	v32 =	vpop (erf)  }
0x401: {  	v1 =	vadd.f32 $1.000000000e+00, v32  }
0x402: {  	v0 =	vmul.f32 $1.442695020e+00, v0  }
0x403: {  	(erf) = vrcp.f32 v1  }
0x404: {  	(erf) = vpow2.f32 v0;
	_ =	sdelay $0x3  }
0x405: {  	v33 =	vld [tilespmem:$0x1E020];
	_ =	sdelay $0x3  }
0x406: {  	v1 =	vpop (erf)  }
0x407: {  	v0 =	vsub.f32 $0.0e+00, v33;
	v34 =	vpop (erf)  }
0x408: {  	v2 =	vadd.f32 $1.000000000e+00, v34  }
0x409: {  	v0 =	vmul.f32 $1.442695020e+00, v0  }
0x40a: {  	(erf) = vrcp.f32 v2  }
0x40b: {  	(erf) = vpow2.f32 v0;
	_ =	sdelay $0x3  }
0x40c: {  	v35 =	vld [tilespmem:$0x1E030];
	_ =	sdelay $0x3  }
0x40d: {  	v2 =	vpop (erf)  }
0x40e: {  	v0 =	vsub.f32 $0.0e+00, v35;
	v36 =	vpop (erf)  }
0x40f: {  	v3 =	vadd.f32 $1.000000000e+00, v36  }
0x410: {  	v0 =	vmul.f32 $1.442695020e+00, v0  }
0x411: {  	(erf) = vrcp.f32 v3  }
0x412: {  	(erf) = vpow2.f32 v0;
	_ =	sdelay $0x3  }
0x413: {  	v37 =	vld [tilespmem:$0x1E040];
	_ =	sdelay $0x3  }
0x414: {  	v3 =	vpop (erf)  }
0x415: {  	v0 =	vsub.f32 $0.0e+00, v37;
	v38 =	vpop (erf)  }
0x416: {  	v4 =	vadd.f32 $1.000000000e+00, v38  }
0x417: {  	v0 =	vmul.f32 $1.442695020e+00, v0  }
0x418: {  	(erf) = vrcp.f32 v4  }
0x419: {  	(erf) = vpow2.f32 v0;
	_ =	sdelay $0x3  }
0x41a: {  	v39 =	vld [tilespmem:$0x1E050];
	_ =	sdelay $0x3  }
0x41b: {  	v4 =	vpop (erf)  }
0x41c: {  	v0 =	vsub.f32 $0.0e+00, v39;
	v40 =	vpop (erf)  }
0x41d: {  	v5 =	vadd.f32 $1.000000000e+00, v40  }
0x41e: {  	v0 =	vmul.f32 $1.442695020e+00, v0  }
0x41f: {  	(erf) = vrcp.f32 v5  }
0x420: {  	(erf) = vpow2.f32 v0;
	_ =	sdelay $0x3  }
0x421: {  	v41 =	vld [tilespmem:$0x1E060];
	_ =	sdelay $0x3  }
0x422: {  	v5 =	vpop (erf)  }
0x423: {  	v0 =	vsub.f32 $0.0e+00, v41;
	v42 =	vpop (erf)  }
0x424: {  	v6 =	vadd.f32 $1.000000000e+00, v42  }
0x425: {  	v0 =	vmul.f32 $1.442695020e+00, v0  }
0x426: {  	(erf) = vrcp.f32 v6  }
0x427: {  	(erf) = vpow2.f32 v0;
	_ =	sdelay $0x3  }
0x428: {  	v43 =	vld [tilespmem:$0x1E070];
	_ =	sdelay $0x3  }
0x429: {  	v6 =	vpop (erf)  }
0x42a: {  	v0 =	vsub.f32 $0.0e+00, v43;
	v44 =	vpop (erf)  }
0x42b: {  	v7 =	vadd.f32 $1.000000000e+00, v44  }
0x42c: {  	v0 =	vmul.f32 $1.442695020e+00, v0  }
0x42d: {  	(erf) = vrcp.f32 v7  }
0x42e: {  	(erf) = vpow2.f32 v0;
	_ =	sdelay $0x3  }
0x42f: {  	v45 =	vld [tilespmem:$0x1E080];
	_ =	sdelay $0x3  }
0x430: {  	v7 =	vpop (erf)  }
0x431: {  	v0 =	vsub.f32 $0.0e+00, v45;
	v46 =	vpop (erf)  }
0x432: {  	v8 =	vadd.f32 $1.000000000e+00, v46  }
0x433: {  	v0 =	vmul.f32 $1.442695020e+00, v0  }
0x434: {  	(erf) = vrcp.f32 v8  }
0x435: {  	(erf) = vpow2.f32 v0;
	_ =	sdelay $0x3  }
0x436: {  	v47 =	vld [tilespmem:$0x1E090];
	_ =	sdelay $0x3  }
0x437: {  	v8 =	vpop (erf)  }
0x438: {  	v0 =	vsub.f32 $0.0e+00, v47;
	v9 =	vpop (erf)  }
0x439: {  	v9 =	vadd.f32 $1.000000000e+00, v9  }
0x43a: {  	v0 =	vmul.f32 $1.442695020e+00, v0  }
0x43b: {  	(erf) = vrcp.f32 v9  }
0x43c: {  	(erf) = vpow2.f32 v0;
	_ =	sdelay $0x3  }
0x43d: {  	v48 =	vld [tilespmem:$0x1E0A0];
	_ =	sdelay $0x3  }
0x43e: {  	v9 =	vpop (erf)  }
0x43f: {  	v0 =	vsub.f32 $0.0e+00, v48;
	v10 =	vpop (erf)  }
0x440: {  	v10 =	vadd.f32 $1.000000000e+00, v10  }
0x441: {  	v0 =	vmul.f32 $1.442695020e+00, v0  }
0x442: {  	(erf) = vrcp.f32 v10  }
0x443: {  	(erf) = vpow2.f32 v0;
	_ =	sdelay $0x3  }
0x444: {  	v49 =	vld [tilespmem:$0x1E0B0];
	_ =	sdelay $0x3  }
0x445: {  	v10 =	vpop (erf)  }
0x446: {  	v0 =	vsub.f32 $0.0e+00, v49;
	v11 =	vpop (erf)  }
0x447: {  	v11 =	vadd.f32 $1.000000000e+00, v11  }
0x448: {  	v0 =	vmul.f32 $1.442695020e+00, v0  }
0x449: {  	(erf) = vrcp.f32 v11  }
0x44a: {  	(erf) = vpow2.f32 v0;
	_ =	sdelay $0x3  }
0x44b: {  	v50 =	vld [tilespmem:$0x1E0C0];
	_ =	sdelay $0x3  }
0x44c: {  	v11 =	vpop (erf)  }
0x44d: {  	v0 =	vsub.f32 $0.0e+00, v50;
	v12 =	vpop (erf)  }
0x44e: {  	v12 =	vadd.f32 $1.000000000e+00, v12  }
0x44f: {  	v0 =	vmul.f32 $1.442695020e+00, v0  }
0x450: {  	(erf) = vrcp.f32 v12  }
0x451: {  	(erf) = vpow2.f32 v0;
	_ =	sdelay $0x7  }
0x452: {  	v51 =	vpop (erf)  }
0x453: {  	v52 =	vpop (erf)  }
0x454: {  	v1 =	vadd.f32 $1.000000000e-15, v1;
	v12 =	vadd.f32 $1.000000000e+00, v52  }
0x455: {  	v2 =	vadd.f32 $1.000000000e-15, v2  }
0x456: {  	[tilespmem:$0x1E000] =	vst v1;
	v53 =	vadd.f32 $1.000000000e-15, v3;
	(erf) = vrcp.f32 v12  }
0x457: {  	[tilespmem:$0x1E010] =	vst v2;
	v54 =	vadd.f32 $1.000000000e-15, v4  }
0x458: {  	[tilespmem:$0x1E020] =	vst v53;
	v55 =	vadd.f32 $1.000000000e-15, v5  }
0x459: {  	[tilespmem:$0x1E030] =	vst v54;
	v56 =	vadd.f32 $1.000000000e-15, v6  }
0x45a: {  	[tilespmem:$0x1E040] =	vst v55;
	v57 =	vadd.f32 $1.000000000e-15, v7  }
0x45b: {  	[tilespmem:$0x1E050] =	vst v56;
	v58 =	vadd.f32 $1.000000000e-15, v8  }
0x45c: {  	[tilespmem:$0x1E060] =	vst v57;
	v59 =	vadd.f32 $1.000000000e-15, v9  }
0x45d: {  	[tilespmem:$0x1E070] =	vst v58;
	v60 =	vadd.f32 $1.000000000e-15, v10  }
0x45e: {  	[tilespmem:$0x1E080] =	vst v59;
	v61 =	vadd.f32 $1.000000000e-15, v11  }
.Ltmp4:
0x45f: {  	[tilespmem:$0x1E090] =	vst v60;
	v0 =	vadd.f32 $1.000000000e-15, v51;
	v62 =	vpop (erf);
	(pc) =	sbr.rel @p1 .LBB2_8-.Ltmp4, $4  }
0x460: {  	s31 =	sadd.s32 s29, s8;
	[tilespmem:$0x1E0A0] =	vst v61;
	v63 =	vadd.f32 $1.000000000e-15, v62  }
0x461: {  	s0 =	sshrl.u32 s31, $0x3;
	[tilespmem:$0x1E0B0] =	vst v0  }
0x462: {  	s0 =	sadd.s32 s3, s0;
	[tilespmem:$0x1E0C0] =	vst v63  }
0x463: {  	[hbm4b:s0+s4] =	stream.linear.scatter [tilespmem:s23], [sflag:$0x6], $0xC8, $0x38;
	[tilespmem:$0x1E100] =	vst v63  }
.Ltmp5:
0x464: {  	(pc) =	sbr.rel .LBB2_2-.Ltmp5, $4  }
0x465: {  	s0 =	sadd.s32 $0x258, s29  }
0x466: {  	[tilespmem:s15], [sflag:$0x3] =	stream.indirect.gather [hbm4b:s1+s12], $0x80, s0, s12, $0xb8;
	[tilespmem:$0x1E100] =	vst v63  }
0x467: {  	s31 =	sadd.s32 $0x29D8, s29;
	s28 =	sadd.s32 $0x1, s28  }
0x468: {  	[tilespmem:s17], [sflag:$0x4] =	stream.indirect.gather [hbm4b:s1+s12], $0x80, s31, s12, $0xb8;
	[tilespmem:$0x1E100] =	vst v63  }
.LBB2_9:
0x469: {  	_ =	sfence.sel $0x180000  }
0x46a: {  	[bflag:$0x0] =	sbarrier.arrive $0xFFFF  }
0x46b: {  	_ =	strace $0x90000047  }
0x46c: {  	s0 =	stileid.u32;
	[bflag:$0x2] =	sbarrier.arrive $0xFFFF  }
0x46d: {  	p0 =	sne.s32 s0, $0x0;
	s0 =	rddreg [dreg:$0x4]  }
0x46e: {  	s0 =	sadd.s32 @!p0 $0x100000, s0  }
0x46f: {  	[sflag:s0] =	ssyncadd.tile.s32 @!p0 $0x1;
	_ =	shalt  }
.Lfunc_end2:
_tile_overlayer_lowered:
.L_overlay_start_2:
0x470: {  	(tag) =	ssettag $0x2  }
0x471: {  	s0 =	rddreg [dreg:$0x0];
	s2 =	stileid.u32  }
0x472: {  	s1 =	rddreg [dreg:$0x1];
	p0 =	sne.s32 s2, $0x0  }
0x473: {  	s3 =	rddreg [dreg:$0x2];
	[bflag:$0x3] =	sbarrier.arrive $0xFFFF;
	s2 =	simm.s32 @!p0 $0x1C07  }
0x474: {  	[timem:s3], [sflag:s2] =	dma.local @!p0 [hbm:s0], s1  }
0x475: {  	s0 =	simm.s32 @!p0 $0x7  }
0x476: {  	_ =	swait.ge @!p0 [sflag:s0], s1  }
0x477: {  	s1 =	ssub.s32 @!p0 $0x0, s1;
	[sflag:s0] =	ssyncset.done @!p0 $0x0  }
0x478: {  	[sflag:s0] =	ssyncadd.s32 @!p0 s1  }
0x479: {  	[bflag:$0x3] =	sbarrier.arrive $0xFFFF  }
0x47a: {  	_ =	shalt  }

</sc_bundles>
